<compile_context>
chip_gen: v7x
topology: tpu7x:2x2x1
jax: 0.10.2.dev20260603
libtpu: 0.0.44.dev20260713+nightly
codegen_flags: <defaults>
</compile_context>

<pallas_src>
import functools

import jax
import jax.numpy as jnp
from jax import lax
from jax.experimental import pallas as pl
from jax.experimental.pallas import tpu as pltpu
from jax.experimental.pallas import tpu_sc as plsc

N = 10000
E = 160000
D = 256
HALF = 128

NSUB = 16
EPT = E // NSUB
EPT_PAD = 10000
CH = 80
NCH = EPT_PAD // CH
HC = (NCH + 2) // 2
NPAD = 10240
NPT = NPAD // NSUB

_MESH = plsc.VectorSubcoreMesh(core_axis_name="c", subcore_axis_name="s")


@functools.partial(
    pl.kernel,
    mesh=_MESH,
    out_type=jax.ShapeDtypeStruct((2 * NPAD, HALF), jnp.float32),
    scratch_types=[
        pltpu.VMEM((2, CH), jnp.int32),
        pltpu.VMEM((2, CH), jnp.int32),
        pltpu.VMEM((2, CH), jnp.int32),
        pltpu.VMEM((CH, HALF), jnp.float32),
        pltpu.VMEM((CH, HALF), jnp.float32),
        pltpu.VMEM((CH, HALF), jnp.float32),
        pltpu.VMEM_SHARED((NPAD, HALF), jnp.float32),
        pltpu.SemaphoreType.DMA,
        pltpu.SemaphoreType.DMA,
        pltpu.SemaphoreType.DMA,
        pltpu.SemaphoreType.DMA,
        pltpu.SemaphoreType.DMA,
        pltpu.SemaphoreType.DMA,
    ],
)
def _segsum(
    x_hbm, e_hbm, z_hbm, out_hbm,
    i0, i1, i2, r0, r1, r2, acc, gi0, gi1, gi2, gr0, gr1, gr2,
):
    c = lax.axis_index("c")
    s = lax.axis_index("s")
    pltpu.sync_copy(z_hbm, acc.at[pl.ds(s * NPT, NPT)])
    plsc.subcore_barrier()

    def fire_idx(j, ib, sem):
        pltpu.async_copy(e_hbm.at[c, s, j], ib, sem)

    def wait_idx(ib, sem):
        pltpu.make_async_copy(e_hbm.at[c, s, 0], ib, sem).wait()

    def fire_gather(ib, rb, sem):
        pltpu.async_copy(x_hbm.at[ib.at[0]], rb, sem)

    def wait_gather(ib, rb, sem):
        pltpu.make_async_copy(x_hbm.at[ib.at[0]], rb, sem).wait()

    def scatter(ib, rb):
        pltpu.sync_copy(rb, acc.at[ib.at[1]], add=True)

    fire_idx(0, i0, gi0)
    fire_idx(1, i1, gi1)
    fire_idx(2, i2, gi2)
    wait_idx(i0, gi0)
    fire_gather(i0, r0, gr0)
    wait_idx(i1, gi1)
    fire_gather(i1, r1, gr1)

    def step(j, a, b, cc):
        ia, ra, gia, gra = a
        ic, rc, gic, grc = cc
        wait_gather(ia, ra, gra)
        wait_idx(ic, gic)
        fire_gather(ic, rc, grc)
        scatter(ia, ra)
        fire_idx(j + 3, ia, gia)

    b0 = (i0, r0, gi0, gr0)
    b1 = (i1, r1, gi1, gr1)
    b2 = (i2, r2, gi2, gr2)

    def triple(p, _):
        step(3 * p, b0, b1, b2)
        step(3 * p + 1, b1, b2, b0)
        step(3 * p + 2, b2, b0, b1)
        return 0

    lax.fori_loop(0, (NCH - 2) // 3, triple, 0)
    wait_gather(i0, r0, gr0)
    scatter(i0, r0)
    wait_gather(i1, r1, gr1)
    scatter(i1, r1)
    wait_idx(i2, gi2)
    plsc.subcore_barrier()
    pltpu.sync_copy(
        acc.at[pl.ds(s * NPT, NPT)], out_hbm.at[pl.ds(c * NPAD + s * NPT, NPT)]
    )


@functools.partial(
    pl.kernel,
    mesh=_MESH,
    out_type=jax.ShapeDtypeStruct((2 * NPAD, HALF), jnp.float32),
    scratch_types=[
        pltpu.VMEM((2 * HC, CH), jnp.int32),
        pltpu.VMEM((CH, HALF), jnp.float32),
        pltpu.VMEM_SHARED((NPAD, HALF), jnp.float32),
    ],
)
def _degree(dst_hbm, z_hbm, ones_hbm, out_hbm, didx, ones_v, acc):
    c = lax.axis_index("c")
    s = lax.axis_index("s")
    pltpu.sync_copy(z_hbm, acc.at[pl.ds(s * NPT, NPT)])
    pltpu.sync_copy(dst_hbm.at[s], didx)
    pltpu.sync_copy(ones_hbm, ones_v)
    plsc.subcore_barrier()
    base = c * HC

    def chunk(j, _):
        pltpu.sync_copy(ones_v, acc.at[didx.at[base + j]], add=True)
        return 0

    lax.fori_loop(0, HC, chunk, 0)
    plsc.subcore_barrier()
    pltpu.sync_copy(
        acc.at[pl.ds(s * NPT, NPT)], out_hbm.at[pl.ds(c * NPAD + s * NPT, NPT)]
    )


def _tc_layer(a, xs, deg2, Wl, Wr, b2, relu, split):
    R = 1000
    grid = (N // R,)

    def body(a_ref, x_ref, d_ref, wl_ref, wr_ref, b_ref, o_ref):
        d = d_ref[0][:, 0:1] + d_ref[1][:, 0:1]
        rd = 1.0 / jnp.maximum(d, 1.0)
        agg = jnp.concatenate([a_ref[0], a_ref[1]], axis=1) * rd
        xx = jnp.concatenate([x_ref[0], x_ref[1]], axis=1)
        h = (
            jnp.dot(agg, wl_ref[...], preferred_element_type=jnp.float32)
            + jnp.dot(xx, wr_ref[...], preferred_element_type=jnp.float32)
            + b_ref[...]
        )
        if relu:
            h = jnp.maximum(h, 0.0)
        if split:
            o_ref[0] = h[:, :HALF]
            o_ref[1] = h[:, HALF:]
        else:
            o_ref[...] = h

    in_specs = [
        pl.BlockSpec((2, R, HALF), lambda i: (0, i, 0)),
        pl.BlockSpec((2, R, HALF), lambda i: (0, i, 0)),
        pl.BlockSpec((2, R, HALF), lambda i: (0, i, 0)),
        pl.BlockSpec((D, D), lambda i: (0, 0)),
        pl.BlockSpec((D, D), lambda i: (0, 0)),
        pl.BlockSpec((1, D), lambda i: (0, 0)),
    ]
    if split:
        out_shape = jax.ShapeDtypeStruct((2, N, HALF), jnp.float32)
        out_spec = pl.BlockSpec((2, R, HALF), lambda i: (0, i, 0))
    else:
        out_shape = jax.ShapeDtypeStruct((N, D), jnp.float32)
        out_spec = pl.BlockSpec((R, D), lambda i: (i, 0))
    return pl.pallas_call(
        body,
        grid=grid,
        in_specs=in_specs,
        out_specs=out_spec,
        out_shape=out_shape,
    )(a, xs, deg2, Wl, Wr, b2)


def kernel(x, adj_t, Wl1, Wr1, b1, Wl2, Wr2, b2, Wl3, Wr3, b3):
    src = adj_t[0].astype(jnp.int32)
    dst = adj_t[1].astype(jnp.int32)
    src2 = jnp.pad(src.reshape(NSUB, EPT), ((0, 0), (0, EPT_PAD - EPT)))
    dst2 = jnp.pad(
        dst.reshape(NSUB, EPT), ((0, 0), (0, EPT_PAD - EPT)), constant_values=N
    )
    src3 = src2.reshape(NSUB, NCH, CH)
    dst3 = dst2.reshape(NSUB, NCH, CH)
    e = jnp.stack([
        jnp.stack([src3, dst3], axis=2),
        jnp.stack([src3 + N, dst3], axis=2),
    ])
    e = jnp.pad(e, ((0, 0), (0, 0), (0, 1), (0, 0), (0, 0)))
    dst3d = jnp.pad(dst3, ((0, 0), (0, 2 * HC - NCH), (0, 0)), constant_values=N)
    zrows = jnp.zeros((NPT, HALF), jnp.float32)
    ones128 = jnp.ones((CH, HALF), jnp.float32)

    deg2 = _degree(dst3d, zrows, ones128).reshape(2, NPAD, HALF)

    xs = jnp.stack([x[:, :HALF], x[:, HALF:]])
    h = xs
    layers = [(Wl1, Wr1, b1), (Wl2, Wr2, b2), (Wl3, Wr3, b3)]
    for li, (Wl, Wr, b) in enumerate(layers):
        a = _segsum(h.reshape(2 * N, HALF), e, zrows)
        a = a.reshape(2, NPAD, HALF)
        last = li == 2
        h = _tc_layer(
            a, h, deg2, Wl, Wr, b.reshape(1, D), relu=not last, split=not last
        )
    return h

# --- scband reference (transcript-rebuilt; emitter-appended) ---
"""Pipeline reference for scband-sage-60559038873642 (READ-ONLY COPY).

The authoritative reference and input builder live on the scoring server;
editing this copy changes nothing except your own understanding.
"""

import jax, jax.numpy as jnp
import numpy as np

N = 10000
E = 160000
D = 256
H = 256
O = 256


def sage_conv(x, src, dst, Wl, Wr, b):
    # PyG SAGEConv (aggr='mean'): out = lin_l(mean_{j in N(i)} x_j) + lin_r(x_i)
    n = x.shape[0]
    msgs = x[src]
    agg = jax.ops.segment_sum(msgs, dst, num_segments=n)
    deg = jax.ops.segment_sum(jnp.ones((src.shape[0],), x.dtype), dst, num_segments=n)
    agg = agg / jnp.clip(deg, 1.0, None)[:, None]
    return agg @ Wl + x @ Wr + b


def setup_inputs(seed: int = 0) -> dict:
    key = jax.random.key(seed)
    ks = jax.random.split(key, 12)
    x = jax.random.normal(ks[0], (N, D), dtype=jnp.float32)
    adj_t = jax.random.randint(ks[1], (2, E), 0, N)
    s = 1.0 / np.sqrt(D)
    sh = 1.0 / np.sqrt(H)
    Wl1 = jax.random.uniform(ks[2], (D, H), jnp.float32, -s, s)
    Wr1 = jax.random.uniform(ks[3], (D, H), jnp.float32, -s, s)
    b1 = jnp.zeros((H,), jnp.float32)
    Wl2 = jax.random.uniform(ks[4], (H, H), jnp.float32, -sh, sh)
    Wr2 = jax.random.uniform(ks[5], (H, H), jnp.float32, -sh, sh)
    b2 = jnp.zeros((H,), jnp.float32)
    Wl3 = jax.random.uniform(ks[6], (H, O), jnp.float32, -sh, sh)
    Wr3 = jax.random.uniform(ks[7], (H, O), jnp.float32, -sh, sh)
    b3 = jnp.zeros((O,), jnp.float32)
    return {"x": x, "adj_t": adj_t, "Wl1": Wl1, "Wr1": Wr1, "b1": b1,
            "Wl2": Wl2, "Wr2": Wr2, "b2": b2, "Wl3": Wl3, "Wr3": Wr3, "b3": b3}


def reference(x, adj_t, Wl1, Wr1, b1, Wl2, Wr2, b2, Wl3, Wr3, b3):
    src = adj_t[0]
    dst = adj_t[1]
    # layer 1 (norm_type='none', dropout p=0.0 -> identity)
    h = sage_conv(x, src, dst, Wl1, Wr1, b1)
    h = jax.nn.relu(h)
    # layer 2
    h = sage_conv(h, src, dst, Wl2, Wr2, b2)
    h = jax.nn.relu(h)
    # layer 3 (final, no activation)
    out = sage_conv(h, src, dst, Wl3, Wr3, b3)
    return out

if __name__ == "__main__":
    import jax
    _d = setup_inputs()
    print(jax.jit(kernel)(*tuple(_d.values())))

</pallas_src>

<mosaic_0001>
#map = affine_map<(d0, d1) -> (0, 0)>
#map1 = affine_map<(d0, d1) -> (0, 0, 0, 0, 0)>
module attributes {stable_mosaic.version = 14 : i64} {
  func.func @_segsum(%arg0: i32, %arg1: i32, %arg2: memref<20000x128xf32, #tpu.memory_space<hbm>>, %arg3: memref<2x16x126x2x80xi32, #tpu.memory_space<hbm>>, %arg4: memref<640x128xf32, #tpu.memory_space<hbm>>, %arg5: memref<20480x128xf32, #tpu.memory_space<hbm>>, %arg6: memref<2x80xi32, #tpu.memory_space<vmem>>, %arg7: memref<2x80xi32, #tpu.memory_space<vmem>>, %arg8: memref<2x80xi32, #tpu.memory_space<vmem>>, %arg9: memref<80x128xf32, #tpu.memory_space<vmem>>, %arg10: memref<80x128xf32, #tpu.memory_space<vmem>>, %arg11: memref<80x128xf32, #tpu.memory_space<vmem>>, %arg12: memref<10240x128xf32, #tpu.memory_space<vmem_shared>>, %arg13: memref<!tpu.dma_semaphore, #tpu.memory_space<semaphore_mem>>, %arg14: memref<!tpu.dma_semaphore, #tpu.memory_space<semaphore_mem>>, %arg15: memref<!tpu.dma_semaphore, #tpu.memory_space<semaphore_mem>>, %arg16: memref<!tpu.dma_semaphore, #tpu.memory_space<semaphore_mem>>, %arg17: memref<!tpu.dma_semaphore, #tpu.memory_space<semaphore_mem>>, %arg18: memref<!tpu.dma_semaphore, #tpu.memory_space<semaphore_mem>>) attributes {dimension_semantics = [#tpu.dimension_semantics<core_parallel>, #tpu.dimension_semantics<subcore_parallel>], iteration_bounds = array<i64: 2, 16>, scalar_prefetch = 0 : i64, scratch_operands = 13 : i64, tpu.core_type = #tpu.core_type<sc_vector_subcore>, window_params = [{transform_indices = #map}, {transform_indices = #map1}, {transform_indices = #map}, {transform_indices = #map}]} {
    %mul3A = arith.constant 640 : i32
    %mul3A_0 = arith.muli %arg1, %mul3A : i32
    "tpu.region"() ({
      %run_scoped3A_95 = tpu.sem_alloc : memref<!tpu.dma_semaphore, #tpu.memory_space<semaphore_mem>>
      %dma_start3A_96 = arith.constant 0 : i32
      %dma_start3A_97 = tpu.memref_slice %arg12[%mul3A_0, %dma_start3A_96] : memref<10240x128xf32, #tpu.memory_space<vmem_shared>> -> memref<640x128xf32, #tpu.memory_space<vmem_shared>>
      tpu.enqueue_dma source(%arg4 : memref<640x128xf32, #tpu.memory_space<hbm>>) target(%dma_start3A_97 : memref<640x128xf32, #tpu.memory_space<vmem_shared>>) target_semaphore(%run_scoped3A_95 : memref<!tpu.dma_semaphore, #tpu.memory_space<semaphore_mem>>)
      %dma_wait3A_98 = arith.constant 0 : i32
      %dma_wait3A_99 = tpu.memref_slice %arg12[%mul3A_0, %dma_wait3A_98] : memref<10240x128xf32, #tpu.memory_space<vmem_shared>> -> memref<640x128xf32, #tpu.memory_space<vmem_shared>>
      tpu.wait_dma2 semaphore(%run_scoped3A_95 : memref<!tpu.dma_semaphore, #tpu.memory_space<semaphore_mem>>) src(%arg4 : memref<640x128xf32, #tpu.memory_space<hbm>>) dst(%dma_wait3A_99 : memref<640x128xf32, #tpu.memory_space<vmem_shared>>)
      tpu.yield
    }) : () -> ()
    %barrier3A = arith.constant 0 : index
    tpu.barrier barrier_id(%barrier3A)
    %dma_start3A = arith.constant 0 : i32
    %dma_start3A_1 = arith.constant 0 : i32
    %dma_start3A_2 = arith.constant 0 : i32
    %dma_start3A_3 = tpu.memref_slice %arg3[%arg0, %arg1, %dma_start3A, %dma_start3A_1, %dma_start3A_2] : memref<2x16x126x2x80xi32, #tpu.memory_space<hbm>> -> memref<1x1x1x2x80xi32, #tpu.memory_space<hbm>>
    %dma_start3A_4 = tpu.memref_squeeze %dma_start3A_3 : memref<1x1x1x2x80xi32, #tpu.memory_space<hbm>> -> memref<2x80xi32, #tpu.memory_space<hbm>>
    %dma_start3A_5 = arith.constant 0 : i32
    %dma_start3A_6 = arith.constant 0 : i32
    %dma_start3A_7 = tpu.memref_slice %arg3[%arg0, %arg1, %dma_start3A, %dma_start3A_5, %dma_start3A_6] : memref<2x16x126x2x80xi32, #tpu.memory_space<hbm>> -> memref<1x1x1x2x80xi32, #tpu.memory_space<hbm>>
    %dma_start3A_8 = tpu.memref_squeeze %dma_start3A_7 : memref<1x1x1x2x80xi32, #tpu.memory_space<hbm>> -> memref<2x80xi32, #tpu.memory_space<hbm>>
    tpu.enqueue_dma source(%dma_start3A_8 : memref<2x80xi32, #tpu.memory_space<hbm>>) target(%arg6 : memref<2x80xi32, #tpu.memory_space<vmem>>) target_semaphore(%arg13 : memref<!tpu.dma_semaphore, #tpu.memory_space<semaphore_mem>>)
    %dma_start3A_9 = arith.constant 1 : i32
    %dma_start3A_10 = arith.constant 0 : i32
    %dma_start3A_11 = arith.constant 0 : i32
    %dma_start3A_12 = tpu.memref_slice %arg3[%arg0, %arg1, %dma_start3A_9, %dma_start3A_10, %dma_start3A_11] : memref<2x16x126x2x80xi32, #tpu.memory_space<hbm>> -> memref<1x1x1x2x80xi32, #tpu.memory_space<hbm>>
    %dma_start3A_13 = tpu.memref_squeeze %dma_start3A_12 : memref<1x1x1x2x80xi32, #tpu.memory_space<hbm>> -> memref<2x80xi32, #tpu.memory_space<hbm>>
    %dma_start3A_14 = arith.constant 0 : i32
    %dma_start3A_15 = arith.constant 0 : i32
    %dma_start3A_16 = tpu.memref_slice %arg3[%arg0, %arg1, %dma_start3A_9, %dma_start3A_14, %dma_start3A_15] : memref<2x16x126x2x80xi32, #tpu.memory_space<hbm>> -> memref<1x1x1x2x80xi32, #tpu.memory_space<hbm>>
    %dma_start3A_17 = tpu.memref_squeeze %dma_start3A_16 : memref<1x1x1x2x80xi32, #tpu.memory_space<hbm>> -> memref<2x80xi32, #tpu.memory_space<hbm>>
    tpu.enqueue_dma source(%dma_start3A_17 : memref<2x80xi32, #tpu.memory_space<hbm>>) target(%arg7 : memref<2x80xi32, #tpu.memory_space<vmem>>) target_semaphore(%arg14 : memref<!tpu.dma_semaphore, #tpu.memory_space<semaphore_mem>>)
    %dma_start3A_18 = arith.constant 2 : i32
    %dma_start3A_19 = arith.constant 0 : i32
    %dma_start3A_20 = arith.constant 0 : i32
    %dma_start3A_21 = tpu.memref_slice %arg3[%arg0, %arg1, %dma_start3A_18, %dma_start3A_19, %dma_start3A_20] : memref<2x16x126x2x80xi32, #tpu.memory_space<hbm>> -> memref<1x1x1x2x80xi32, #tpu.memory_space<hbm>>
    %dma_start3A_22 = tpu.memref_squeeze %dma_start3A_21 : memref<1x1x1x2x80xi32, #tpu.memory_space<hbm>> -> memref<2x80xi32, #tpu.memory_space<hbm>>
    %dma_start3A_23 = arith.constant 0 : i32
    %dma_start3A_24 = arith.constant 0 : i32
    %dma_start3A_25 = tpu.memref_slice %arg3[%arg0, %arg1, %dma_start3A_18, %dma_start3A_23, %dma_start3A_24] : memref<2x16x126x2x80xi32, #tpu.memory_space<hbm>> -> memref<1x1x1x2x80xi32, #tpu.memory_space<hbm>>
    %dma_start3A_26 = tpu.memref_squeeze %dma_start3A_25 : memref<1x1x1x2x80xi32, #tpu.memory_space<hbm>> -> memref<2x80xi32, #tpu.memory_space<hbm>>
    tpu.enqueue_dma source(%dma_start3A_26 : memref<2x80xi32, #tpu.memory_space<hbm>>) target(%arg8 : memref<2x80xi32, #tpu.memory_space<vmem>>) target_semaphore(%arg15 : memref<!tpu.dma_semaphore, #tpu.memory_space<semaphore_mem>>)
    %dma_wait3A = arith.constant 0 : i32
    %dma_wait3A_27 = arith.constant 0 : i32
    %dma_wait3A_28 = arith.constant 0 : i32
    %dma_wait3A_29 = tpu.memref_slice %arg3[%arg0, %arg1, %dma_wait3A, %dma_wait3A_27, %dma_wait3A_28] : memref<2x16x126x2x80xi32, #tpu.memory_space<hbm>> -> memref<1x1x1x2x80xi32, #tpu.memory_space<hbm>>
    %dma_wait3A_30 = tpu.memref_squeeze %dma_wait3A_29 : memref<1x1x1x2x80xi32, #tpu.memory_space<hbm>> -> memref<2x80xi32, #tpu.memory_space<hbm>>
    %dma_wait3A_31 = arith.constant 0 : i32
    %dma_wait3A_32 = arith.constant 0 : i32
    %dma_wait3A_33 = tpu.memref_slice %arg3[%arg0, %arg1, %dma_wait3A, %dma_wait3A_31, %dma_wait3A_32] : memref<2x16x126x2x80xi32, #tpu.memory_space<hbm>> -> memref<1x1x1x2x80xi32, #tpu.memory_space<hbm>>
    %dma_wait3A_34 = tpu.memref_squeeze %dma_wait3A_33 : memref<1x1x1x2x80xi32, #tpu.memory_space<hbm>> -> memref<2x80xi32, #tpu.memory_space<hbm>>
    tpu.wait_dma2 semaphore(%arg13 : memref<!tpu.dma_semaphore, #tpu.memory_space<semaphore_mem>>) src(%dma_wait3A_34 : memref<2x80xi32, #tpu.memory_space<hbm>>) dst(%arg6 : memref<2x80xi32, #tpu.memory_space<vmem>>)
    %dma_start3A_35 = arith.constant 0 : i32
    %dma_start3A_36 = arith.constant 0 : i32
    %dma_start3A_37 = tpu.memref_slice %arg6[%dma_start3A_35, %dma_start3A_36] : memref<2x80xi32, #tpu.memory_space<vmem>> -> memref<1x80xi32, #tpu.memory_space<vmem>>
    %dma_start3A_38 = tpu.memref_squeeze %dma_start3A_37 : memref<1x80xi32, #tpu.memory_space<vmem>> -> memref<80xi32, #tpu.memory_space<vmem>>
    %dma_start3A_39 = arith.constant 0 : i32
    %dma_start3A_40 = arith.constant 0 : i32
    %dma_start3A_41 = tpu.memref_slice %arg2[%dma_start3A_39, %dma_start3A_40] : memref<20000x128xf32, #tpu.memory_space<hbm>> -> memref<20000x128xf32, #tpu.memory_space<hbm>>
    tpu.enqueue_indirect_dma source(%dma_start3A_41 : memref<20000x128xf32, #tpu.memory_space<hbm>>) target(%arg9 : memref<80x128xf32, #tpu.memory_space<vmem>>) offsets(%dma_start3A_38 : memref<80xi32, #tpu.memory_space<vmem>>) semaphore(%arg16 : memref<!tpu.dma_semaphore, #tpu.memory_space<semaphore_mem>>)
    %dma_wait3A_42 = arith.constant 0 : i32
    %dma_wait3A_43 = arith.constant 0 : i32
    %dma_wait3A_44 = arith.constant 0 : i32
    %dma_wait3A_45 = tpu.memref_slice %arg3[%arg0, %arg1, %dma_wait3A_42, %dma_wait3A_43, %dma_wait3A_44] : memref<2x16x126x2x80xi32, #tpu.memory_space<hbm>> -> memref<1x1x1x2x80xi32, #tpu.memory_space<hbm>>
    %dma_wait3A_46 = tpu.memref_squeeze %dma_wait3A_45 : memref<1x1x1x2x80xi32, #tpu.memory_space<hbm>> -> memref<2x80xi32, #tpu.memory_space<hbm>>
    %dma_wait3A_47 = arith.constant 0 : i32
    %dma_wait3A_48 = arith.constant 0 : i32
    %dma_wait3A_49 = tpu.memref_slice %arg3[%arg0, %arg1, %dma_wait3A_42, %dma_wait3A_47, %dma_wait3A_48] : memref<2x16x126x2x80xi32, #tpu.memory_space<hbm>> -> memref<1x1x1x2x80xi32, #tpu.memory_space<hbm>>
    %dma_wait3A_50 = tpu.memref_squeeze %dma_wait3A_49 : memref<1x1x1x2x80xi32, #tpu.memory_space<hbm>> -> memref<2x80xi32, #tpu.memory_space<hbm>>
    tpu.wait_dma2 semaphore(%arg14 : memref<!tpu.dma_semaphore, #tpu.memory_space<semaphore_mem>>) src(%dma_wait3A_50 : memref<2x80xi32, #tpu.memory_space<hbm>>) dst(%arg7 : memref<2x80xi32, #tpu.memory_space<vmem>>)
    %dma_start3A_51 = arith.constant 0 : i32
    %dma_start3A_52 = arith.constant 0 : i32
    %dma_start3A_53 = tpu.memref_slice %arg7[%dma_start3A_51, %dma_start3A_52] : memref<2x80xi32, #tpu.memory_space<vmem>> -> memref<1x80xi32, #tpu.memory_space<vmem>>
    %dma_start3A_54 = tpu.memref_squeeze %dma_start3A_53 : memref<1x80xi32, #tpu.memory_space<vmem>> -> memref<80xi32, #tpu.memory_space<vmem>>
    %dma_start3A_55 = arith.constant 0 : i32
    %dma_start3A_56 = arith.constant 0 : i32
    %dma_start3A_57 = tpu.memref_slice %arg2[%dma_start3A_55, %dma_start3A_56] : memref<20000x128xf32, #tpu.memory_space<hbm>> -> memref<20000x128xf32, #tpu.memory_space<hbm>>
    tpu.enqueue_indirect_dma source(%dma_start3A_57 : memref<20000x128xf32, #tpu.memory_space<hbm>>) target(%arg10 : memref<80x128xf32, #tpu.memory_space<vmem>>) offsets(%dma_start3A_54 : memref<80xi32, #tpu.memory_space<vmem>>) semaphore(%arg17 : memref<!tpu.dma_semaphore, #tpu.memory_space<semaphore_mem>>)
    %scan3A = arith.constant 0 : i32
    %scan3A_58 = arith.constant 0 : i32
    %scan3A_59 = arith.constant 41 : i32
    %scan3A_60 = arith.addi %scan3A_58, %scan3A_59 : i32
    %scan3A_61 = arith.constant 1 : i32
    %scan3A_62 = scf.for %scan3A_95 = %scan3A_58 to %scan3A_60 step %scan3A_61 iter_args(%scan3A_96 = %scan3A) -> (i32)  : i32 {
      %mul3A_97 = arith.constant 3 : i32
      %mul3A_98 = arith.muli %mul3A_97, %scan3A_95 : i32
      %dma_wait3A_99 = arith.constant 0 : i32
      %dma_wait3A_100 = arith.constant 0 : i32
      %dma_wait3A_101 = tpu.memref_slice %arg6[%dma_wait3A_99, %dma_wait3A_100] : memref<2x80xi32, #tpu.memory_space<vmem>> -> memref<1x80xi32, #tpu.memory_space<vmem>>
      %dma_wait3A_102 = tpu.memref_squeeze %dma_wait3A_101 : memref<1x80xi32, #tpu.memory_space<vmem>> -> memref<80xi32, #tpu.memory_space<vmem>>
      %dma_wait3A_103 = arith.constant 0 : i32
      %dma_wait3A_104 = arith.constant 0 : i32
      %dma_wait3A_105 = tpu.memref_slice %arg2[%dma_wait3A_103, %dma_wait3A_104] : memref<20000x128xf32, #tpu.memory_space<hbm>> -> memref<20000x128xf32, #tpu.memory_space<hbm>>
      tpu.wait_indirect_dma semaphore(%arg16 : memref<!tpu.dma_semaphore, #tpu.memory_space<semaphore_mem>>) src(%dma_wait3A_105 : memref<20000x128xf32, #tpu.memory_space<hbm>>) dst(%arg9 : memref<80x128xf32, #tpu.memory_space<vmem>>)
      %dma_wait3A_106 = arith.constant 0 : i32
      %dma_wait3A_107 = arith.constant 0 : i32
      %dma_wait3A_108 = arith.constant 0 : i32
      %dma_wait3A_109 = tpu.memref_slice %arg3[%arg0, %arg1, %dma_wait3A_106, %dma_wait3A_107, %dma_wait3A_108] : memref<2x16x126x2x80xi32, #tpu.memory_space<hbm>> -> memref<1x1x1x2x80xi32, #tpu.memory_space<hbm>>
      %dma_wait3A_110 = tpu.memref_squeeze %dma_wait3A_109 : memref<1x1x1x2x80xi32, #tpu.memory_space<hbm>> -> memref<2x80xi32, #tpu.memory_space<hbm>>
      %dma_wait3A_111 = arith.constant 0 : i32
      %dma_wait3A_112 = arith.constant 0 : i32
      %dma_wait3A_113 = tpu.memref_slice %arg3[%arg0, %arg1, %dma_wait3A_106, %dma_wait3A_111, %dma_wait3A_112] : memref<2x16x126x2x80xi32, #tpu.memory_space<hbm>> -> memref<1x1x1x2x80xi32, #tpu.memory_space<hbm>>
      %dma_wait3A_114 = tpu.memref_squeeze %dma_wait3A_113 : memref<1x1x1x2x80xi32, #tpu.memory_space<hbm>> -> memref<2x80xi32, #tpu.memory_space<hbm>>
      tpu.wait_dma2 semaphore(%arg15 : memref<!tpu.dma_semaphore, #tpu.memory_space<semaphore_mem>>) src(%dma_wait3A_114 : memref<2x80xi32, #tpu.memory_space<hbm>>) dst(%arg8 : memref<2x80xi32, #tpu.memory_space<vmem>>)
      %dma_start3A_115 = arith.constant 0 : i32
      %dma_start3A_116 = arith.constant 0 : i32
      %dma_start3A_117 = tpu.memref_slice %arg8[%dma_start3A_115, %dma_start3A_116] : memref<2x80xi32, #tpu.memory_space<vmem>> -> memref<1x80xi32, #tpu.memory_space<vmem>>
      %dma_start3A_118 = tpu.memref_squeeze %dma_start3A_117 : memref<1x80xi32, #tpu.memory_space<vmem>> -> memref<80xi32, #tpu.memory_space<vmem>>
      %dma_start3A_119 = arith.constant 0 : i32
      %dma_start3A_120 = arith.constant 0 : i32
      %dma_start3A_121 = tpu.memref_slice %arg2[%dma_start3A_119, %dma_start3A_120] : memref<20000x128xf32, #tpu.memory_space<hbm>> -> memref<20000x128xf32, #tpu.memory_space<hbm>>
      tpu.enqueue_indirect_dma source(%dma_start3A_121 : memref<20000x128xf32, #tpu.memory_space<hbm>>) target(%arg11 : memref<80x128xf32, #tpu.memory_space<vmem>>) offsets(%dma_start3A_118 : memref<80xi32, #tpu.memory_space<vmem>>) semaphore(%arg18 : memref<!tpu.dma_semaphore, #tpu.memory_space<semaphore_mem>>)
      %run_scoped3A_122 = arith.constant 1 : i32
      "tpu.region"() ({
        %run_scoped3A_210 = tpu.sem_alloc : memref<!tpu.dma_semaphore, #tpu.memory_space<semaphore_mem>>
        %dma_start3A_211 = arith.constant 0 : i32
        %dma_start3A_212 = tpu.memref_slice %arg6[%run_scoped3A_122, %dma_start3A_211] : memref<2x80xi32, #tpu.memory_space<vmem>> -> memref<1x80xi32, #tpu.memory_space<vmem>>
        %dma_start3A_213 = tpu.memref_squeeze %dma_start3A_212 : memref<1x80xi32, #tpu.memory_space<vmem>> -> memref<80xi32, #tpu.memory_space<vmem>>
        %dma_start3A_214 = arith.constant 0 : i32
        %dma_start3A_215 = arith.constant 0 : i32
        %dma_start3A_216 = tpu.memref_slice %arg12[%dma_start3A_214, %dma_start3A_215] : memref<10240x128xf32, #tpu.memory_space<vmem_shared>> -> memref<10240x128xf32, #tpu.memory_space<vmem_shared>>
        tpu.enqueue_indirect_dma source(%arg9 : memref<80x128xf32, #tpu.memory_space<vmem>>) target(%dma_start3A_216 : memref<10240x128xf32, #tpu.memory_space<vmem_shared>>) offsets(%dma_start3A_213 : memref<80xi32, #tpu.memory_space<vmem>>) semaphore(%run_scoped3A_210 : memref<!tpu.dma_semaphore, #tpu.memory_space<semaphore_mem>>) {add = true}
        %dma_wait3A_217 = arith.constant 0 : i32
        %dma_wait3A_218 = tpu.memref_slice %arg6[%run_scoped3A_122, %dma_wait3A_217] : memref<2x80xi32, #tpu.memory_space<vmem>> -> memref<1x80xi32, #tpu.memory_space<vmem>>
        %dma_wait3A_219 = tpu.memref_squeeze %dma_wait3A_218 : memref<1x80xi32, #tpu.memory_space<vmem>> -> memref<80xi32, #tpu.memory_space<vmem>>
        %dma_wait3A_220 = arith.constant 0 : i32
        %dma_wait3A_221 = arith.constant 0 : i32
        %dma_wait3A_222 = tpu.memref_slice %arg12[%dma_wait3A_220, %dma_wait3A_221] : memref<10240x128xf32, #tpu.memory_space<vmem_shared>> -> memref<10240x128xf32, #tpu.memory_space<vmem_shared>>
        tpu.wait_indirect_dma semaphore(%run_scoped3A_210 : memref<!tpu.dma_semaphore, #tpu.memory_space<semaphore_mem>>) src(%arg9 : memref<80x128xf32, #tpu.memory_space<vmem>>) dst(%dma_wait3A_222 : memref<10240x128xf32, #tpu.memory_space<vmem_shared>>)
        tpu.yield
      }) : () -> ()
      %add3A_123 = arith.constant 3 : i32
      %add3A_124 = arith.addi %mul3A_98, %add3A_123 : i32
      %dma_start3A_125 = arith.constant 0 : i32
      %dma_start3A_126 = arith.constant 0 : i32
      %dma_start3A_127 = tpu.memref_slice %arg3[%arg0, %arg1, %add3A_124, %dma_start3A_125, %dma_start3A_126] : memref<2x16x126x2x80xi32, #tpu.memory_space<hbm>> -> memref<1x1x1x2x80xi32, #tpu.memory_space<hbm>>
      %dma_start3A_128 = tpu.memref_squeeze %dma_start3A_127 : memref<1x1x1x2x80xi32, #tpu.memory_space<hbm>> -> memref<2x80xi32, #tpu.memory_space<hbm>>
      %dma_start3A_129 = arith.constant 0 : i32
      %dma_start3A_130 = arith.constant 0 : i32
      %dma_start3A_131 = tpu.memref_slice %arg3[%arg0, %arg1, %add3A_124, %dma_start3A_129, %dma_start3A_130] : memref<2x16x126x2x80xi32, #tpu.memory_space<hbm>> -> memref<1x1x1x2x80xi32, #tpu.memory_space<hbm>>
      %dma_start3A_132 = tpu.memref_squeeze %dma_start3A_131 : memref<1x1x1x2x80xi32, #tpu.memory_space<hbm>> -> memref<2x80xi32, #tpu.memory_space<hbm>>
      tpu.enqueue_dma source(%dma_start3A_132 : memref<2x80xi32, #tpu.memory_space<hbm>>) target(%arg6 : memref<2x80xi32, #tpu.memory_space<vmem>>) target_semaphore(%arg13 : memref<!tpu.dma_semaphore, #tpu.memory_space<semaphore_mem>>)
      %mul3A_133 = arith.constant 3 : i32
      %mul3A_134 = arith.muli %mul3A_133, %scan3A_95 : i32
      %add3A_135 = arith.constant 1 : i32
      %add3A_136 = arith.addi %mul3A_134, %add3A_135 : i32
      %dma_wait3A_137 = arith.constant 0 : i32
      %dma_wait3A_138 = arith.constant 0 : i32
      %dma_wait3A_139 = tpu.memref_slice %arg7[%dma_wait3A_137, %dma_wait3A_138] : memref<2x80xi32, #tpu.memory_space<vmem>> -> memref<1x80xi32, #tpu.memory_space<vmem>>
      %dma_wait3A_140 = tpu.memref_squeeze %dma_wait3A_139 : memref<1x80xi32, #tpu.memory_space<vmem>> -> memref<80xi32, #tpu.memory_space<vmem>>
      %dma_wait3A_141 = arith.constant 0 : i32
      %dma_wait3A_142 = arith.constant 0 : i32
      %dma_wait3A_143 = tpu.memref_slice %arg2[%dma_wait3A_141, %dma_wait3A_142] : memref<20000x128xf32, #tpu.memory_space<hbm>> -> memref<20000x128xf32, #tpu.memory_space<hbm>>
      tpu.wait_indirect_dma semaphore(%arg17 : memref<!tpu.dma_semaphore, #tpu.memory_space<semaphore_mem>>) src(%dma_wait3A_143 : memref<20000x128xf32, #tpu.memory_space<hbm>>) dst(%arg10 : memref<80x128xf32, #tpu.memory_space<vmem>>)
      %dma_wait3A_144 = arith.constant 0 : i32
      %dma_wait3A_145 = arith.constant 0 : i32
      %dma_wait3A_146 = arith.constant 0 : i32
      %dma_wait3A_147 = tpu.memref_slice %arg3[%arg0, %arg1, %dma_wait3A_144, %dma_wait3A_145, %dma_wait3A_146] : memref<2x16x126x2x80xi32, #tpu.memory_space<hbm>> -> memref<1x1x1x2x80xi32, #tpu.memory_space<hbm>>
      %dma_wait3A_148 = tpu.memref_squeeze %dma_wait3A_147 : memref<1x1x1x2x80xi32, #tpu.memory_space<hbm>> -> memref<2x80xi32, #tpu.memory_space<hbm>>
      %dma_wait3A_149 = arith.constant 0 : i32
      %dma_wait3A_150 = arith.constant 0 : i32
      %dma_wait3A_151 = tpu.memref_slice %arg3[%arg0, %arg1, %dma_wait3A_144, %dma_wait3A_149, %dma_wait3A_150] : memref<2x16x126x2x80xi32, #tpu.memory_space<hbm>> -> memref<1x1x1x2x80xi32, #tpu.memory_space<hbm>>
      %dma_wait3A_152 = tpu.memref_squeeze %dma_wait3A_151 : memref<1x1x1x2x80xi32, #tpu.memory_space<hbm>> -> memref<2x80xi32, #tpu.memory_space<hbm>>
      tpu.wait_dma2 semaphore(%arg13 : memref<!tpu.dma_semaphore, #tpu.memory_space<semaphore_mem>>) src(%dma_wait3A_152 : memref<2x80xi32, #tpu.memory_space<hbm>>) dst(%arg6 : memref<2x80xi32, #tpu.memory_space<vmem>>)
      %dma_start3A_153 = arith.constant 0 : i32
      %dma_start3A_154 = arith.constant 0 : i32
      %dma_start3A_155 = tpu.memref_slice %arg6[%dma_start3A_153, %dma_start3A_154] : memref<2x80xi32, #tpu.memory_space<vmem>> -> memref<1x80xi32, #tpu.memory_space<vmem>>
      %dma_start3A_156 = tpu.memref_squeeze %dma_start3A_155 : memref<1x80xi32, #tpu.memory_space<vmem>> -> memref<80xi32, #tpu.memory_space<vmem>>
      %dma_start3A_157 = arith.constant 0 : i32
      %dma_start3A_158 = arith.constant 0 : i32
      %dma_start3A_159 = tpu.memref_slice %arg2[%dma_start3A_157, %dma_start3A_158] : memref<20000x128xf32, #tpu.memory_space<hbm>> -> memref<20000x128xf32, #tpu.memory_space<hbm>>
      tpu.enqueue_indirect_dma source(%dma_start3A_159 : memref<20000x128xf32, #tpu.memory_space<hbm>>) target(%arg9 : memref<80x128xf32, #tpu.memory_space<vmem>>) offsets(%dma_start3A_156 : memref<80xi32, #tpu.memory_space<vmem>>) semaphore(%arg16 : memref<!tpu.dma_semaphore, #tpu.memory_space<semaphore_mem>>)
      %run_scoped3A_160 = arith.constant 1 : i32
      "tpu.region"() ({
        %run_scoped3A_210 = tpu.sem_alloc : memref<!tpu.dma_semaphore, #tpu.memory_space<semaphore_mem>>
        %dma_start3A_211 = arith.constant 0 : i32
        %dma_start3A_212 = tpu.memref_slice %arg7[%run_scoped3A_160, %dma_start3A_211] : memref<2x80xi32, #tpu.memory_space<vmem>> -> memref<1x80xi32, #tpu.memory_space<vmem>>
        %dma_start3A_213 = tpu.memref_squeeze %dma_start3A_212 : memref<1x80xi32, #tpu.memory_space<vmem>> -> memref<80xi32, #tpu.memory_space<vmem>>
        %dma_start3A_214 = arith.constant 0 : i32
        %dma_start3A_215 = arith.constant 0 : i32
        %dma_start3A_216 = tpu.memref_slice %arg12[%dma_start3A_214, %dma_start3A_215] : memref<10240x128xf32, #tpu.memory_space<vmem_shared>> -> memref<10240x128xf32, #tpu.memory_space<vmem_shared>>
        tpu.enqueue_indirect_dma source(%arg10 : memref<80x128xf32, #tpu.memory_space<vmem>>) target(%dma_start3A_216 : memref<10240x128xf32, #tpu.memory_space<vmem_shared>>) offsets(%dma_start3A_213 : memref<80xi32, #tpu.memory_space<vmem>>) semaphore(%run_scoped3A_210 : memref<!tpu.dma_semaphore, #tpu.memory_space<semaphore_mem>>) {add = true}
        %dma_wait3A_217 = arith.constant 0 : i32
        %dma_wait3A_218 = tpu.memref_slice %arg7[%run_scoped3A_160, %dma_wait3A_217] : memref<2x80xi32, #tpu.memory_space<vmem>> -> memref<1x80xi32, #tpu.memory_space<vmem>>
        %dma_wait3A_219 = tpu.memref_squeeze %dma_wait3A_218 : memref<1x80xi32, #tpu.memory_space<vmem>> -> memref<80xi32, #tpu.memory_space<vmem>>
        %dma_wait3A_220 = arith.constant 0 : i32
        %dma_wait3A_221 = arith.constant 0 : i32
        %dma_wait3A_222 = tpu.memref_slice %arg12[%dma_wait3A_220, %dma_wait3A_221] : memref<10240x128xf32, #tpu.memory_space<vmem_shared>> -> memref<10240x128xf32, #tpu.memory_space<vmem_shared>>
        tpu.wait_indirect_dma semaphore(%run_scoped3A_210 : memref<!tpu.dma_semaphore, #tpu.memory_space<semaphore_mem>>) src(%arg10 : memref<80x128xf32, #tpu.memory_space<vmem>>) dst(%dma_wait3A_222 : memref<10240x128xf32, #tpu.memory_space<vmem_shared>>)
        tpu.yield
      }) : () -> ()
      %add3A_161 = arith.constant 3 : i32
      %add3A_162 = arith.addi %add3A_136, %add3A_161 : i32
      %dma_start3A_163 = arith.constant 0 : i32
      %dma_start3A_164 = arith.constant 0 : i32
      %dma_start3A_165 = tpu.memref_slice %arg3[%arg0, %arg1, %add3A_162, %dma_start3A_163, %dma_start3A_164] : memref<2x16x126x2x80xi32, #tpu.memory_space<hbm>> -> memref<1x1x1x2x80xi32, #tpu.memory_space<hbm>>
      %dma_start3A_166 = tpu.memref_squeeze %dma_start3A_165 : memref<1x1x1x2x80xi32, #tpu.memory_space<hbm>> -> memref<2x80xi32, #tpu.memory_space<hbm>>
      %dma_start3A_167 = arith.constant 0 : i32
      %dma_start3A_168 = arith.constant 0 : i32
      %dma_start3A_169 = tpu.memref_slice %arg3[%arg0, %arg1, %add3A_162, %dma_start3A_167, %dma_start3A_168] : memref<2x16x126x2x80xi32, #tpu.memory_space<hbm>> -> memref<1x1x1x2x80xi32, #tpu.memory_space<hbm>>
      %dma_start3A_170 = tpu.memref_squeeze %dma_start3A_169 : memref<1x1x1x2x80xi32, #tpu.memory_space<hbm>> -> memref<2x80xi32, #tpu.memory_space<hbm>>
      tpu.enqueue_dma source(%dma_start3A_170 : memref<2x80xi32, #tpu.memory_space<hbm>>) target(%arg7 : memref<2x80xi32, #tpu.memory_space<vmem>>) target_semaphore(%arg14 : memref<!tpu.dma_semaphore, #tpu.memory_space<semaphore_mem>>)
      %mul3A_171 = arith.constant 3 : i32
      %mul3A_172 = arith.muli %mul3A_171, %scan3A_95 : i32
      %add3A_173 = arith.constant 2 : i32
      %add3A_174 = arith.addi %mul3A_172, %add3A_173 : i32
      %dma_wait3A_175 = arith.constant 0 : i32
      %dma_wait3A_176 = arith.constant 0 : i32
      %dma_wait3A_177 = tpu.memref_slice %arg8[%dma_wait3A_175, %dma_wait3A_176] : memref<2x80xi32, #tpu.memory_space<vmem>> -> memref<1x80xi32, #tpu.memory_space<vmem>>
      %dma_wait3A_178 = tpu.memref_squeeze %dma_wait3A_177 : memref<1x80xi32, #tpu.memory_space<vmem>> -> memref<80xi32, #tpu.memory_space<vmem>>
      %dma_wait3A_179 = arith.constant 0 : i32
      %dma_wait3A_180 = arith.constant 0 : i32
      %dma_wait3A_181 = tpu.memref_slice %arg2[%dma_wait3A_179, %dma_wait3A_180] : memref<20000x128xf32, #tpu.memory_space<hbm>> -> memref<20000x128xf32, #tpu.memory_space<hbm>>
      tpu.wait_indirect_dma semaphore(%arg18 : memref<!tpu.dma_semaphore, #tpu.memory_space<semaphore_mem>>) src(%dma_wait3A_181 : memref<20000x128xf32, #tpu.memory_space<hbm>>) dst(%arg11 : memref<80x128xf32, #tpu.memory_space<vmem>>)
      %dma_wait3A_182 = arith.constant 0 : i32
      %dma_wait3A_183 = arith.constant 0 : i32
      %dma_wait3A_184 = arith.constant 0 : i32
      %dma_wait3A_185 = tpu.memref_slice %arg3[%arg0, %arg1, %dma_wait3A_182, %dma_wait3A_183, %dma_wait3A_184] : memref<2x16x126x2x80xi32, #tpu.memory_space<hbm>> -> memref<1x1x1x2x80xi32, #tpu.memory_space<hbm>>
      %dma_wait3A_186 = tpu.memref_squeeze %dma_wait3A_185 : memref<1x1x1x2x80xi32, #tpu.memory_space<hbm>> -> memref<2x80xi32, #tpu.memory_space<hbm>>
      %dma_wait3A_187 = arith.constant 0 : i32
      %dma_wait3A_188 = arith.constant 0 : i32
      %dma_wait3A_189 = tpu.memref_slice %arg3[%arg0, %arg1, %dma_wait3A_182, %dma_wait3A_187, %dma_wait3A_188] : memref<2x16x126x2x80xi32, #tpu.memory_space<hbm>> -> memref<1x1x1x2x80xi32, #tpu.memory_space<hbm>>
      %dma_wait3A_190 = tpu.memref_squeeze %dma_wait3A_189 : memref<1x1x1x2x80xi32, #tpu.memory_space<hbm>> -> memref<2x80xi32, #tpu.memory_space<hbm>>
      tpu.wait_dma2 semaphore(%arg14 : memref<!tpu.dma_semaphore, #tpu.memory_space<semaphore_mem>>) src(%dma_wait3A_190 : memref<2x80xi32, #tpu.memory_space<hbm>>) dst(%arg7 : memref<2x80xi32, #tpu.memory_space<vmem>>)
      %dma_start3A_191 = arith.constant 0 : i32
      %dma_start3A_192 = arith.constant 0 : i32
      %dma_start3A_193 = tpu.memref_slice %arg7[%dma_start3A_191, %dma_start3A_192] : memref<2x80xi32, #tpu.memory_space<vmem>> -> memref<1x80xi32, #tpu.memory_space<vmem>>
      %dma_start3A_194 = tpu.memref_squeeze %dma_start3A_193 : memref<1x80xi32, #tpu.memory_space<vmem>> -> memref<80xi32, #tpu.memory_space<vmem>>
      %dma_start3A_195 = arith.constant 0 : i32
      %dma_start3A_196 = arith.constant 0 : i32
      %dma_start3A_197 = tpu.memref_slice %arg2[%dma_start3A_195, %dma_start3A_196] : memref<20000x128xf32, #tpu.memory_space<hbm>> -> memref<20000x128xf32, #tpu.memory_space<hbm>>
      tpu.enqueue_indirect_dma source(%dma_start3A_197 : memref<20000x128xf32, #tpu.memory_space<hbm>>) target(%arg10 : memref<80x128xf32, #tpu.memory_space<vmem>>) offsets(%dma_start3A_194 : memref<80xi32, #tpu.memory_space<vmem>>) semaphore(%arg17 : memref<!tpu.dma_semaphore, #tpu.memory_space<semaphore_mem>>)
      %run_scoped3A_198 = arith.constant 1 : i32
      "tpu.region"() ({
        %run_scoped3A_210 = tpu.sem_alloc : memref<!tpu.dma_semaphore, #tpu.memory_space<semaphore_mem>>
        %dma_start3A_211 = arith.constant 0 : i32
        %dma_start3A_212 = tpu.memref_slice %arg8[%run_scoped3A_198, %dma_start3A_211] : memref<2x80xi32, #tpu.memory_space<vmem>> -> memref<1x80xi32, #tpu.memory_space<vmem>>
        %dma_start3A_213 = tpu.memref_squeeze %dma_start3A_212 : memref<1x80xi32, #tpu.memory_space<vmem>> -> memref<80xi32, #tpu.memory_space<vmem>>
        %dma_start3A_214 = arith.constant 0 : i32
        %dma_start3A_215 = arith.constant 0 : i32
        %dma_start3A_216 = tpu.memref_slice %arg12[%dma_start3A_214, %dma_start3A_215] : memref<10240x128xf32, #tpu.memory_space<vmem_shared>> -> memref<10240x128xf32, #tpu.memory_space<vmem_shared>>
        tpu.enqueue_indirect_dma source(%arg11 : memref<80x128xf32, #tpu.memory_space<vmem>>) target(%dma_start3A_216 : memref<10240x128xf32, #tpu.memory_space<vmem_shared>>) offsets(%dma_start3A_213 : memref<80xi32, #tpu.memory_space<vmem>>) semaphore(%run_scoped3A_210 : memref<!tpu.dma_semaphore, #tpu.memory_space<semaphore_mem>>) {add = true}
        %dma_wait3A_217 = arith.constant 0 : i32
        %dma_wait3A_218 = tpu.memref_slice %arg8[%run_scoped3A_198, %dma_wait3A_217] : memref<2x80xi32, #tpu.memory_space<vmem>> -> memref<1x80xi32, #tpu.memory_space<vmem>>
        %dma_wait3A_219 = tpu.memref_squeeze %dma_wait3A_218 : memref<1x80xi32, #tpu.memory_space<vmem>> -> memref<80xi32, #tpu.memory_space<vmem>>
        %dma_wait3A_220 = arith.constant 0 : i32
        %dma_wait3A_221 = arith.constant 0 : i32
        %dma_wait3A_222 = tpu.memref_slice %arg12[%dma_wait3A_220, %dma_wait3A_221] : memref<10240x128xf32, #tpu.memory_space<vmem_shared>> -> memref<10240x128xf32, #tpu.memory_space<vmem_shared>>
        tpu.wait_indirect_dma semaphore(%run_scoped3A_210 : memref<!tpu.dma_semaphore, #tpu.memory_space<semaphore_mem>>) src(%arg11 : memref<80x128xf32, #tpu.memory_space<vmem>>) dst(%dma_wait3A_222 : memref<10240x128xf32, #tpu.memory_space<vmem_shared>>)
        tpu.yield
      }) : () -> ()
      %add3A_199 = arith.constant 3 : i32
      %add3A_200 = arith.addi %add3A_174, %add3A_199 : i32
      %dma_start3A_201 = arith.constant 0 : i32
      %dma_start3A_202 = arith.constant 0 : i32
      %dma_start3A_203 = tpu.memref_slice %arg3[%arg0, %arg1, %add3A_200, %dma_start3A_201, %dma_start3A_202] : memref<2x16x126x2x80xi32, #tpu.memory_space<hbm>> -> memref<1x1x1x2x80xi32, #tpu.memory_space<hbm>>
      %dma_start3A_204 = tpu.memref_squeeze %dma_start3A_203 : memref<1x1x1x2x80xi32, #tpu.memory_space<hbm>> -> memref<2x80xi32, #tpu.memory_space<hbm>>
      %dma_start3A_205 = arith.constant 0 : i32
      %dma_start3A_206 = arith.constant 0 : i32
      %dma_start3A_207 = tpu.memref_slice %arg3[%arg0, %arg1, %add3A_200, %dma_start3A_205, %dma_start3A_206] : memref<2x16x126x2x80xi32, #tpu.memory_space<hbm>> -> memref<1x1x1x2x80xi32, #tpu.memory_space<hbm>>
      %dma_start3A_208 = tpu.memref_squeeze %dma_start3A_207 : memref<1x1x1x2x80xi32, #tpu.memory_space<hbm>> -> memref<2x80xi32, #tpu.memory_space<hbm>>
      tpu.enqueue_dma source(%dma_start3A_208 : memref<2x80xi32, #tpu.memory_space<hbm>>) target(%arg8 : memref<2x80xi32, #tpu.memory_space<vmem>>) target_semaphore(%arg15 : memref<!tpu.dma_semaphore, #tpu.memory_space<semaphore_mem>>)
      %scan3A_209 = arith.constant 0 : i32
      scf.yield %scan3A_209 : i32
    }
    %scan3A_63 = arith.constant 41 : i32
    %dma_wait3A_64 = arith.constant 0 : i32
    %dma_wait3A_65 = arith.constant 0 : i32
    %dma_wait3A_66 = tpu.memref_slice %arg6[%dma_wait3A_64, %dma_wait3A_65] : memref<2x80xi32, #tpu.memory_space<vmem>> -> memref<1x80xi32, #tpu.memory_space<vmem>>
    %dma_wait3A_67 = tpu.memref_squeeze %dma_wait3A_66 : memref<1x80xi32, #tpu.memory_space<vmem>> -> memref<80xi32, #tpu.memory_space<vmem>>
    %dma_wait3A_68 = arith.constant 0 : i32
    %dma_wait3A_69 = arith.constant 0 : i32
    %dma_wait3A_70 = tpu.memref_slice %arg2[%dma_wait3A_68, %dma_wait3A_69] : memref<20000x128xf32, #tpu.memory_space<hbm>> -> memref<20000x128xf32, #tpu.memory_space<hbm>>
    tpu.wait_indirect_dma semaphore(%arg16 : memref<!tpu.dma_semaphore, #tpu.memory_space<semaphore_mem>>) src(%dma_wait3A_70 : memref<20000x128xf32, #tpu.memory_space<hbm>>) dst(%arg9 : memref<80x128xf32, #tpu.memory_space<vmem>>)
    %run_scoped3A = arith.constant 1 : i32
    "tpu.region"() ({
      %run_scoped3A_95 = tpu.sem_alloc : memref<!tpu.dma_semaphore, #tpu.memory_space<semaphore_mem>>
      %dma_start3A_96 = arith.constant 0 : i32
      %dma_start3A_97 = tpu.memref_slice %arg6[%run_scoped3A, %dma_start3A_96] : memref<2x80xi32, #tpu.memory_space<vmem>> -> memref<1x80xi32, #tpu.memory_space<vmem>>
      %dma_start3A_98 = tpu.memref_squeeze %dma_start3A_97 : memref<1x80xi32, #tpu.memory_space<vmem>> -> memref<80xi32, #tpu.memory_space<vmem>>
      %dma_start3A_99 = arith.constant 0 : i32
      %dma_start3A_100 = arith.constant 0 : i32
      %dma_start3A_101 = tpu.memref_slice %arg12[%dma_start3A_99, %dma_start3A_100] : memref<10240x128xf32, #tpu.memory_space<vmem_shared>> -> memref<10240x128xf32, #tpu.memory_space<vmem_shared>>
      tpu.enqueue_indirect_dma source(%arg9 : memref<80x128xf32, #tpu.memory_space<vmem>>) target(%dma_start3A_101 : memref<10240x128xf32, #tpu.memory_space<vmem_shared>>) offsets(%dma_start3A_98 : memref<80xi32, #tpu.memory_space<vmem>>) semaphore(%run_scoped3A_95 : memref<!tpu.dma_semaphore, #tpu.memory_space<semaphore_mem>>) {add = true}
      %dma_wait3A_102 = arith.constant 0 : i32
      %dma_wait3A_103 = tpu.memref_slice %arg6[%run_scoped3A, %dma_wait3A_102] : memref<2x80xi32, #tpu.memory_space<vmem>> -> memref<1x80xi32, #tpu.memory_space<vmem>>
      %dma_wait3A_104 = tpu.memref_squeeze %dma_wait3A_103 : memref<1x80xi32, #tpu.memory_space<vmem>> -> memref<80xi32, #tpu.memory_space<vmem>>
      %dma_wait3A_105 = arith.constant 0 : i32
      %dma_wait3A_106 = arith.constant 0 : i32
      %dma_wait3A_107 = tpu.memref_slice %arg12[%dma_wait3A_105, %dma_wait3A_106] : memref<10240x128xf32, #tpu.memory_space<vmem_shared>> -> memref<10240x128xf32, #tpu.memory_space<vmem_shared>>
      tpu.wait_indirect_dma semaphore(%run_scoped3A_95 : memref<!tpu.dma_semaphore, #tpu.memory_space<semaphore_mem>>) src(%arg9 : memref<80x128xf32, #tpu.memory_space<vmem>>) dst(%dma_wait3A_107 : memref<10240x128xf32, #tpu.memory_space<vmem_shared>>)
      tpu.yield
    }) : () -> ()
    %dma_wait3A_71 = arith.constant 0 : i32
    %dma_wait3A_72 = arith.constant 0 : i32
    %dma_wait3A_73 = tpu.memref_slice %arg7[%dma_wait3A_71, %dma_wait3A_72] : memref<2x80xi32, #tpu.memory_space<vmem>> -> memref<1x80xi32, #tpu.memory_space<vmem>>
    %dma_wait3A_74 = tpu.memref_squeeze %dma_wait3A_73 : memref<1x80xi32, #tpu.memory_space<vmem>> -> memref<80xi32, #tpu.memory_space<vmem>>
    %dma_wait3A_75 = arith.constant 0 : i32
    %dma_wait3A_76 = arith.constant 0 : i32
    %dma_wait3A_77 = tpu.memref_slice %arg2[%dma_wait3A_75, %dma_wait3A_76] : memref<20000x128xf32, #tpu.memory_space<hbm>> -> memref<20000x128xf32, #tpu.memory_space<hbm>>
    tpu.wait_indirect_dma semaphore(%arg17 : memref<!tpu.dma_semaphore, #tpu.memory_space<semaphore_mem>>) src(%dma_wait3A_77 : memref<20000x128xf32, #tpu.memory_space<hbm>>) dst(%arg10 : memref<80x128xf32, #tpu.memory_space<vmem>>)
    %run_scoped3A_78 = arith.constant 1 : i32
    "tpu.region"() ({
      %run_scoped3A_95 = tpu.sem_alloc : memref<!tpu.dma_semaphore, #tpu.memory_space<semaphore_mem>>
      %dma_start3A_96 = arith.constant 0 : i32
      %dma_start3A_97 = tpu.memref_slice %arg7[%run_scoped3A_78, %dma_start3A_96] : memref<2x80xi32, #tpu.memory_space<vmem>> -> memref<1x80xi32, #tpu.memory_space<vmem>>
      %dma_start3A_98 = tpu.memref_squeeze %dma_start3A_97 : memref<1x80xi32, #tpu.memory_space<vmem>> -> memref<80xi32, #tpu.memory_space<vmem>>
      %dma_start3A_99 = arith.constant 0 : i32
      %dma_start3A_100 = arith.constant 0 : i32
      %dma_start3A_101 = tpu.memref_slice %arg12[%dma_start3A_99, %dma_start3A_100] : memref<10240x128xf32, #tpu.memory_space<vmem_shared>> -> memref<10240x128xf32, #tpu.memory_space<vmem_shared>>
      tpu.enqueue_indirect_dma source(%arg10 : memref<80x128xf32, #tpu.memory_space<vmem>>) target(%dma_start3A_101 : memref<10240x128xf32, #tpu.memory_space<vmem_shared>>) offsets(%dma_start3A_98 : memref<80xi32, #tpu.memory_space<vmem>>) semaphore(%run_scoped3A_95 : memref<!tpu.dma_semaphore, #tpu.memory_space<semaphore_mem>>) {add = true}
      %dma_wait3A_102 = arith.constant 0 : i32
      %dma_wait3A_103 = tpu.memref_slice %arg7[%run_scoped3A_78, %dma_wait3A_102] : memref<2x80xi32, #tpu.memory_space<vmem>> -> memref<1x80xi32, #tpu.memory_space<vmem>>
      %dma_wait3A_104 = tpu.memref_squeeze %dma_wait3A_103 : memref<1x80xi32, #tpu.memory_space<vmem>> -> memref<80xi32, #tpu.memory_space<vmem>>
      %dma_wait3A_105 = arith.constant 0 : i32
      %dma_wait3A_106 = arith.constant 0 : i32
      %dma_wait3A_107 = tpu.memref_slice %arg12[%dma_wait3A_105, %dma_wait3A_106] : memref<10240x128xf32, #tpu.memory_space<vmem_shared>> -> memref<10240x128xf32, #tpu.memory_space<vmem_shared>>
      tpu.wait_indirect_dma semaphore(%run_scoped3A_95 : memref<!tpu.dma_semaphore, #tpu.memory_space<semaphore_mem>>) src(%arg10 : memref<80x128xf32, #tpu.memory_space<vmem>>) dst(%dma_wait3A_107 : memref<10240x128xf32, #tpu.memory_space<vmem_shared>>)
      tpu.yield
    }) : () -> ()
    %dma_wait3A_79 = arith.constant 0 : i32
    %dma_wait3A_80 = arith.constant 0 : i32
    %dma_wait3A_81 = arith.constant 0 : i32
    %dma_wait3A_82 = tpu.memref_slice %arg3[%arg0, %arg1, %dma_wait3A_79, %dma_wait3A_80, %dma_wait3A_81] : memref<2x16x126x2x80xi32, #tpu.memory_space<hbm>> -> memref<1x1x1x2x80xi32, #tpu.memory_space<hbm>>
    %dma_wait3A_83 = tpu.memref_squeeze %dma_wait3A_82 : memref<1x1x1x2x80xi32, #tpu.memory_space<hbm>> -> memref<2x80xi32, #tpu.memory_space<hbm>>
    %dma_wait3A_84 = arith.constant 0 : i32
    %dma_wait3A_85 = arith.constant 0 : i32
    %dma_wait3A_86 = tpu.memref_slice %arg3[%arg0, %arg1, %dma_wait3A_79, %dma_wait3A_84, %dma_wait3A_85] : memref<2x16x126x2x80xi32, #tpu.memory_space<hbm>> -> memref<1x1x1x2x80xi32, #tpu.memory_space<hbm>>
    %dma_wait3A_87 = tpu.memref_squeeze %dma_wait3A_86 : memref<1x1x1x2x80xi32, #tpu.memory_space<hbm>> -> memref<2x80xi32, #tpu.memory_space<hbm>>
    tpu.wait_dma2 semaphore(%arg15 : memref<!tpu.dma_semaphore, #tpu.memory_space<semaphore_mem>>) src(%dma_wait3A_87 : memref<2x80xi32, #tpu.memory_space<hbm>>) dst(%arg8 : memref<2x80xi32, #tpu.memory_space<vmem>>)
    %barrier3A_88 = arith.constant 0 : index
    tpu.barrier barrier_id(%barrier3A_88)
    %mul3A_89 = arith.constant 640 : i32
    %mul3A_90 = arith.muli %arg1, %mul3A_89 : i32
    %mul3A_91 = arith.constant 10240 : i32
    %mul3A_92 = arith.muli %arg0, %mul3A_91 : i32
    %mul3A_93 = arith.constant 640 : i32
    %mul3A_94 = arith.muli %arg1, %mul3A_93 : i32
    %add3A = arith.addi %mul3A_92, %mul3A_94 : i32
    "tpu.region"() ({
      %run_scoped3A_95 = tpu.sem_alloc : memref<!tpu.dma_semaphore, #tpu.memory_space<semaphore_mem>>
      %dma_start3A_96 = arith.constant 0 : i32
      %dma_start3A_97 = tpu.memref_slice %arg5[%add3A, %dma_start3A_96] : memref<20480x128xf32, #tpu.memory_space<hbm>> -> memref<640x128xf32, #tpu.memory_space<hbm>>
      %dma_start3A_98 = arith.constant 0 : i32
      %dma_start3A_99 = tpu.memref_slice %arg12[%mul3A_90, %dma_start3A_98] : memref<10240x128xf32, #tpu.memory_space<vmem_shared>> -> memref<640x128xf32, #tpu.memory_space<vmem_shared>>
      tpu.enqueue_dma source(%dma_start3A_99 : memref<640x128xf32, #tpu.memory_space<vmem_shared>>) target(%dma_start3A_97 : memref<640x128xf32, #tpu.memory_space<hbm>>) target_semaphore(%run_scoped3A_95 : memref<!tpu.dma_semaphore, #tpu.memory_space<semaphore_mem>>)
      %dma_wait3A_100 = arith.constant 0 : i32
      %dma_wait3A_101 = tpu.memref_slice %arg5[%add3A, %dma_wait3A_100] : memref<20480x128xf32, #tpu.memory_space<hbm>> -> memref<640x128xf32, #tpu.memory_space<hbm>>
      %dma_wait3A_102 = arith.constant 0 : i32
      %dma_wait3A_103 = tpu.memref_slice %arg12[%mul3A_90, %dma_wait3A_102] : memref<10240x128xf32, #tpu.memory_space<vmem_shared>> -> memref<640x128xf32, #tpu.memory_space<vmem_shared>>
      tpu.wait_dma2 semaphore(%run_scoped3A_95 : memref<!tpu.dma_semaphore, #tpu.memory_space<semaphore_mem>>) src(%dma_wait3A_103 : memref<640x128xf32, #tpu.memory_space<vmem_shared>>) dst(%dma_wait3A_101 : memref<640x128xf32, #tpu.memory_space<hbm>>)
      tpu.yield
    }) : () -> ()
    return
  }
}

#map = affine_map<(d0, d1) -> (0, 0)>
#map1 = affine_map<(d0, d1) -> (0, 0, 0, 0, 0)>
module attributes {stable_mosaic.version = 14 : i64} {
  func.func @_segsum(%arg0: i32, %arg1: i32, %arg2: memref<20000x128xf32, #tpu.memory_space<hbm>>, %arg3: memref<2x16x126x2x80xi32, #tpu.memory_space<hbm>>, %arg4: memref<640x128xf32, #tpu.memory_space<hbm>>, %arg5: memref<20480x128xf32, #tpu.memory_space<hbm>>, %arg6: memref<2x80xi32, #tpu.memory_space<vmem>>, %arg7: memref<2x80xi32, #tpu.memory_space<vmem>>, %arg8: memref<2x80xi32, #tpu.memory_space<vmem>>, %arg9: memref<80x128xf32, #tpu.memory_space<vmem>>, %arg10: memref<80x128xf32, #tpu.memory_space<vmem>>, %arg11: memref<80x128xf32, #tpu.memory_space<vmem>>, %arg12: memref<10240x128xf32, #tpu.memory_space<vmem_shared>>, %arg13: memref<!tpu.dma_semaphore, #tpu.memory_space<semaphore_mem>>, %arg14: memref<!tpu.dma_semaphore, #tpu.memory_space<semaphore_mem>>, %arg15: memref<!tpu.dma_semaphore, #tpu.memory_space<semaphore_mem>>, %arg16: memref<!tpu.dma_semaphore, #tpu.memory_space<semaphore_mem>>, %arg17: memref<!tpu.dma_semaphore, #tpu.memory_space<semaphore_mem>>, %arg18: memref<!tpu.dma_semaphore, #tpu.memory_space<semaphore_mem>>) attributes {dimension_semantics = [#tpu.dimension_semantics<core_parallel>, #tpu.dimension_semantics<subcore_parallel>], iteration_bounds = array<i64: 2, 16>, scalar_prefetch = 0 : i64, scratch_operands = 13 : i64, tpu.core_type = #tpu.core_type<sc_vector_subcore>, window_params = [{transform_indices = #map}, {transform_indices = #map1}, {transform_indices = #map}, {transform_indices = #map}]} {
    %mul3A = arith.constant 640 : i32
    %mul3A_0 = arith.muli %arg1, %mul3A : i32
    "tpu.region"() ({
      %run_scoped3A_95 = tpu.sem_alloc : memref<!tpu.dma_semaphore, #tpu.memory_space<semaphore_mem>>
      %dma_start3A_96 = arith.constant 0 : i32
      %dma_start3A_97 = tpu.memref_slice %arg12[%mul3A_0, %dma_start3A_96] : memref<10240x128xf32, #tpu.memory_space<vmem_shared>> -> memref<640x128xf32, #tpu.memory_space<vmem_shared>>
      tpu.enqueue_dma source(%arg4 : memref<640x128xf32, #tpu.memory_space<hbm>>) target(%dma_start3A_97 : memref<640x128xf32, #tpu.memory_space<vmem_shared>>) target_semaphore(%run_scoped3A_95 : memref<!tpu.dma_semaphore, #tpu.memory_space<semaphore_mem>>)
      %dma_wait3A_98 = arith.constant 0 : i32
      %dma_wait3A_99 = tpu.memref_slice %arg12[%mul3A_0, %dma_wait3A_98] : memref<10240x128xf32, #tpu.memory_space<vmem_shared>> -> memref<640x128xf32, #tpu.memory_space<vmem_shared>>
      tpu.wait_dma2 semaphore(%run_scoped3A_95 : memref<!tpu.dma_semaphore, #tpu.memory_space<semaphore_mem>>) src(%arg4 : memref<640x128xf32, #tpu.memory_space<hbm>>) dst(%dma_wait3A_99 : memref<640x128xf32, #tpu.memory_space<vmem_shared>>)
      tpu.yield
    }) : () -> ()
    %barrier3A = arith.constant 0 : index
    tpu.barrier barrier_id(%barrier3A)
    %dma_start3A = arith.constant 0 : i32
    %dma_start3A_1 = arith.constant 0 : i32
    %dma_start3A_2 = arith.constant 0 : i32
    %dma_start3A_3 = tpu.memref_slice %arg3[%arg0, %arg1, %dma_start3A, %dma_start3A_1, %dma_start3A_2] : memref<2x16x126x2x80xi32, #tpu.memory_space<hbm>> -> memref<1x1x1x2x80xi32, #tpu.memory_space<hbm>>
    %dma_start3A_4 = tpu.memref_squeeze %dma_start3A_3 : memref<1x1x1x2x80xi32, #tpu.memory_space<hbm>> -> memref<2x80xi32, #tpu.memory_space<hbm>>
    %dma_start3A_5 = arith.constant 0 : i32
    %dma_start3A_6 = arith.constant 0 : i32
    %dma_start3A_7 = tpu.memref_slice %arg3[%arg0, %arg1, %dma_start3A, %dma_start3A_5, %dma_start3A_6] : memref<2x16x126x2x80xi32, #tpu.memory_space<hbm>> -> memref<1x1x1x2x80xi32, #tpu.memory_space<hbm>>
    %dma_start3A_8 = tpu.memref_squeeze %dma_start3A_7 : memref<1x1x1x2x80xi32, #tpu.memory_space<hbm>> -> memref<2x80xi32, #tpu.memory_space<hbm>>
    tpu.enqueue_dma source(%dma_start3A_8 : memref<2x80xi32, #tpu.memory_space<hbm>>) target(%arg6 : memref<2x80xi32, #tpu.memory_space<vmem>>) target_semaphore(%arg13 : memref<!tpu.dma_semaphore, #tpu.memory_space<semaphore_mem>>)
    %dma_start3A_9 = arith.constant 1 : i32
    %dma_start3A_10 = arith.constant 0 : i32
    %dma_start3A_11 = arith.constant 0 : i32
    %dma_start3A_12 = tpu.memref_slice %arg3[%arg0, %arg1, %dma_start3A_9, %dma_start3A_10, %dma_start3A_11] : memref<2x16x126x2x80xi32, #tpu.memory_space<hbm>> -> memref<1x1x1x2x80xi32, #tpu.memory_space<hbm>>
    %dma_start3A_13 = tpu.memref_squeeze %dma_start3A_12 : memref<1x1x1x2x80xi32, #tpu.memory_space<hbm>> -> memref<2x80xi32, #tpu.memory_space<hbm>>
    %dma_start3A_14 = arith.constant 0 : i32
    %dma_start3A_15 = arith.constant 0 : i32
    %dma_start3A_16 = tpu.memref_slice %arg3[%arg0, %arg1, %dma_start3A_9, %dma_start3A_14, %dma_start3A_15] : memref<2x16x126x2x80xi32, #tpu.memory_space<hbm>> -> memref<1x1x1x2x80xi32, #tpu.memory_space<hbm>>
    %dma_start3A_17 = tpu.memref_squeeze %dma_start3A_16 : memref<1x1x1x2x80xi32, #tpu.memory_space<hbm>> -> memref<2x80xi32, #tpu.memory_space<hbm>>
    tpu.enqueue_dma source(%dma_start3A_17 : memref<2x80xi32, #tpu.memory_space<hbm>>) target(%arg7 : memref<2x80xi32, #tpu.memory_space<vmem>>) target_semaphore(%arg14 : memref<!tpu.dma_semaphore, #tpu.memory_space<semaphore_mem>>)
    %dma_start3A_18 = arith.constant 2 : i32
    %dma_start3A_19 = arith.constant 0 : i32
    %dma_start3A_20 = arith.constant 0 : i32
    %dma_start3A_21 = tpu.memref_slice %arg3[%arg0, %arg1, %dma_start3A_18, %dma_start3A_19, %dma_start3A_20] : memref<2x16x126x2x80xi32, #tpu.memory_space<hbm>> -> memref<1x1x1x2x80xi32, #tpu.memory_space<hbm>>
    %dma_start3A_22 = tpu.memref_squeeze %dma_start3A_21 : memref<1x1x1x2x80xi32, #tpu.memory_space<hbm>> -> memref<2x80xi32, #tpu.memory_space<hbm>>
    %dma_start3A_23 = arith.constant 0 : i32
    %dma_start3A_24 = arith.constant 0 : i32
    %dma_start3A_25 = tpu.memref_slice %arg3[%arg0, %arg1, %dma_start3A_18, %dma_start3A_23, %dma_start3A_24] : memref<2x16x126x2x80xi32, #tpu.memory_space<hbm>> -> memref<1x1x1x2x80xi32, #tpu.memory_space<hbm>>
    %dma_start3A_26 = tpu.memref_squeeze %dma_start3A_25 : memref<1x1x1x2x80xi32, #tpu.memory_space<hbm>> -> memref<2x80xi32, #tpu.memory_space<hbm>>
    tpu.enqueue_dma source(%dma_start3A_26 : memref<2x80xi32, #tpu.memory_space<hbm>>) target(%arg8 : memref<2x80xi32, #tpu.memory_space<vmem>>) target_semaphore(%arg15 : memref<!tpu.dma_semaphore, #tpu.memory_space<semaphore_mem>>)
    %dma_wait3A = arith.constant 0 : i32
    %dma_wait3A_27 = arith.constant 0 : i32
    %dma_wait3A_28 = arith.constant 0 : i32
    %dma_wait3A_29 = tpu.memref_slice %arg3[%arg0, %arg1, %dma_wait3A, %dma_wait3A_27, %dma_wait3A_28] : memref<2x16x126x2x80xi32, #tpu.memory_space<hbm>> -> memref<1x1x1x2x80xi32, #tpu.memory_space<hbm>>
    %dma_wait3A_30 = tpu.memref_squeeze %dma_wait3A_29 : memref<1x1x1x2x80xi32, #tpu.memory_space<hbm>> -> memref<2x80xi32, #tpu.memory_space<hbm>>
    %dma_wait3A_31 = arith.constant 0 : i32
    %dma_wait3A_32 = arith.constant 0 : i32
    %dma_wait3A_33 = tpu.memref_slice %arg3[%arg0, %arg1, %dma_wait3A, %dma_wait3A_31, %dma_wait3A_32] : memref<2x16x126x2x80xi32, #tpu.memory_space<hbm>> -> memref<1x1x1x2x80xi32, #tpu.memory_space<hbm>>
    %dma_wait3A_34 = tpu.memref_squeeze %dma_wait3A_33 : memref<1x1x1x2x80xi32, #tpu.memory_space<hbm>> -> memref<2x80xi32, #tpu.memory_space<hbm>>
    tpu.wait_dma2 semaphore(%arg13 : memref<!tpu.dma_semaphore, #tpu.memory_space<semaphore_mem>>) src(%dma_wait3A_34 : memref<2x80xi32, #tpu.memory_space<hbm>>) dst(%arg6 : memref<2x80xi32, #tpu.memory_space<vmem>>)
    %dma_start3A_35 = arith.constant 0 : i32
    %dma_start3A_36 = arith.constant 0 : i32
    %dma_start3A_37 = tpu.memref_slice %arg6[%dma_start3A_35, %dma_start3A_36] : memref<2x80xi32, #tpu.memory_space<vmem>> -> memref<1x80xi32, #tpu.memory_space<vmem>>
    %dma_start3A_38 = tpu.memref_squeeze %dma_start3A_37 : memref<1x80xi32, #tpu.memory_space<vmem>> -> memref<80xi32, #tpu.memory_space<vmem>>
    %dma_start3A_39 = arith.constant 0 : i32
    %dma_start3A_40 = arith.constant 0 : i32
    %dma_start3A_41 = tpu.memref_slice %arg2[%dma_start3A_39, %dma_start3A_40] : memref<20000x128xf32, #tpu.memory_space<hbm>> -> memref<20000x128xf32, #tpu.memory_space<hbm>>
    tpu.enqueue_indirect_dma source(%dma_start3A_41 : memref<20000x128xf32, #tpu.memory_space<hbm>>) target(%arg9 : memref<80x128xf32, #tpu.memory_space<vmem>>) offsets(%dma_start3A_38 : memref<80xi32, #tpu.memory_space<vmem>>) semaphore(%arg16 : memref<!tpu.dma_semaphore, #tpu.memory_space<semaphore_mem>>)
    %dma_wait3A_42 = arith.constant 0 : i32
    %dma_wait3A_43 = arith.constant 0 : i32
    %dma_wait3A_44 = arith.constant 0 : i32
    %dma_wait3A_45 = tpu.memref_slice %arg3[%arg0, %arg1, %dma_wait3A_42, %dma_wait3A_43, %dma_wait3A_44] : memref<2x16x126x2x80xi32, #tpu.memory_space<hbm>> -> memref<1x1x1x2x80xi32, #tpu.memory_space<hbm>>
    %dma_wait3A_46 = tpu.memref_squeeze %dma_wait3A_45 : memref<1x1x1x2x80xi32, #tpu.memory_space<hbm>> -> memref<2x80xi32, #tpu.memory_space<hbm>>
    %dma_wait3A_47 = arith.constant 0 : i32
    %dma_wait3A_48 = arith.constant 0 : i32
    %dma_wait3A_49 = tpu.memref_slice %arg3[%arg0, %arg1, %dma_wait3A_42, %dma_wait3A_47, %dma_wait3A_48] : memref<2x16x126x2x80xi32, #tpu.memory_space<hbm>> -> memref<1x1x1x2x80xi32, #tpu.memory_space<hbm>>
    %dma_wait3A_50 = tpu.memref_squeeze %dma_wait3A_49 : memref<1x1x1x2x80xi32, #tpu.memory_space<hbm>> -> memref<2x80xi32, #tpu.memory_space<hbm>>
    tpu.wait_dma2 semaphore(%arg14 : memref<!tpu.dma_semaphore, #tpu.memory_space<semaphore_mem>>) src(%dma_wait3A_50 : memref<2x80xi32, #tpu.memory_space<hbm>>) dst(%arg7 : memref<2x80xi32, #tpu.memory_space<vmem>>)
    %dma_start3A_51 = arith.constant 0 : i32
    %dma_start3A_52 = arith.constant 0 : i32
    %dma_start3A_53 = tpu.memref_slice %arg7[%dma_start3A_51, %dma_start3A_52] : memref<2x80xi32, #tpu.memory_space<vmem>> -> memref<1x80xi32, #tpu.memory_space<vmem>>
    %dma_start3A_54 = tpu.memref_squeeze %dma_start3A_53 : memref<1x80xi32, #tpu.memory_space<vmem>> -> memref<80xi32, #tpu.memory_space<vmem>>
    %dma_start3A_55 = arith.constant 0 : i32
    %dma_start3A_56 = arith.constant 0 : i32
    %dma_start3A_57 = tpu.memref_slice %arg2[%dma_start3A_55, %dma_start3A_56] : memref<20000x128xf32, #tpu.memory_space<hbm>> -> memref<20000x128xf32, #tpu.memory_space<hbm>>
    tpu.enqueue_indirect_dma source(%dma_start3A_57 : memref<20000x128xf32, #tpu.memory_space<hbm>>) target(%arg10 : memref<80x128xf32, #tpu.memory_space<vmem>>) offsets(%dma_start3A_54 : memref<80xi32, #tpu.memory_space<vmem>>) semaphore(%arg17 : memref<!tpu.dma_semaphore, #tpu.memory_space<semaphore_mem>>)
    %scan3A = arith.constant 0 : i32
    %scan3A_58 = arith.constant 0 : i32
    %scan3A_59 = arith.constant 41 : i32
    %scan3A_60 = arith.addi %scan3A_58, %scan3A_59 : i32
    %scan3A_61 = arith.constant 1 : i32
    %scan3A_62 = scf.for %scan3A_95 = %scan3A_58 to %scan3A_60 step %scan3A_61 iter_args(%scan3A_96 = %scan3A) -> (i32)  : i32 {
      %mul3A_97 = arith.constant 3 : i32
      %mul3A_98 = arith.muli %mul3A_97, %scan3A_95 : i32
      %dma_wait3A_99 = arith.constant 0 : i32
      %dma_wait3A_100 = arith.constant 0 : i32
      %dma_wait3A_101 = tpu.memref_slice %arg6[%dma_wait3A_99, %dma_wait3A_100] : memref<2x80xi32, #tpu.memory_space<vmem>> -> memref<1x80xi32, #tpu.memory_space<vmem>>
      %dma_wait3A_102 = tpu.memref_squeeze %dma_wait3A_101 : memref<1x80xi32, #tpu.memory_space<vmem>> -> memref<80xi32, #tpu.memory_space<vmem>>
      %dma_wait3A_103 = arith.constant 0 : i32
      %dma_wait3A_104 = arith.constant 0 : i32
      %dma_wait3A_105 = tpu.memref_slice %arg2[%dma_wait3A_103, %dma_wait3A_104] : memref<20000x128xf32, #tpu.memory_space<hbm>> -> memref<20000x128xf32, #tpu.memory_space<hbm>>
      tpu.wait_indirect_dma semaphore(%arg16 : memref<!tpu.dma_semaphore, #tpu.memory_space<semaphore_mem>>) src(%dma_wait3A_105 : memref<20000x128xf32, #tpu.memory_space<hbm>>) dst(%arg9 : memref<80x128xf32, #tpu.memory_space<vmem>>)
      %dma_wait3A_106 = arith.constant 0 : i32
      %dma_wait3A_107 = arith.constant 0 : i32
      %dma_wait3A_108 = arith.constant 0 : i32
      %dma_wait3A_109 = tpu.memref_slice %arg3[%arg0, %arg1, %dma_wait3A_106, %dma_wait3A_107, %dma_wait3A_108] : memref<2x16x126x2x80xi32, #tpu.memory_space<hbm>> -> memref<1x1x1x2x80xi32, #tpu.memory_space<hbm>>
      %dma_wait3A_110 = tpu.memref_squeeze %dma_wait3A_109 : memref<1x1x1x2x80xi32, #tpu.memory_space<hbm>> -> memref<2x80xi32, #tpu.memory_space<hbm>>
      %dma_wait3A_111 = arith.constant 0 : i32
      %dma_wait3A_112 = arith.constant 0 : i32
      %dma_wait3A_113 = tpu.memref_slice %arg3[%arg0, %arg1, %dma_wait3A_106, %dma_wait3A_111, %dma_wait3A_112] : memref<2x16x126x2x80xi32, #tpu.memory_space<hbm>> -> memref<1x1x1x2x80xi32, #tpu.memory_space<hbm>>
      %dma_wait3A_114 = tpu.memref_squeeze %dma_wait3A_113 : memref<1x1x1x2x80xi32, #tpu.memory_space<hbm>> -> memref<2x80xi32, #tpu.memory_space<hbm>>
      tpu.wait_dma2 semaphore(%arg15 : memref<!tpu.dma_semaphore, #tpu.memory_space<semaphore_mem>>) src(%dma_wait3A_114 : memref<2x80xi32, #tpu.memory_space<hbm>>) dst(%arg8 : memref<2x80xi32, #tpu.memory_space<vmem>>)
      %dma_start3A_115 = arith.constant 0 : i32
      %dma_start3A_116 = arith.constant 0 : i32
      %dma_start3A_117 = tpu.memref_slice %arg8[%dma_start3A_115, %dma_start3A_116] : memref<2x80xi32, #tpu.memory_space<vmem>> -> memref<1x80xi32, #tpu.memory_space<vmem>>
      %dma_start3A_118 = tpu.memref_squeeze %dma_start3A_117 : memref<1x80xi32, #tpu.memory_space<vmem>> -> memref<80xi32, #tpu.memory_space<vmem>>
      %dma_start3A_119 = arith.constant 0 : i32
      %dma_start3A_120 = arith.constant 0 : i32
      %dma_start3A_121 = tpu.memref_slice %arg2[%dma_start3A_119, %dma_start3A_120] : memref<20000x128xf32, #tpu.memory_space<hbm>> -> memref<20000x128xf32, #tpu.memory_space<hbm>>
      tpu.enqueue_indirect_dma source(%dma_start3A_121 : memref<20000x128xf32, #tpu.memory_space<hbm>>) target(%arg11 : memref<80x128xf32, #tpu.memory_space<vmem>>) offsets(%dma_start3A_118 : memref<80xi32, #tpu.memory_space<vmem>>) semaphore(%arg18 : memref<!tpu.dma_semaphore, #tpu.memory_space<semaphore_mem>>)
      %run_scoped3A_122 = arith.constant 1 : i32
      "tpu.region"() ({
        %run_scoped3A_210 = tpu.sem_alloc : memref<!tpu.dma_semaphore, #tpu.memory_space<semaphore_mem>>
        %dma_start3A_211 = arith.constant 0 : i32
        %dma_start3A_212 = tpu.memref_slice %arg6[%run_scoped3A_122, %dma_start3A_211] : memref<2x80xi32, #tpu.memory_space<vmem>> -> memref<1x80xi32, #tpu.memory_space<vmem>>
        %dma_start3A_213 = tpu.memref_squeeze %dma_start3A_212 : memref<1x80xi32, #tpu.memory_space<vmem>> -> memref<80xi32, #tpu.memory_space<vmem>>
        %dma_start3A_214 = arith.constant 0 : i32
        %dma_start3A_215 = arith.constant 0 : i32
        %dma_start3A_216 = tpu.memref_slice %arg12[%dma_start3A_214, %dma_start3A_215] : memref<10240x128xf32, #tpu.memory_space<vmem_shared>> -> memref<10240x128xf32, #tpu.memory_space<vmem_shared>>
        tpu.enqueue_indirect_dma source(%arg9 : memref<80x128xf32, #tpu.memory_space<vmem>>) target(%dma_start3A_216 : memref<10240x128xf32, #tpu.memory_space<vmem_shared>>) offsets(%dma_start3A_213 : memref<80xi32, #tpu.memory_space<vmem>>) semaphore(%run_scoped3A_210 : memref<!tpu.dma_semaphore, #tpu.memory_space<semaphore_mem>>) {add = true}
        %dma_wait3A_217 = arith.constant 0 : i32
        %dma_wait3A_218 = tpu.memref_slice %arg6[%run_scoped3A_122, %dma_wait3A_217] : memref<2x80xi32, #tpu.memory_space<vmem>> -> memref<1x80xi32, #tpu.memory_space<vmem>>
        %dma_wait3A_219 = tpu.memref_squeeze %dma_wait3A_218 : memref<1x80xi32, #tpu.memory_space<vmem>> -> memref<80xi32, #tpu.memory_space<vmem>>
        %dma_wait3A_220 = arith.constant 0 : i32
        %dma_wait3A_221 = arith.constant 0 : i32
        %dma_wait3A_222 = tpu.memref_slice %arg12[%dma_wait3A_220, %dma_wait3A_221] : memref<10240x128xf32, #tpu.memory_space<vmem_shared>> -> memref<10240x128xf32, #tpu.memory_space<vmem_shared>>
        tpu.wait_indirect_dma semaphore(%run_scoped3A_210 : memref<!tpu.dma_semaphore, #tpu.memory_space<semaphore_mem>>) src(%arg9 : memref<80x128xf32, #tpu.memory_space<vmem>>) dst(%dma_wait3A_222 : memref<10240x128xf32, #tpu.memory_space<vmem_shared>>)
        tpu.yield
      }) : () -> ()
      %add3A_123 = arith.constant 3 : i32
      %add3A_124 = arith.addi %mul3A_98, %add3A_123 : i32
      %dma_start3A_125 = arith.constant 0 : i32
      %dma_start3A_126 = arith.constant 0 : i32
      %dma_start3A_127 = tpu.memref_slice %arg3[%arg0, %arg1, %add3A_124, %dma_start3A_125, %dma_start3A_126] : memref<2x16x126x2x80xi32, #tpu.memory_space<hbm>> -> memref<1x1x1x2x80xi32, #tpu.memory_space<hbm>>
      %dma_start3A_128 = tpu.memref_squeeze %dma_start3A_127 : memref<1x1x1x2x80xi32, #tpu.memory_space<hbm>> -> memref<2x80xi32, #tpu.memory_space<hbm>>
      %dma_start3A_129 = arith.constant 0 : i32
      %dma_start3A_130 = arith.constant 0 : i32
      %dma_start3A_131 = tpu.memref_slice %arg3[%arg0, %arg1, %add3A_124, %dma_start3A_129, %dma_start3A_130] : memref<2x16x126x2x80xi32, #tpu.memory_space<hbm>> -> memref<1x1x1x2x80xi32, #tpu.memory_space<hbm>>
      %dma_start3A_132 = tpu.memref_squeeze %dma_start3A_131 : memref<1x1x1x2x80xi32, #tpu.memory_space<hbm>> -> memref<2x80xi32, #tpu.memory_space<hbm>>
      tpu.enqueue_dma source(%dma_start3A_132 : memref<2x80xi32, #tpu.memory_space<hbm>>) target(%arg6 : memref<2x80xi32, #tpu.memory_space<vmem>>) target_semaphore(%arg13 : memref<!tpu.dma_semaphore, #tpu.memory_space<semaphore_mem>>)
      %mul3A_133 = arith.constant 3 : i32
      %mul3A_134 = arith.muli %mul3A_133, %scan3A_95 : i32
      %add3A_135 = arith.constant 1 : i32
      %add3A_136 = arith.addi %mul3A_134, %add3A_135 : i32
      %dma_wait3A_137 = arith.constant 0 : i32
      %dma_wait3A_138 = arith.constant 0 : i32
      %dma_wait3A_139 = tpu.memref_slice %arg7[%dma_wait3A_137, %dma_wait3A_138] : memref<2x80xi32, #tpu.memory_space<vmem>> -> memref<1x80xi32, #tpu.memory_space<vmem>>
      %dma_wait3A_140 = tpu.memref_squeeze %dma_wait3A_139 : memref<1x80xi32, #tpu.memory_space<vmem>> -> memref<80xi32, #tpu.memory_space<vmem>>
      %dma_wait3A_141 = arith.constant 0 : i32
      %dma_wait3A_142 = arith.constant 0 : i32
      %dma_wait3A_143 = tpu.memref_slice %arg2[%dma_wait3A_141, %dma_wait3A_142] : memref<20000x128xf32, #tpu.memory_space<hbm>> -> memref<20000x128xf32, #tpu.memory_space<hbm>>
      tpu.wait_indirect_dma semaphore(%arg17 : memref<!tpu.dma_semaphore, #tpu.memory_space<semaphore_mem>>) src(%dma_wait3A_143 : memref<20000x128xf32, #tpu.memory_space<hbm>>) dst(%arg10 : memref<80x128xf32, #tpu.memory_space<vmem>>)
      %dma_wait3A_144 = arith.constant 0 : i32
      %dma_wait3A_145 = arith.constant 0 : i32
      %dma_wait3A_146 = arith.constant 0 : i32
      %dma_wait3A_147 = tpu.memref_slice %arg3[%arg0, %arg1, %dma_wait3A_144, %dma_wait3A_145, %dma_wait3A_146] : memref<2x16x126x2x80xi32, #tpu.memory_space<hbm>> -> memref<1x1x1x2x80xi32, #tpu.memory_space<hbm>>
      %dma_wait3A_148 = tpu.memref_squeeze %dma_wait3A_147 : memref<1x1x1x2x80xi32, #tpu.memory_space<hbm>> -> memref<2x80xi32, #tpu.memory_space<hbm>>
      %dma_wait3A_149 = arith.constant 0 : i32
      %dma_wait3A_150 = arith.constant 0 : i32
      %dma_wait3A_151 = tpu.memref_slice %arg3[%arg0, %arg1, %dma_wait3A_144, %dma_wait3A_149, %dma_wait3A_150] : memref<2x16x126x2x80xi32, #tpu.memory_space<hbm>> -> memref<1x1x1x2x80xi32, #tpu.memory_space<hbm>>
      %dma_wait3A_152 = tpu.memref_squeeze %dma_wait3A_151 : memref<1x1x1x2x80xi32, #tpu.memory_space<hbm>> -> memref<2x80xi32, #tpu.memory_space<hbm>>
      tpu.wait_dma2 semaphore(%arg13 : memref<!tpu.dma_semaphore, #tpu.memory_space<semaphore_mem>>) src(%dma_wait3A_152 : memref<2x80xi32, #tpu.memory_space<hbm>>) dst(%arg6 : memref<2x80xi32, #tpu.memory_space<vmem>>)
      %dma_start3A_153 = arith.constant 0 : i32
      %dma_start3A_154 = arith.constant 0 : i32
      %dma_start3A_155 = tpu.memref_slice %arg6[%dma_start3A_153, %dma_start3A_154] : memref<2x80xi32, #tpu.memory_space<vmem>> -> memref<1x80xi32, #tpu.memory_space<vmem>>
      %dma_start3A_156 = tpu.memref_squeeze %dma_start3A_155 : memref<1x80xi32, #tpu.memory_space<vmem>> -> memref<80xi32, #tpu.memory_space<vmem>>
      %dma_start3A_157 = arith.constant 0 : i32
      %dma_start3A_158 = arith.constant 0 : i32
      %dma_start3A_159 = tpu.memref_slice %arg2[%dma_start3A_157, %dma_start3A_158] : memref<20000x128xf32, #tpu.memory_space<hbm>> -> memref<20000x128xf32, #tpu.memory_space<hbm>>
      tpu.enqueue_indirect_dma source(%dma_start3A_159 : memref<20000x128xf32, #tpu.memory_space<hbm>>) target(%arg9 : memref<80x128xf32, #tpu.memory_space<vmem>>) offsets(%dma_start3A_156 : memref<80xi32, #tpu.memory_space<vmem>>) semaphore(%arg16 : memref<!tpu.dma_semaphore, #tpu.memory_space<semaphore_mem>>)
      %run_scoped3A_160 = arith.constant 1 : i32
      "tpu.region"() ({
        %run_scoped3A_210 = tpu.sem_alloc : memref<!tpu.dma_semaphore, #tpu.memory_space<semaphore_mem>>
        %dma_start3A_211 = arith.constant 0 : i32
        %dma_start3A_212 = tpu.memref_slice %arg7[%run_scoped3A_160, %dma_start3A_211] : memref<2x80xi32, #tpu.memory_space<vmem>> -> memref<1x80xi32, #tpu.memory_space<vmem>>
        %dma_start3A_213 = tpu.memref_squeeze %dma_start3A_212 : memref<1x80xi32, #tpu.memory_space<vmem>> -> memref<80xi32, #tpu.memory_space<vmem>>
        %dma_start3A_214 = arith.constant 0 : i32
        %dma_start3A_215 = arith.constant 0 : i32
        %dma_start3A_216 = tpu.memref_slice %arg12[%dma_start3A_214, %dma_start3A_215] : memref<10240x128xf32, #tpu.memory_space<vmem_shared>> -> memref<10240x128xf32, #tpu.memory_space<vmem_shared>>
        tpu.enqueue_indirect_dma source(%arg10 : memref<80x128xf32, #tpu.memory_space<vmem>>) target(%dma_start3A_216 : memref<10240x128xf32, #tpu.memory_space<vmem_shared>>) offsets(%dma_start3A_213 : memref<80xi32, #tpu.memory_space<vmem>>) semaphore(%run_scoped3A_210 : memref<!tpu.dma_semaphore, #tpu.memory_space<semaphore_mem>>) {add = true}
        %dma_wait3A_217 = arith.constant 0 : i32
        %dma_wait3A_218 = tpu.memref_slice %arg7[%run_scoped3A_160, %dma_wait3A_217] : memref<2x80xi32, #tpu.memory_space<vmem>> -> memref<1x80xi32, #tpu.memory_space<vmem>>
        %dma_wait3A_219 = tpu.memref_squeeze %dma_wait3A_218 : memref<1x80xi32, #tpu.memory_space<vmem>> -> memref<80xi32, #tpu.memory_space<vmem>>
        %dma_wait3A_220 = arith.constant 0 : i32
        %dma_wait3A_221 = arith.constant 0 : i32
        %dma_wait3A_222 = tpu.memref_slice %arg12[%dma_wait3A_220, %dma_wait3A_221] : memref<10240x128xf32, #tpu.memory_space<vmem_shared>> -> memref<10240x128xf32, #tpu.memory_space<vmem_shared>>
        tpu.wait_indirect_dma semaphore(%run_scoped3A_210 : memref<!tpu.dma_semaphore, #tpu.memory_space<semaphore_mem>>) src(%arg10 : memref<80x128xf32, #tpu.memory_space<vmem>>) dst(%dma_wait3A_222 : memref<10240x128xf32, #tpu.memory_space<vmem_shared>>)
        tpu.yield
      }) : () -> ()
      %add3A_161 = arith.constant 3 : i32
      %add3A_162 = arith.addi %add3A_136, %add3A_161 : i32
      %dma_start3A_163 = arith.constant 0 : i32
      %dma_start3A_164 = arith.constant 0 : i32
      %dma_start3A_165 = tpu.memref_slice %arg3[%arg0, %arg1, %add3A_162, %dma_start3A_163, %dma_start3A_164] : memref<2x16x126x2x80xi32, #tpu.memory_space<hbm>> -> memref<1x1x1x2x80xi32, #tpu.memory_space<hbm>>
      %dma_start3A_166 = tpu.memref_squeeze %dma_start3A_165 : memref<1x1x1x2x80xi32, #tpu.memory_space<hbm>> -> memref<2x80xi32, #tpu.memory_space<hbm>>
      %dma_start3A_167 = arith.constant 0 : i32
      %dma_start3A_168 = arith.constant 0 : i32
      %dma_start3A_169 = tpu.memref_slice %arg3[%arg0, %arg1, %add3A_162, %dma_start3A_167, %dma_start3A_168] : memref<2x16x126x2x80xi32, #tpu.memory_space<hbm>> -> memref<1x1x1x2x80xi32, #tpu.memory_space<hbm>>
      %dma_start3A_170 = tpu.memref_squeeze %dma_start3A_169 : memref<1x1x1x2x80xi32, #tpu.memory_space<hbm>> -> memref<2x80xi32, #tpu.memory_space<hbm>>
      tpu.enqueue_dma source(%dma_start3A_170 : memref<2x80xi32, #tpu.memory_space<hbm>>) target(%arg7 : memref<2x80xi32, #tpu.memory_space<vmem>>) target_semaphore(%arg14 : memref<!tpu.dma_semaphore, #tpu.memory_space<semaphore_mem>>)
      %mul3A_171 = arith.constant 3 : i32
      %mul3A_172 = arith.muli %mul3A_171, %scan3A_95 : i32
      %add3A_173 = arith.constant 2 : i32
      %add3A_174 = arith.addi %mul3A_172, %add3A_173 : i32
      %dma_wait3A_175 = arith.constant 0 : i32
      %dma_wait3A_176 = arith.constant 0 : i32
      %dma_wait3A_177 = tpu.memref_slice %arg8[%dma_wait3A_175, %dma_wait3A_176] : memref<2x80xi32, #tpu.memory_space<vmem>> -> memref<1x80xi32, #tpu.memory_space<vmem>>
      %dma_wait3A_178 = tpu.memref_squeeze %dma_wait3A_177 : memref<1x80xi32, #tpu.memory_space<vmem>> -> memref<80xi32, #tpu.memory_space<vmem>>
      %dma_wait3A_179 = arith.constant 0 : i32
      %dma_wait3A_180 = arith.constant 0 : i32
      %dma_wait3A_181 = tpu.memref_slice %arg2[%dma_wait3A_179, %dma_wait3A_180] : memref<20000x128xf32, #tpu.memory_space<hbm>> -> memref<20000x128xf32, #tpu.memory_space<hbm>>
      tpu.wait_indirect_dma semaphore(%arg18 : memref<!tpu.dma_semaphore, #tpu.memory_space<semaphore_mem>>) src(%dma_wait3A_181 : memref<20000x128xf32, #tpu.memory_space<hbm>>) dst(%arg11 : memref<80x128xf32, #tpu.memory_space<vmem>>)
      %dma_wait3A_182 = arith.constant 0 : i32
      %dma_wait3A_183 = arith.constant 0 : i32
      %dma_wait3A_184 = arith.constant 0 : i32
      %dma_wait3A_185 = tpu.memref_slice %arg3[%arg0, %arg1, %dma_wait3A_182, %dma_wait3A_183, %dma_wait3A_184] : memref<2x16x126x2x80xi32, #tpu.memory_space<hbm>> -> memref<1x1x1x2x80xi32, #tpu.memory_space<hbm>>
      %dma_wait3A_186 = tpu.memref_squeeze %dma_wait3A_185 : memref<1x1x1x2x80xi32, #tpu.memory_space<hbm>> -> memref<2x80xi32, #tpu.memory_space<hbm>>
      %dma_wait3A_187 = arith.constant 0 : i32
      %dma_wait3A_188 = arith.constant 0 : i32
      %dma_wait3A_189 = tpu.memref_slice %arg3[%arg0, %arg1, %dma_wait3A_182, %dma_wait3A_187, %dma_wait3A_188] : memref<2x16x126x2x80xi32, #tpu.memory_space<hbm>> -> memref<1x1x1x2x80xi32, #tpu.memory_space<hbm>>
      %dma_wait3A_190 = tpu.memref_squeeze %dma_wait3A_189 : memref<1x1x1x2x80xi32, #tpu.memory_space<hbm>> -> memref<2x80xi32, #tpu.memory_space<hbm>>
      tpu.wait_dma2 semaphore(%arg14 : memref<!tpu.dma_semaphore, #tpu.memory_space<semaphore_mem>>) src(%dma_wait3A_190 : memref<2x80xi32, #tpu.memory_space<hbm>>) dst(%arg7 : memref<2x80xi32, #tpu.memory_space<vmem>>)
      %dma_start3A_191 = arith.constant 0 : i32
      %dma_start3A_192 = arith.constant 0 : i32
      %dma_start3A_193 = tpu.memref_slice %arg7[%dma_start3A_191, %dma_start3A_192] : memref<2x80xi32, #tpu.memory_space<vmem>> -> memref<1x80xi32, #tpu.memory_space<vmem>>
      %dma_start3A_194 = tpu.memref_squeeze %dma_start3A_193 : memref<1x80xi32, #tpu.memory_space<vmem>> -> memref<80xi32, #tpu.memory_space<vmem>>
      %dma_start3A_195 = arith.constant 0 : i32
      %dma_start3A_196 = arith.constant 0 : i32
      %dma_start3A_197 = tpu.memref_slice %arg2[%dma_start3A_195, %dma_start3A_196] : memref<20000x128xf32, #tpu.memory_space<hbm>> -> memref<20000x128xf32, #tpu.memory_space<hbm>>
      tpu.enqueue_indirect_dma source(%dma_start3A_197 : memref<20000x128xf32, #tpu.memory_space<hbm>>) target(%arg10 : memref<80x128xf32, #tpu.memory_space<vmem>>) offsets(%dma_start3A_194 : memref<80xi32, #tpu.memory_space<vmem>>) semaphore(%arg17 : memref<!tpu.dma_semaphore, #tpu.memory_space<semaphore_mem>>)
      %run_scoped3A_198 = arith.constant 1 : i32
      "tpu.region"() ({
        %run_scoped3A_210 = tpu.sem_alloc : memref<!tpu.dma_semaphore, #tpu.memory_space<semaphore_mem>>
        %dma_start3A_211 = arith.constant 0 : i32
        %dma_start3A_212 = tpu.memref_slice %arg8[%run_scoped3A_198, %dma_start3A_211] : memref<2x80xi32, #tpu.memory_space<vmem>> -> memref<1x80xi32, #tpu.memory_space<vmem>>
        %dma_start3A_213 = tpu.memref_squeeze %dma_start3A_212 : memref<1x80xi32, #tpu.memory_space<vmem>> -> memref<80xi32, #tpu.memory_space<vmem>>
        %dma_start3A_214 = arith.constant 0 : i32
        %dma_start3A_215 = arith.constant 0 : i32
        %dma_start3A_216 = tpu.memref_slice %arg12[%dma_start3A_214, %dma_start3A_215] : memref<10240x128xf32, #tpu.memory_space<vmem_shared>> -> memref<10240x128xf32, #tpu.memory_space<vmem_shared>>
        tpu.enqueue_indirect_dma source(%arg11 : memref<80x128xf32, #tpu.memory_space<vmem>>) target(%dma_start3A_216 : memref<10240x128xf32, #tpu.memory_space<vmem_shared>>) offsets(%dma_start3A_213 : memref<80xi32, #tpu.memory_space<vmem>>) semaphore(%run_scoped3A_210 : memref<!tpu.dma_semaphore, #tpu.memory_space<semaphore_mem>>) {add = true}
        %dma_wait3A_217 = arith.constant 0 : i32
        %dma_wait3A_218 = tpu.memref_slice %arg8[%run_scoped3A_198, %dma_wait3A_217] : memref<2x80xi32, #tpu.memory_space<vmem>> -> memref<1x80xi32, #tpu.memory_space<vmem>>
        %dma_wait3A_219 = tpu.memref_squeeze %dma_wait3A_218 : memref<1x80xi32, #tpu.memory_space<vmem>> -> memref<80xi32, #tpu.memory_space<vmem>>
        %dma_wait3A_220 = arith.constant 0 : i32
        %dma_wait3A_221 = arith.constant 0 : i32
        %dma_wait3A_222 = tpu.memref_slice %arg12[%dma_wait3A_220, %dma_wait3A_221] : memref<10240x128xf32, #tpu.memory_space<vmem_shared>> -> memref<10240x128xf32, #tpu.memory_space<vmem_shared>>
        tpu.wait_indirect_dma semaphore(%run_scoped3A_210 : memref<!tpu.dma_semaphore, #tpu.memory_space<semaphore_mem>>) src(%arg11 : memref<80x128xf32, #tpu.memory_space<vmem>>) dst(%dma_wait3A_222 : memref<10240x128xf32, #tpu.memory_space<vmem_shared>>)
        tpu.yield
      }) : () -> ()
      %add3A_199 = arith.constant 3 : i32
      %add3A_200 = arith.addi %add3A_174, %add3A_199 : i32
      %dma_start3A_201 = arith.constant 0 : i32
      %dma_start3A_202 = arith.constant 0 : i32
      %dma_start3A_203 = tpu.memref_slice %arg3[%arg0, %arg1, %add3A_200, %dma_start3A_201, %dma_start3A_202] : memref<2x16x126x2x80xi32, #tpu.memory_space<hbm>> -> memref<1x1x1x2x80xi32, #tpu.memory_space<hbm>>
      %dma_start3A_204 = tpu.memref_squeeze %dma_start3A_203 : memref<1x1x1x2x80xi32, #tpu.memory_space<hbm>> -> memref<2x80xi32, #tpu.memory_space<hbm>>
      %dma_start3A_205 = arith.constant 0 : i32
      %dma_start3A_206 = arith.constant 0 : i32
      %dma_start3A_207 = tpu.memref_slice %arg3[%arg0, %arg1, %add3A_200, %dma_start3A_205, %dma_start3A_206] : memref<2x16x126x2x80xi32, #tpu.memory_space<hbm>> -> memref<1x1x1x2x80xi32, #tpu.memory_space<hbm>>
      %dma_start3A_208 = tpu.memref_squeeze %dma_start3A_207 : memref<1x1x1x2x80xi32, #tpu.memory_space<hbm>> -> memref<2x80xi32, #tpu.memory_space<hbm>>
      tpu.enqueue_dma source(%dma_start3A_208 : memref<2x80xi32, #tpu.memory_space<hbm>>) target(%arg8 : memref<2x80xi32, #tpu.memory_space<vmem>>) target_semaphore(%arg15 : memref<!tpu.dma_semaphore, #tpu.memory_space<semaphore_mem>>)
      %scan3A_209 = arith.constant 0 : i32
      scf.yield %scan3A_209 : i32
    }
    %scan3A_63 = arith.constant 41 : i32
    %dma_wait3A_64 = arith.constant 0 : i32
    %dma_wait3A_65 = arith.constant 0 : i32
    %dma_wait3A_66 = tpu.memref_slice %arg6[%dma_wait3A_64, %dma_wait3A_65] : memref<2x80xi32, #tpu.memory_space<vmem>> -> memref<1x80xi32, #tpu.memory_space<vmem>>
    %dma_wait3A_67 = tpu.memref_squeeze %dma_wait3A_66 : memref<1x80xi32, #tpu.memory_space<vmem>> -> memref<80xi32, #tpu.memory_space<vmem>>
    %dma_wait3A_68 = arith.constant 0 : i32
    %dma_wait3A_69 = arith.constant 0 : i32
    %dma_wait3A_70 = tpu.memref_slice %arg2[%dma_wait3A_68, %dma_wait3A_69] : memref<20000x128xf32, #tpu.memory_space<hbm>> -> memref<20000x128xf32, #tpu.memory_space<hbm>>
    tpu.wait_indirect_dma semaphore(%arg16 : memref<!tpu.dma_semaphore, #tpu.memory_space<semaphore_mem>>) src(%dma_wait3A_70 : memref<20000x128xf32, #tpu.memory_space<hbm>>) dst(%arg9 : memref<80x128xf32, #tpu.memory_space<vmem>>)
    %run_scoped3A = arith.constant 1 : i32
    "tpu.region"() ({
      %run_scoped3A_95 = tpu.sem_alloc : memref<!tpu.dma_semaphore, #tpu.memory_space<semaphore_mem>>
      %dma_start3A_96 = arith.constant 0 : i32
      %dma_start3A_97 = tpu.memref_slice %arg6[%run_scoped3A, %dma_start3A_96] : memref<2x80xi32, #tpu.memory_space<vmem>> -> memref<1x80xi32, #tpu.memory_space<vmem>>
      %dma_start3A_98 = tpu.memref_squeeze %dma_start3A_97 : memref<1x80xi32, #tpu.memory_space<vmem>> -> memref<80xi32, #tpu.memory_space<vmem>>
      %dma_start3A_99 = arith.constant 0 : i32
      %dma_start3A_100 = arith.constant 0 : i32
      %dma_start3A_101 = tpu.memref_slice %arg12[%dma_start3A_99, %dma_start3A_100] : memref<10240x128xf32, #tpu.memory_space<vmem_shared>> -> memref<10240x128xf32, #tpu.memory_space<vmem_shared>>
      tpu.enqueue_indirect_dma source(%arg9 : memref<80x128xf32, #tpu.memory_space<vmem>>) target(%dma_start3A_101 : memref<10240x128xf32, #tpu.memory_space<vmem_shared>>) offsets(%dma_start3A_98 : memref<80xi32, #tpu.memory_space<vmem>>) semaphore(%run_scoped3A_95 : memref<!tpu.dma_semaphore, #tpu.memory_space<semaphore_mem>>) {add = true}
      %dma_wait3A_102 = arith.constant 0 : i32
      %dma_wait3A_103 = tpu.memref_slice %arg6[%run_scoped3A, %dma_wait3A_102] : memref<2x80xi32, #tpu.memory_space<vmem>> -> memref<1x80xi32, #tpu.memory_space<vmem>>
      %dma_wait3A_104 = tpu.memref_squeeze %dma_wait3A_103 : memref<1x80xi32, #tpu.memory_space<vmem>> -> memref<80xi32, #tpu.memory_space<vmem>>
      %dma_wait3A_105 = arith.constant 0 : i32
      %dma_wait3A_106 = arith.constant 0 : i32
      %dma_wait3A_107 = tpu.memref_slice %arg12[%dma_wait3A_105, %dma_wait3A_106] : memref<10240x128xf32, #tpu.memory_space<vmem_shared>> -> memref<10240x128xf32, #tpu.memory_space<vmem_shared>>
      tpu.wait_indirect_dma semaphore(%run_scoped3A_95 : memref<!tpu.dma_semaphore, #tpu.memory_space<semaphore_mem>>) src(%arg9 : memref<80x128xf32, #tpu.memory_space<vmem>>) dst(%dma_wait3A_107 : memref<10240x128xf32, #tpu.memory_space<vmem_shared>>)
      tpu.yield
    }) : () -> ()
    %dma_wait3A_71 = arith.constant 0 : i32
    %dma_wait3A_72 = arith.constant 0 : i32
    %dma_wait3A_73 = tpu.memref_slice %arg7[%dma_wait3A_71, %dma_wait3A_72] : memref<2x80xi32, #tpu.memory_space<vmem>> -> memref<1x80xi32, #tpu.memory_space<vmem>>
    %dma_wait3A_74 = tpu.memref_squeeze %dma_wait3A_73 : memref<1x80xi32, #tpu.memory_space<vmem>> -> memref<80xi32, #tpu.memory_space<vmem>>
    %dma_wait3A_75 = arith.constant 0 : i32
    %dma_wait3A_76 = arith.constant 0 : i32
    %dma_wait3A_77 = tpu.memref_slice %arg2[%dma_wait3A_75, %dma_wait3A_76] : memref<20000x128xf32, #tpu.memory_space<hbm>> -> memref<20000x128xf32, #tpu.memory_space<hbm>>
    tpu.wait_indirect_dma semaphore(%arg17 : memref<!tpu.dma_semaphore, #tpu.memory_space<semaphore_mem>>) src(%dma_wait3A_77 : memref<20000x128xf32, #tpu.memory_space<hbm>>) dst(%arg10 : memref<80x128xf32, #tpu.memory_space<vmem>>)
    %run_scoped3A_78 = arith.constant 1 : i32
    "tpu.region"() ({
      %run_scoped3A_95 = tpu.sem_alloc : memref<!tpu.dma_semaphore, #tpu.memory_space<semaphore_mem>>
      %dma_start3A_96 = arith.constant 0 : i32
      %dma_start3A_97 = tpu.memref_slice %arg7[%run_scoped3A_78, %dma_start3A_96] : memref<2x80xi32, #tpu.memory_space<vmem>> -> memref<1x80xi32, #tpu.memory_space<vmem>>
      %dma_start3A_98 = tpu.memref_squeeze %dma_start3A_97 : memref<1x80xi32, #tpu.memory_space<vmem>> -> memref<80xi32, #tpu.memory_space<vmem>>
      %dma_start3A_99 = arith.constant 0 : i32
      %dma_start3A_100 = arith.constant 0 : i32
      %dma_start3A_101 = tpu.memref_slice %arg12[%dma_start3A_99, %dma_start3A_100] : memref<10240x128xf32, #tpu.memory_space<vmem_shared>> -> memref<10240x128xf32, #tpu.memory_space<vmem_shared>>
      tpu.enqueue_indirect_dma source(%arg10 : memref<80x128xf32, #tpu.memory_space<vmem>>) target(%dma_start3A_101 : memref<10240x128xf32, #tpu.memory_space<vmem_shared>>) offsets(%dma_start3A_98 : memref<80xi32, #tpu.memory_space<vmem>>) semaphore(%run_scoped3A_95 : memref<!tpu.dma_semaphore, #tpu.memory_space<semaphore_mem>>) {add = true}
      %dma_wait3A_102 = arith.constant 0 : i32
      %dma_wait3A_103 = tpu.memref_slice %arg7[%run_scoped3A_78, %dma_wait3A_102] : memref<2x80xi32, #tpu.memory_space<vmem>> -> memref<1x80xi32, #tpu.memory_space<vmem>>
      %dma_wait3A_104 = tpu.memref_squeeze %dma_wait3A_103 : memref<1x80xi32, #tpu.memory_space<vmem>> -> memref<80xi32, #tpu.memory_space<vmem>>
      %dma_wait3A_105 = arith.constant 0 : i32
      %dma_wait3A_106 = arith.constant 0 : i32
      %dma_wait3A_107 = tpu.memref_slice %arg12[%dma_wait3A_105, %dma_wait3A_106] : memref<10240x128xf32, #tpu.memory_space<vmem_shared>> -> memref<10240x128xf32, #tpu.memory_space<vmem_shared>>
      tpu.wait_indirect_dma semaphore(%run_scoped3A_95 : memref<!tpu.dma_semaphore, #tpu.memory_space<semaphore_mem>>) src(%arg10 : memref<80x128xf32, #tpu.memory_space<vmem>>) dst(%dma_wait3A_107 : memref<10240x128xf32, #tpu.memory_space<vmem_shared>>)
      tpu.yield
    }) : () -> ()
    %dma_wait3A_79 = arith.constant 0 : i32
    %dma_wait3A_80 = arith.constant 0 : i32
    %dma_wait3A_81 = arith.constant 0 : i32
    %dma_wait3A_82 = tpu.memref_slice %arg3[%arg0, %arg1, %dma_wait3A_79, %dma_wait3A_80, %dma_wait3A_81] : memref<2x16x126x2x80xi32, #tpu.memory_space<hbm>> -> memref<1x1x1x2x80xi32, #tpu.memory_space<hbm>>
    %dma_wait3A_83 = tpu.memref_squeeze %dma_wait3A_82 : memref<1x1x1x2x80xi32, #tpu.memory_space<hbm>> -> memref<2x80xi32, #tpu.memory_space<hbm>>
    %dma_wait3A_84 = arith.constant 0 : i32
    %dma_wait3A_85 = arith.constant 0 : i32
    %dma_wait3A_86 = tpu.memref_slice %arg3[%arg0, %arg1, %dma_wait3A_79, %dma_wait3A_84, %dma_wait3A_85] : memref<2x16x126x2x80xi32, #tpu.memory_space<hbm>> -> memref<1x1x1x2x80xi32, #tpu.memory_space<hbm>>
    %dma_wait3A_87 = tpu.memref_squeeze %dma_wait3A_86 : memref<1x1x1x2x80xi32, #tpu.memory_space<hbm>> -> memref<2x80xi32, #tpu.memory_space<hbm>>
    tpu.wait_dma2 semaphore(%arg15 : memref<!tpu.dma_semaphore, #tpu.memory_space<semaphore_mem>>) src(%dma_wait3A_87 : memref<2x80xi32, #tpu.memory_space<hbm>>) dst(%arg8 : memref<2x80xi32, #tpu.memory_space<vmem>>)
    %barrier3A_88 = arith.constant 0 : index
    tpu.barrier barrier_id(%barrier3A_88)
    %mul3A_89 = arith.constant 640 : i32
    %mul3A_90 = arith.muli %arg1, %mul3A_89 : i32
    %mul3A_91 = arith.constant 10240 : i32
    %mul3A_92 = arith.muli %arg0, %mul3A_91 : i32
    %mul3A_93 = arith.constant 640 : i32
    %mul3A_94 = arith.muli %arg1, %mul3A_93 : i32
    %add3A = arith.addi %mul3A_92, %mul3A_94 : i32
    "tpu.region"() ({
      %run_scoped3A_95 = tpu.sem_alloc : memref<!tpu.dma_semaphore, #tpu.memory_space<semaphore_mem>>
      %dma_start3A_96 = arith.constant 0 : i32
      %dma_start3A_97 = tpu.memref_slice %arg5[%add3A, %dma_start3A_96] : memref<20480x128xf32, #tpu.memory_space<hbm>> -> memref<640x128xf32, #tpu.memory_space<hbm>>
      %dma_start3A_98 = arith.constant 0 : i32
      %dma_start3A_99 = tpu.memref_slice %arg12[%mul3A_90, %dma_start3A_98] : memref<10240x128xf32, #tpu.memory_space<vmem_shared>> -> memref<640x128xf32, #tpu.memory_space<vmem_shared>>
      tpu.enqueue_dma source(%dma_start3A_99 : memref<640x128xf32, #tpu.memory_space<vmem_shared>>) target(%dma_start3A_97 : memref<640x128xf32, #tpu.memory_space<hbm>>) target_semaphore(%run_scoped3A_95 : memref<!tpu.dma_semaphore, #tpu.memory_space<semaphore_mem>>)
      %dma_wait3A_100 = arith.constant 0 : i32
      %dma_wait3A_101 = tpu.memref_slice %arg5[%add3A, %dma_wait3A_100] : memref<20480x128xf32, #tpu.memory_space<hbm>> -> memref<640x128xf32, #tpu.memory_space<hbm>>
      %dma_wait3A_102 = arith.constant 0 : i32
      %dma_wait3A_103 = tpu.memref_slice %arg12[%mul3A_90, %dma_wait3A_102] : memref<10240x128xf32, #tpu.memory_space<vmem_shared>> -> memref<640x128xf32, #tpu.memory_space<vmem_shared>>
      tpu.wait_dma2 semaphore(%run_scoped3A_95 : memref<!tpu.dma_semaphore, #tpu.memory_space<semaphore_mem>>) src(%dma_wait3A_103 : memref<640x128xf32, #tpu.memory_space<vmem_shared>>) dst(%dma_wait3A_101 : memref<640x128xf32, #tpu.memory_space<hbm>>)
      tpu.yield
    }) : () -> ()
    return
  }
}

#map = affine_map<(d0, d1) -> (0, 0)>
#map1 = affine_map<(d0, d1) -> (0, 0, 0, 0, 0)>
module attributes {stable_mosaic.version = 14 : i64} {
  func.func @_segsum(%arg0: i32, %arg1: i32, %arg2: memref<20000x128xf32, #tpu.memory_space<hbm>>, %arg3: memref<2x16x126x2x80xi32, #tpu.memory_space<hbm>>, %arg4: memref<640x128xf32, #tpu.memory_space<hbm>>, %arg5: memref<20480x128xf32, #tpu.memory_space<hbm>>, %arg6: memref<2x80xi32, #tpu.memory_space<vmem>>, %arg7: memref<2x80xi32, #tpu.memory_space<vmem>>, %arg8: memref<2x80xi32, #tpu.memory_space<vmem>>, %arg9: memref<80x128xf32, #tpu.memory_space<vmem>>, %arg10: memref<80x128xf32, #tpu.memory_space<vmem>>, %arg11: memref<80x128xf32, #tpu.memory_space<vmem>>, %arg12: memref<10240x128xf32, #tpu.memory_space<vmem_shared>>, %arg13: memref<!tpu.dma_semaphore, #tpu.memory_space<semaphore_mem>>, %arg14: memref<!tpu.dma_semaphore, #tpu.memory_space<semaphore_mem>>, %arg15: memref<!tpu.dma_semaphore, #tpu.memory_space<semaphore_mem>>, %arg16: memref<!tpu.dma_semaphore, #tpu.memory_space<semaphore_mem>>, %arg17: memref<!tpu.dma_semaphore, #tpu.memory_space<semaphore_mem>>, %arg18: memref<!tpu.dma_semaphore, #tpu.memory_space<semaphore_mem>>) attributes {dimension_semantics = [#tpu.dimension_semantics<core_parallel>, #tpu.dimension_semantics<subcore_parallel>], iteration_bounds = array<i64: 2, 16>, scalar_prefetch = 0 : i64, scratch_operands = 13 : i64, tpu.core_type = #tpu.core_type<sc_vector_subcore>, window_params = [{transform_indices = #map}, {transform_indices = #map1}, {transform_indices = #map}, {transform_indices = #map}]} {
    %mul3A = arith.constant 640 : i32
    %mul3A_0 = arith.muli %arg1, %mul3A : i32
    "tpu.region"() ({
      %run_scoped3A_95 = tpu.sem_alloc : memref<!tpu.dma_semaphore, #tpu.memory_space<semaphore_mem>>
      %dma_start3A_96 = arith.constant 0 : i32
      %dma_start3A_97 = tpu.memref_slice %arg12[%mul3A_0, %dma_start3A_96] : memref<10240x128xf32, #tpu.memory_space<vmem_shared>> -> memref<640x128xf32, #tpu.memory_space<vmem_shared>>
      tpu.enqueue_dma source(%arg4 : memref<640x128xf32, #tpu.memory_space<hbm>>) target(%dma_start3A_97 : memref<640x128xf32, #tpu.memory_space<vmem_shared>>) target_semaphore(%run_scoped3A_95 : memref<!tpu.dma_semaphore, #tpu.memory_space<semaphore_mem>>)
      %dma_wait3A_98 = arith.constant 0 : i32
      %dma_wait3A_99 = tpu.memref_slice %arg12[%mul3A_0, %dma_wait3A_98] : memref<10240x128xf32, #tpu.memory_space<vmem_shared>> -> memref<640x128xf32, #tpu.memory_space<vmem_shared>>
      tpu.wait_dma2 semaphore(%run_scoped3A_95 : memref<!tpu.dma_semaphore, #tpu.memory_space<semaphore_mem>>) src(%arg4 : memref<640x128xf32, #tpu.memory_space<hbm>>) dst(%dma_wait3A_99 : memref<640x128xf32, #tpu.memory_space<vmem_shared>>)
      tpu.yield
    }) : () -> ()
    %barrier3A = arith.constant 0 : index
    tpu.barrier barrier_id(%barrier3A)
    %dma_start3A = arith.constant 0 : i32
    %dma_start3A_1 = arith.constant 0 : i32
    %dma_start3A_2 = arith.constant 0 : i32
    %dma_start3A_3 = tpu.memref_slice %arg3[%arg0, %arg1, %dma_start3A, %dma_start3A_1, %dma_start3A_2] : memref<2x16x126x2x80xi32, #tpu.memory_space<hbm>> -> memref<1x1x1x2x80xi32, #tpu.memory_space<hbm>>
    %dma_start3A_4 = tpu.memref_squeeze %dma_start3A_3 : memref<1x1x1x2x80xi32, #tpu.memory_space<hbm>> -> memref<2x80xi32, #tpu.memory_space<hbm>>
    %dma_start3A_5 = arith.constant 0 : i32
    %dma_start3A_6 = arith.constant 0 : i32
    %dma_start3A_7 = tpu.memref_slice %arg3[%arg0, %arg1, %dma_start3A, %dma_start3A_5, %dma_start3A_6] : memref<2x16x126x2x80xi32, #tpu.memory_space<hbm>> -> memref<1x1x1x2x80xi32, #tpu.memory_space<hbm>>
    %dma_start3A_8 = tpu.memref_squeeze %dma_start3A_7 : memref<1x1x1x2x80xi32, #tpu.memory_space<hbm>> -> memref<2x80xi32, #tpu.memory_space<hbm>>
    tpu.enqueue_dma source(%dma_start3A_8 : memref<2x80xi32, #tpu.memory_space<hbm>>) target(%arg6 : memref<2x80xi32, #tpu.memory_space<vmem>>) target_semaphore(%arg13 : memref<!tpu.dma_semaphore, #tpu.memory_space<semaphore_mem>>)
    %dma_start3A_9 = arith.constant 1 : i32
    %dma_start3A_10 = arith.constant 0 : i32
    %dma_start3A_11 = arith.constant 0 : i32
    %dma_start3A_12 = tpu.memref_slice %arg3[%arg0, %arg1, %dma_start3A_9, %dma_start3A_10, %dma_start3A_11] : memref<2x16x126x2x80xi32, #tpu.memory_space<hbm>> -> memref<1x1x1x2x80xi32, #tpu.memory_space<hbm>>
    %dma_start3A_13 = tpu.memref_squeeze %dma_start3A_12 : memref<1x1x1x2x80xi32, #tpu.memory_space<hbm>> -> memref<2x80xi32, #tpu.memory_space<hbm>>
    %dma_start3A_14 = arith.constant 0 : i32
    %dma_start3A_15 = arith.constant 0 : i32
    %dma_start3A_16 = tpu.memref_slice %arg3[%arg0, %arg1, %dma_start3A_9, %dma_start3A_14, %dma_start3A_15] : memref<2x16x126x2x80xi32, #tpu.memory_space<hbm>> -> memref<1x1x1x2x80xi32, #tpu.memory_space<hbm>>
    %dma_start3A_17 = tpu.memref_squeeze %dma_start3A_16 : memref<1x1x1x2x80xi32, #tpu.memory_space<hbm>> -> memref<2x80xi32, #tpu.memory_space<hbm>>
    tpu.enqueue_dma source(%dma_start3A_17 : memref<2x80xi32, #tpu.memory_space<hbm>>) target(%arg7 : memref<2x80xi32, #tpu.memory_space<vmem>>) target_semaphore(%arg14 : memref<!tpu.dma_semaphore, #tpu.memory_space<semaphore_mem>>)
    %dma_start3A_18 = arith.constant 2 : i32
    %dma_start3A_19 = arith.constant 0 : i32
    %dma_start3A_20 = arith.constant 0 : i32
    %dma_start3A_21 = tpu.memref_slice %arg3[%arg0, %arg1, %dma_start3A_18, %dma_start3A_19, %dma_start3A_20] : memref<2x16x126x2x80xi32, #tpu.memory_space<hbm>> -> memref<1x1x1x2x80xi32, #tpu.memory_space<hbm>>
    %dma_start3A_22 = tpu.memref_squeeze %dma_start3A_21 : memref<1x1x1x2x80xi32, #tpu.memory_space<hbm>> -> memref<2x80xi32, #tpu.memory_space<hbm>>
    %dma_start3A_23 = arith.constant 0 : i32
    %dma_start3A_24 = arith.constant 0 : i32
    %dma_start3A_25 = tpu.memref_slice %arg3[%arg0, %arg1, %dma_start3A_18, %dma_start3A_23, %dma_start3A_24] : memref<2x16x126x2x80xi32, #tpu.memory_space<hbm>> -> memref<1x1x1x2x80xi32, #tpu.memory_space<hbm>>
    %dma_start3A_26 = tpu.memref_squeeze %dma_start3A_25 : memref<1x1x1x2x80xi32, #tpu.memory_space<hbm>> -> memref<2x80xi32, #tpu.memory_space<hbm>>
    tpu.enqueue_dma source(%dma_start3A_26 : memref<2x80xi32, #tpu.memory_space<hbm>>) target(%arg8 : memref<2x80xi32, #tpu.memory_space<vmem>>) target_semaphore(%arg15 : memref<!tpu.dma_semaphore, #tpu.memory_space<semaphore_mem>>)
    %dma_wait3A = arith.constant 0 : i32
    %dma_wait3A_27 = arith.constant 0 : i32
    %dma_wait3A_28 = arith.constant 0 : i32
    %dma_wait3A_29 = tpu.memref_slice %arg3[%arg0, %arg1, %dma_wait3A, %dma_wait3A_27, %dma_wait3A_28] : memref<2x16x126x2x80xi32, #tpu.memory_space<hbm>> -> memref<1x1x1x2x80xi32, #tpu.memory_space<hbm>>
    %dma_wait3A_30 = tpu.memref_squeeze %dma_wait3A_29 : memref<1x1x1x2x80xi32, #tpu.memory_space<hbm>> -> memref<2x80xi32, #tpu.memory_space<hbm>>
    %dma_wait3A_31 = arith.constant 0 : i32
    %dma_wait3A_32 = arith.constant 0 : i32
    %dma_wait3A_33 = tpu.memref_slice %arg3[%arg0, %arg1, %dma_wait3A, %dma_wait3A_31, %dma_wait3A_32] : memref<2x16x126x2x80xi32, #tpu.memory_space<hbm>> -> memref<1x1x1x2x80xi32, #tpu.memory_space<hbm>>
    %dma_wait3A_34 = tpu.memref_squeeze %dma_wait3A_33 : memref<1x1x1x2x80xi32, #tpu.memory_space<hbm>> -> memref<2x80xi32, #tpu.memory_space<hbm>>
    tpu.wait_dma2 semaphore(%arg13 : memref<!tpu.dma_semaphore, #tpu.memory_space<semaphore_mem>>) src(%dma_wait3A_34 : memref<2x80xi32, #tpu.memory_space<hbm>>) dst(%arg6 : memref<2x80xi32, #tpu.memory_space<vmem>>)
    %dma_start3A_35 = arith.constant 0 : i32
    %dma_start3A_36 = arith.constant 0 : i32
    %dma_start3A_37 = tpu.memref_slice %arg6[%dma_start3A_35, %dma_start3A_36] : memref<2x80xi32, #tpu.memory_space<vmem>> -> memref<1x80xi32, #tpu.memory_space<vmem>>
    %dma_start3A_38 = tpu.memref_squeeze %dma_start3A_37 : memref<1x80xi32, #tpu.memory_space<vmem>> -> memref<80xi32, #tpu.memory_space<vmem>>
    %dma_start3A_39 = arith.constant 0 : i32
    %dma_start3A_40 = arith.constant 0 : i32
    %dma_start3A_41 = tpu.memref_slice %arg2[%dma_start3A_39, %dma_start3A_40] : memref<20000x128xf32, #tpu.memory_space<hbm>> -> memref<20000x128xf32, #tpu.memory_space<hbm>>
    tpu.enqueue_indirect_dma source(%dma_start3A_41 : memref<20000x128xf32, #tpu.memory_space<hbm>>) target(%arg9 : memref<80x128xf32, #tpu.memory_space<vmem>>) offsets(%dma_start3A_38 : memref<80xi32, #tpu.memory_space<vmem>>) semaphore(%arg16 : memref<!tpu.dma_semaphore, #tpu.memory_space<semaphore_mem>>)
    %dma_wait3A_42 = arith.constant 0 : i32
    %dma_wait3A_43 = arith.constant 0 : i32
    %dma_wait3A_44 = arith.constant 0 : i32
    %dma_wait3A_45 = tpu.memref_slice %arg3[%arg0, %arg1, %dma_wait3A_42, %dma_wait3A_43, %dma_wait3A_44] : memref<2x16x126x2x80xi32, #tpu.memory_space<hbm>> -> memref<1x1x1x2x80xi32, #tpu.memory_space<hbm>>
    %dma_wait3A_46 = tpu.memref_squeeze %dma_wait3A_45 : memref<1x1x1x2x80xi32, #tpu.memory_space<hbm>> -> memref<2x80xi32, #tpu.memory_space<hbm>>
    %dma_wait3A_47 = arith.constant 0 : i32
    %dma_wait3A_48 = arith.constant 0 : i32
    %dma_wait3A_49 = tpu.memref_slice %arg3[%arg0, %arg1, %dma_wait3A_42, %dma_wait3A_47, %dma_wait3A_48] : memref<2x16x126x2x80xi32, #tpu.memory_space<hbm>> -> memref<1x1x1x2x80xi32, #tpu.memory_space<hbm>>
    %dma_wait3A_50 = tpu.memref_squeeze %dma_wait3A_49 : memref<1x1x1x2x80xi32, #tpu.memory_space<hbm>> -> memref<2x80xi32, #tpu.memory_space<hbm>>
    tpu.wait_dma2 semaphore(%arg14 : memref<!tpu.dma_semaphore, #tpu.memory_space<semaphore_mem>>) src(%dma_wait3A_50 : memref<2x80xi32, #tpu.memory_space<hbm>>) dst(%arg7 : memref<2x80xi32, #tpu.memory_space<vmem>>)
    %dma_start3A_51 = arith.constant 0 : i32
    %dma_start3A_52 = arith.constant 0 : i32
    %dma_start3A_53 = tpu.memref_slice %arg7[%dma_start3A_51, %dma_start3A_52] : memref<2x80xi32, #tpu.memory_space<vmem>> -> memref<1x80xi32, #tpu.memory_space<vmem>>
    %dma_start3A_54 = tpu.memref_squeeze %dma_start3A_53 : memref<1x80xi32, #tpu.memory_space<vmem>> -> memref<80xi32, #tpu.memory_space<vmem>>
    %dma_start3A_55 = arith.constant 0 : i32
    %dma_start3A_56 = arith.constant 0 : i32
    %dma_start3A_57 = tpu.memref_slice %arg2[%dma_start3A_55, %dma_start3A_56] : memref<20000x128xf32, #tpu.memory_space<hbm>> -> memref<20000x128xf32, #tpu.memory_space<hbm>>
    tpu.enqueue_indirect_dma source(%dma_start3A_57 : memref<20000x128xf32, #tpu.memory_space<hbm>>) target(%arg10 : memref<80x128xf32, #tpu.memory_space<vmem>>) offsets(%dma_start3A_54 : memref<80xi32, #tpu.memory_space<vmem>>) semaphore(%arg17 : memref<!tpu.dma_semaphore, #tpu.memory_space<semaphore_mem>>)
    %scan3A = arith.constant 0 : i32
    %scan3A_58 = arith.constant 0 : i32
    %scan3A_59 = arith.constant 41 : i32
    %scan3A_60 = arith.addi %scan3A_58, %scan3A_59 : i32
    %scan3A_61 = arith.constant 1 : i32
    %scan3A_62 = scf.for %scan3A_95 = %scan3A_58 to %scan3A_60 step %scan3A_61 iter_args(%scan3A_96 = %scan3A) -> (i32)  : i32 {
      %mul3A_97 = arith.constant 3 : i32
      %mul3A_98 = arith.muli %mul3A_97, %scan3A_95 : i32
      %dma_wait3A_99 = arith.constant 0 : i32
      %dma_wait3A_100 = arith.constant 0 : i32
      %dma_wait3A_101 = tpu.memref_slice %arg6[%dma_wait3A_99, %dma_wait3A_100] : memref<2x80xi32, #tpu.memory_space<vmem>> -> memref<1x80xi32, #tpu.memory_space<vmem>>
      %dma_wait3A_102 = tpu.memref_squeeze %dma_wait3A_101 : memref<1x80xi32, #tpu.memory_space<vmem>> -> memref<80xi32, #tpu.memory_space<vmem>>
      %dma_wait3A_103 = arith.constant 0 : i32
      %dma_wait3A_104 = arith.constant 0 : i32
      %dma_wait3A_105 = tpu.memref_slice %arg2[%dma_wait3A_103, %dma_wait3A_104] : memref<20000x128xf32, #tpu.memory_space<hbm>> -> memref<20000x128xf32, #tpu.memory_space<hbm>>
      tpu.wait_indirect_dma semaphore(%arg16 : memref<!tpu.dma_semaphore, #tpu.memory_space<semaphore_mem>>) src(%dma_wait3A_105 : memref<20000x128xf32, #tpu.memory_space<hbm>>) dst(%arg9 : memref<80x128xf32, #tpu.memory_space<vmem>>)
      %dma_wait3A_106 = arith.constant 0 : i32
      %dma_wait3A_107 = arith.constant 0 : i32
      %dma_wait3A_108 = arith.constant 0 : i32
      %dma_wait3A_109 = tpu.memref_slice %arg3[%arg0, %arg1, %dma_wait3A_106, %dma_wait3A_107, %dma_wait3A_108] : memref<2x16x126x2x80xi32, #tpu.memory_space<hbm>> -> memref<1x1x1x2x80xi32, #tpu.memory_space<hbm>>
      %dma_wait3A_110 = tpu.memref_squeeze %dma_wait3A_109 : memref<1x1x1x2x80xi32, #tpu.memory_space<hbm>> -> memref<2x80xi32, #tpu.memory_space<hbm>>
      %dma_wait3A_111 = arith.constant 0 : i32
      %dma_wait3A_112 = arith.constant 0 : i32
      %dma_wait3A_113 = tpu.memref_slice %arg3[%arg0, %arg1, %dma_wait3A_106, %dma_wait3A_111, %dma_wait3A_112] : memref<2x16x126x2x80xi32, #tpu.memory_space<hbm>> -> memref<1x1x1x2x80xi32, #tpu.memory_space<hbm>>
      %dma_wait3A_114 = tpu.memref_squeeze %dma_wait3A_113 : memref<1x1x1x2x80xi32, #tpu.memory_space<hbm>> -> memref<2x80xi32, #tpu.memory_space<hbm>>
      tpu.wait_dma2 semaphore(%arg15 : memref<!tpu.dma_semaphore, #tpu.memory_space<semaphore_mem>>) src(%dma_wait3A_114 : memref<2x80xi32, #tpu.memory_space<hbm>>) dst(%arg8 : memref<2x80xi32, #tpu.memory_space<vmem>>)
      %dma_start3A_115 = arith.constant 0 : i32
      %dma_start3A_116 = arith.constant 0 : i32
      %dma_start3A_117 = tpu.memref_slice %arg8[%dma_start3A_115, %dma_start3A_116] : memref<2x80xi32, #tpu.memory_space<vmem>> -> memref<1x80xi32, #tpu.memory_space<vmem>>
      %dma_start3A_118 = tpu.memref_squeeze %dma_start3A_117 : memref<1x80xi32, #tpu.memory_space<vmem>> -> memref<80xi32, #tpu.memory_space<vmem>>
      %dma_start3A_119 = arith.constant 0 : i32
      %dma_start3A_120 = arith.constant 0 : i32
      %dma_start3A_121 = tpu.memref_slice %arg2[%dma_start3A_119, %dma_start3A_120] : memref<20000x128xf32, #tpu.memory_space<hbm>> -> memref<20000x128xf32, #tpu.memory_space<hbm>>
      tpu.enqueue_indirect_dma source(%dma_start3A_121 : memref<20000x128xf32, #tpu.memory_space<hbm>>) target(%arg11 : memref<80x128xf32, #tpu.memory_space<vmem>>) offsets(%dma_start3A_118 : memref<80xi32, #tpu.memory_space<vmem>>) semaphore(%arg18 : memref<!tpu.dma_semaphore, #tpu.memory_space<semaphore_mem>>)
      %run_scoped3A_122 = arith.constant 1 : i32
      "tpu.region"() ({
        %run_scoped3A_210 = tpu.sem_alloc : memref<!tpu.dma_semaphore, #tpu.memory_space<semaphore_mem>>
        %dma_start3A_211 = arith.constant 0 : i32
        %dma_start3A_212 = tpu.memref_slice %arg6[%run_scoped3A_122, %dma_start3A_211] : memref<2x80xi32, #tpu.memory_space<vmem>> -> memref<1x80xi32, #tpu.memory_space<vmem>>
        %dma_start3A_213 = tpu.memref_squeeze %dma_start3A_212 : memref<1x80xi32, #tpu.memory_space<vmem>> -> memref<80xi32, #tpu.memory_space<vmem>>
        %dma_start3A_214 = arith.constant 0 : i32
        %dma_start3A_215 = arith.constant 0 : i32
        %dma_start3A_216 = tpu.memref_slice %arg12[%dma_start3A_214, %dma_start3A_215] : memref<10240x128xf32, #tpu.memory_space<vmem_shared>> -> memref<10240x128xf32, #tpu.memory_space<vmem_shared>>
        tpu.enqueue_indirect_dma source(%arg9 : memref<80x128xf32, #tpu.memory_space<vmem>>) target(%dma_start3A_216 : memref<10240x128xf32, #tpu.memory_space<vmem_shared>>) offsets(%dma_start3A_213 : memref<80xi32, #tpu.memory_space<vmem>>) semaphore(%run_scoped3A_210 : memref<!tpu.dma_semaphore, #tpu.memory_space<semaphore_mem>>) {add = true}
        %dma_wait3A_217 = arith.constant 0 : i32
        %dma_wait3A_218 = tpu.memref_slice %arg6[%run_scoped3A_122, %dma_wait3A_217] : memref<2x80xi32, #tpu.memory_space<vmem>> -> memref<1x80xi32, #tpu.memory_space<vmem>>
        %dma_wait3A_219 = tpu.memref_squeeze %dma_wait3A_218 : memref<1x80xi32, #tpu.memory_space<vmem>> -> memref<80xi32, #tpu.memory_space<vmem>>
        %dma_wait3A_220 = arith.constant 0 : i32
        %dma_wait3A_221 = arith.constant 0 : i32
        %dma_wait3A_222 = tpu.memref_slice %arg12[%dma_wait3A_220, %dma_wait3A_221] : memref<10240x128xf32, #tpu.memory_space<vmem_shared>> -> memref<10240x128xf32, #tpu.memory_space<vmem_shared>>
        tpu.wait_indirect_dma semaphore(%run_scoped3A_210 : memref<!tpu.dma_semaphore, #tpu.memory_space<semaphore_mem>>) src(%arg9 : memref<80x128xf32, #tpu.memory_space<vmem>>) dst(%dma_wait3A_222 : memref<10240x128xf32, #tpu.memory_space<vmem_shared>>)
        tpu.yield
      }) : () -> ()
      %add3A_123 = arith.constant 3 : i32
      %add3A_124 = arith.addi %mul3A_98, %add3A_123 : i32
      %dma_start3A_125 = arith.constant 0 : i32
      %dma_start3A_126 = arith.constant 0 : i32
      %dma_start3A_127 = tpu.memref_slice %arg3[%arg0, %arg1, %add3A_124, %dma_start3A_125, %dma_start3A_126] : memref<2x16x126x2x80xi32, #tpu.memory_space<hbm>> -> memref<1x1x1x2x80xi32, #tpu.memory_space<hbm>>
      %dma_start3A_128 = tpu.memref_squeeze %dma_start3A_127 : memref<1x1x1x2x80xi32, #tpu.memory_space<hbm>> -> memref<2x80xi32, #tpu.memory_space<hbm>>
      %dma_start3A_129 = arith.constant 0 : i32
      %dma_start3A_130 = arith.constant 0 : i32
      %dma_start3A_131 = tpu.memref_slice %arg3[%arg0, %arg1, %add3A_124, %dma_start3A_129, %dma_start3A_130] : memref<2x16x126x2x80xi32, #tpu.memory_space<hbm>> -> memref<1x1x1x2x80xi32, #tpu.memory_space<hbm>>
      %dma_start3A_132 = tpu.memref_squeeze %dma_start3A_131 : memref<1x1x1x2x80xi32, #tpu.memory_space<hbm>> -> memref<2x80xi32, #tpu.memory_space<hbm>>
      tpu.enqueue_dma source(%dma_start3A_132 : memref<2x80xi32, #tpu.memory_space<hbm>>) target(%arg6 : memref<2x80xi32, #tpu.memory_space<vmem>>) target_semaphore(%arg13 : memref<!tpu.dma_semaphore, #tpu.memory_space<semaphore_mem>>)
      %mul3A_133 = arith.constant 3 : i32
      %mul3A_134 = arith.muli %mul3A_133, %scan3A_95 : i32
      %add3A_135 = arith.constant 1 : i32
      %add3A_136 = arith.addi %mul3A_134, %add3A_135 : i32
      %dma_wait3A_137 = arith.constant 0 : i32
      %dma_wait3A_138 = arith.constant 0 : i32
      %dma_wait3A_139 = tpu.memref_slice %arg7[%dma_wait3A_137, %dma_wait3A_138] : memref<2x80xi32, #tpu.memory_space<vmem>> -> memref<1x80xi32, #tpu.memory_space<vmem>>
      %dma_wait3A_140 = tpu.memref_squeeze %dma_wait3A_139 : memref<1x80xi32, #tpu.memory_space<vmem>> -> memref<80xi32, #tpu.memory_space<vmem>>
      %dma_wait3A_141 = arith.constant 0 : i32
      %dma_wait3A_142 = arith.constant 0 : i32
      %dma_wait3A_143 = tpu.memref_slice %arg2[%dma_wait3A_141, %dma_wait3A_142] : memref<20000x128xf32, #tpu.memory_space<hbm>> -> memref<20000x128xf32, #tpu.memory_space<hbm>>
      tpu.wait_indirect_dma semaphore(%arg17 : memref<!tpu.dma_semaphore, #tpu.memory_space<semaphore_mem>>) src(%dma_wait3A_143 : memref<20000x128xf32, #tpu.memory_space<hbm>>) dst(%arg10 : memref<80x128xf32, #tpu.memory_space<vmem>>)
      %dma_wait3A_144 = arith.constant 0 : i32
      %dma_wait3A_145 = arith.constant 0 : i32
      %dma_wait3A_146 = arith.constant 0 : i32
      %dma_wait3A_147 = tpu.memref_slice %arg3[%arg0, %arg1, %dma_wait3A_144, %dma_wait3A_145, %dma_wait3A_146] : memref<2x16x126x2x80xi32, #tpu.memory_space<hbm>> -> memref<1x1x1x2x80xi32, #tpu.memory_space<hbm>>
      %dma_wait3A_148 = tpu.memref_squeeze %dma_wait3A_147 : memref<1x1x1x2x80xi32, #tpu.memory_space<hbm>> -> memref<2x80xi32, #tpu.memory_space<hbm>>
      %dma_wait3A_149 = arith.constant 0 : i32
      %dma_wait3A_150 = arith.constant 0 : i32
      %dma_wait3A_151 = tpu.memref_slice %arg3[%arg0, %arg1, %dma_wait3A_144, %dma_wait3A_149, %dma_wait3A_150] : memref<2x16x126x2x80xi32, #tpu.memory_space<hbm>> -> memref<1x1x1x2x80xi32, #tpu.memory_space<hbm>>
      %dma_wait3A_152 = tpu.memref_squeeze %dma_wait3A_151 : memref<1x1x1x2x80xi32, #tpu.memory_space<hbm>> -> memref<2x80xi32, #tpu.memory_space<hbm>>
      tpu.wait_dma2 semaphore(%arg13 : memref<!tpu.dma_semaphore, #tpu.memory_space<semaphore_mem>>) src(%dma_wait3A_152 : memref<2x80xi32, #tpu.memory_space<hbm>>) dst(%arg6 : memref<2x80xi32, #tpu.memory_space<vmem>>)
      %dma_start3A_153 = arith.constant 0 : i32
      %dma_start3A_154 = arith.constant 0 : i32
      %dma_start3A_155 = tpu.memref_slice %arg6[%dma_start3A_153, %dma_start3A_154] : memref<2x80xi32, #tpu.memory_space<vmem>> -> memref<1x80xi32, #tpu.memory_space<vmem>>
      %dma_start3A_156 = tpu.memref_squeeze %dma_start3A_155 : memref<1x80xi32, #tpu.memory_space<vmem>> -> memref<80xi32, #tpu.memory_space<vmem>>
      %dma_start3A_157 = arith.constant 0 : i32
      %dma_start3A_158 = arith.constant 0 : i32
      %dma_start3A_159 = tpu.memref_slice %arg2[%dma_start3A_157, %dma_start3A_158] : memref<20000x128xf32, #tpu.memory_space<hbm>> -> memref<20000x128xf32, #tpu.memory_space<hbm>>
      tpu.enqueue_indirect_dma source(%dma_start3A_159 : memref<20000x128xf32, #tpu.memory_space<hbm>>) target(%arg9 : memref<80x128xf32, #tpu.memory_space<vmem>>) offsets(%dma_start3A_156 : memref<80xi32, #tpu.memory_space<vmem>>) semaphore(%arg16 : memref<!tpu.dma_semaphore, #tpu.memory_space<semaphore_mem>>)
      %run_scoped3A_160 = arith.constant 1 : i32
      "tpu.region"() ({
        %run_scoped3A_210 = tpu.sem_alloc : memref<!tpu.dma_semaphore, #tpu.memory_space<semaphore_mem>>
        %dma_start3A_211 = arith.constant 0 : i32
        %dma_start3A_212 = tpu.memref_slice %arg7[%run_scoped3A_160, %dma_start3A_211] : memref<2x80xi32, #tpu.memory_space<vmem>> -> memref<1x80xi32, #tpu.memory_space<vmem>>
        %dma_start3A_213 = tpu.memref_squeeze %dma_start3A_212 : memref<1x80xi32, #tpu.memory_space<vmem>> -> memref<80xi32, #tpu.memory_space<vmem>>
        %dma_start3A_214 = arith.constant 0 : i32
        %dma_start3A_215 = arith.constant 0 : i32
        %dma_start3A_216 = tpu.memref_slice %arg12[%dma_start3A_214, %dma_start3A_215] : memref<10240x128xf32, #tpu.memory_space<vmem_shared>> -> memref<10240x128xf32, #tpu.memory_space<vmem_shared>>
        tpu.enqueue_indirect_dma source(%arg10 : memref<80x128xf32, #tpu.memory_space<vmem>>) target(%dma_start3A_216 : memref<10240x128xf32, #tpu.memory_space<vmem_shared>>) offsets(%dma_start3A_213 : memref<80xi32, #tpu.memory_space<vmem>>) semaphore(%run_scoped3A_210 : memref<!tpu.dma_semaphore, #tpu.memory_space<semaphore_mem>>) {add = true}
        %dma_wait3A_217 = arith.constant 0 : i32
        %dma_wait3A_218 = tpu.memref_slice %arg7[%run_scoped3A_160, %dma_wait3A_217] : memref<2x80xi32, #tpu.memory_space<vmem>> -> memref<1x80xi32, #tpu.memory_space<vmem>>
        %dma_wait3A_219 = tpu.memref_squeeze %dma_wait3A_218 : memref<1x80xi32, #tpu.memory_space<vmem>> -> memref<80xi32, #tpu.memory_space<vmem>>
        %dma_wait3A_220 = arith.constant 0 : i32
        %dma_wait3A_221 = arith.constant 0 : i32
        %dma_wait3A_222 = tpu.memref_slice %arg12[%dma_wait3A_220, %dma_wait3A_221] : memref<10240x128xf32, #tpu.memory_space<vmem_shared>> -> memref<10240x128xf32, #tpu.memory_space<vmem_shared>>
        tpu.wait_indirect_dma semaphore(%run_scoped3A_210 : memref<!tpu.dma_semaphore, #tpu.memory_space<semaphore_mem>>) src(%arg10 : memref<80x128xf32, #tpu.memory_space<vmem>>) dst(%dma_wait3A_222 : memref<10240x128xf32, #tpu.memory_space<vmem_shared>>)
        tpu.yield
      }) : () -> ()
      %add3A_161 = arith.constant 3 : i32
      %add3A_162 = arith.addi %add3A_136, %add3A_161 : i32
      %dma_start3A_163 = arith.constant 0 : i32
      %dma_start3A_164 = arith.constant 0 : i32
      %dma_start3A_165 = tpu.memref_slice %arg3[%arg0, %arg1, %add3A_162, %dma_start3A_163, %dma_start3A_164] : memref<2x16x126x2x80xi32, #tpu.memory_space<hbm>> -> memref<1x1x1x2x80xi32, #tpu.memory_space<hbm>>
      %dma_start3A_166 = tpu.memref_squeeze %dma_start3A_165 : memref<1x1x1x2x80xi32, #tpu.memory_space<hbm>> -> memref<2x80xi32, #tpu.memory_space<hbm>>
      %dma_start3A_167 = arith.constant 0 : i32
      %dma_start3A_168 = arith.constant 0 : i32
      %dma_start3A_169 = tpu.memref_slice %arg3[%arg0, %arg1, %add3A_162, %dma_start3A_167, %dma_start3A_168] : memref<2x16x126x2x80xi32, #tpu.memory_space<hbm>> -> memref<1x1x1x2x80xi32, #tpu.memory_space<hbm>>
      %dma_start3A_170 = tpu.memref_squeeze %dma_start3A_169 : memref<1x1x1x2x80xi32, #tpu.memory_space<hbm>> -> memref<2x80xi32, #tpu.memory_space<hbm>>
      tpu.enqueue_dma source(%dma_start3A_170 : memref<2x80xi32, #tpu.memory_space<hbm>>) target(%arg7 : memref<2x80xi32, #tpu.memory_space<vmem>>) target_semaphore(%arg14 : memref<!tpu.dma_semaphore, #tpu.memory_space<semaphore_mem>>)
      %mul3A_171 = arith.constant 3 : i32
      %mul3A_172 = arith.muli %mul3A_171, %scan3A_95 : i32
      %add3A_173 = arith.constant 2 : i32
      %add3A_174 = arith.addi %mul3A_172, %add3A_173 : i32
      %dma_wait3A_175 = arith.constant 0 : i32
      %dma_wait3A_176 = arith.constant 0 : i32
      %dma_wait3A_177 = tpu.memref_slice %arg8[%dma_wait3A_175, %dma_wait3A_176] : memref<2x80xi32, #tpu.memory_space<vmem>> -> memref<1x80xi32, #tpu.memory_space<vmem>>
      %dma_wait3A_178 = tpu.memref_squeeze %dma_wait3A_177 : memref<1x80xi32, #tpu.memory_space<vmem>> -> memref<80xi32, #tpu.memory_space<vmem>>
      %dma_wait3A_179 = arith.constant 0 : i32
      %dma_wait3A_180 = arith.constant 0 : i32
      %dma_wait3A_181 = tpu.memref_slice %arg2[%dma_wait3A_179, %dma_wait3A_180] : memref<20000x128xf32, #tpu.memory_space<hbm>> -> memref<20000x128xf32, #tpu.memory_space<hbm>>
      tpu.wait_indirect_dma semaphore(%arg18 : memref<!tpu.dma_semaphore, #tpu.memory_space<semaphore_mem>>) src(%dma_wait3A_181 : memref<20000x128xf32, #tpu.memory_space<hbm>>) dst(%arg11 : memref<80x128xf32, #tpu.memory_space<vmem>>)
      %dma_wait3A_182 = arith.constant 0 : i32
      %dma_wait3A_183 = arith.constant 0 : i32
      %dma_wait3A_184 = arith.constant 0 : i32
      %dma_wait3A_185 = tpu.memref_slice %arg3[%arg0, %arg1, %dma_wait3A_182, %dma_wait3A_183, %dma_wait3A_184] : memref<2x16x126x2x80xi32, #tpu.memory_space<hbm>> -> memref<1x1x1x2x80xi32, #tpu.memory_space<hbm>>
      %dma_wait3A_186 = tpu.memref_squeeze %dma_wait3A_185 : memref<1x1x1x2x80xi32, #tpu.memory_space<hbm>> -> memref<2x80xi32, #tpu.memory_space<hbm>>
      %dma_wait3A_187 = arith.constant 0 : i32
      %dma_wait3A_188 = arith.constant 0 : i32
      %dma_wait3A_189 = tpu.memref_slice %arg3[%arg0, %arg1, %dma_wait3A_182, %dma_wait3A_187, %dma_wait3A_188] : memref<2x16x126x2x80xi32, #tpu.memory_space<hbm>> -> memref<1x1x1x2x80xi32, #tpu.memory_space<hbm>>
      %dma_wait3A_190 = tpu.memref_squeeze %dma_wait3A_189 : memref<1x1x1x2x80xi32, #tpu.memory_space<hbm>> -> memref<2x80xi32, #tpu.memory_space<hbm>>
      tpu.wait_dma2 semaphore(%arg14 : memref<!tpu.dma_semaphore, #tpu.memory_space<semaphore_mem>>) src(%dma_wait3A_190 : memref<2x80xi32, #tpu.memory_space<hbm>>) dst(%arg7 : memref<2x80xi32, #tpu.memory_space<vmem>>)
      %dma_start3A_191 = arith.constant 0 : i32
      %dma_start3A_192 = arith.constant 0 : i32
      %dma_start3A_193 = tpu.memref_slice %arg7[%dma_start3A_191, %dma_start3A_192] : memref<2x80xi32, #tpu.memory_space<vmem>> -> memref<1x80xi32, #tpu.memory_space<vmem>>
      %dma_start3A_194 = tpu.memref_squeeze %dma_start3A_193 : memref<1x80xi32, #tpu.memory_space<vmem>> -> memref<80xi32, #tpu.memory_space<vmem>>
      %dma_start3A_195 = arith.constant 0 : i32
      %dma_start3A_196 = arith.constant 0 : i32
      %dma_start3A_197 = tpu.memref_slice %arg2[%dma_start3A_195, %dma_start3A_196] : memref<20000x128xf32, #tpu.memory_space<hbm>> -> memref<20000x128xf32, #tpu.memory_space<hbm>>
      tpu.enqueue_indirect_dma source(%dma_start3A_197 : memref<20000x128xf32, #tpu.memory_space<hbm>>) target(%arg10 : memref<80x128xf32, #tpu.memory_space<vmem>>) offsets(%dma_start3A_194 : memref<80xi32, #tpu.memory_space<vmem>>) semaphore(%arg17 : memref<!tpu.dma_semaphore, #tpu.memory_space<semaphore_mem>>)
      %run_scoped3A_198 = arith.constant 1 : i32
      "tpu.region"() ({
        %run_scoped3A_210 = tpu.sem_alloc : memref<!tpu.dma_semaphore, #tpu.memory_space<semaphore_mem>>
        %dma_start3A_211 = arith.constant 0 : i32
        %dma_start3A_212 = tpu.memref_slice %arg8[%run_scoped3A_198, %dma_start3A_211] : memref<2x80xi32, #tpu.memory_space<vmem>> -> memref<1x80xi32, #tpu.memory_space<vmem>>
        %dma_start3A_213 = tpu.memref_squeeze %dma_start3A_212 : memref<1x80xi32, #tpu.memory_space<vmem>> -> memref<80xi32, #tpu.memory_space<vmem>>
        %dma_start3A_214 = arith.constant 0 : i32
        %dma_start3A_215 = arith.constant 0 : i32
        %dma_start3A_216 = tpu.memref_slice %arg12[%dma_start3A_214, %dma_start3A_215] : memref<10240x128xf32, #tpu.memory_space<vmem_shared>> -> memref<10240x128xf32, #tpu.memory_space<vmem_shared>>
        tpu.enqueue_indirect_dma source(%arg11 : memref<80x128xf32, #tpu.memory_space<vmem>>) target(%dma_start3A_216 : memref<10240x128xf32, #tpu.memory_space<vmem_shared>>) offsets(%dma_start3A_213 : memref<80xi32, #tpu.memory_space<vmem>>) semaphore(%run_scoped3A_210 : memref<!tpu.dma_semaphore, #tpu.memory_space<semaphore_mem>>) {add = true}
        %dma_wait3A_217 = arith.constant 0 : i32
        %dma_wait3A_218 = tpu.memref_slice %arg8[%run_scoped3A_198, %dma_wait3A_217] : memref<2x80xi32, #tpu.memory_space<vmem>> -> memref<1x80xi32, #tpu.memory_space<vmem>>
        %dma_wait3A_219 = tpu.memref_squeeze %dma_wait3A_218 : memref<1x80xi32, #tpu.memory_space<vmem>> -> memref<80xi32, #tpu.memory_space<vmem>>
        %dma_wait3A_220 = arith.constant 0 : i32
        %dma_wait3A_221 = arith.constant 0 : i32
        %dma_wait3A_222 = tpu.memref_slice %arg12[%dma_wait3A_220, %dma_wait3A_221] : memref<10240x128xf32, #tpu.memory_space<vmem_shared>> -> memref<10240x128xf32, #tpu.memory_space<vmem_shared>>
        tpu.wait_indirect_dma semaphore(%run_scoped3A_210 : memref<!tpu.dma_semaphore, #tpu.memory_space<semaphore_mem>>) src(%arg11 : memref<80x128xf32, #tpu.memory_space<vmem>>) dst(%dma_wait3A_222 : memref<10240x128xf32, #tpu.memory_space<vmem_shared>>)
        tpu.yield
      }) : () -> ()
      %add3A_199 = arith.constant 3 : i32
      %add3A_200 = arith.addi %add3A_174, %add3A_199 : i32
      %dma_start3A_201 = arith.constant 0 : i32
      %dma_start3A_202 = arith.constant 0 : i32
      %dma_start3A_203 = tpu.memref_slice %arg3[%arg0, %arg1, %add3A_200, %dma_start3A_201, %dma_start3A_202] : memref<2x16x126x2x80xi32, #tpu.memory_space<hbm>> -> memref<1x1x1x2x80xi32, #tpu.memory_space<hbm>>
      %dma_start3A_204 = tpu.memref_squeeze %dma_start3A_203 : memref<1x1x1x2x80xi32, #tpu.memory_space<hbm>> -> memref<2x80xi32, #tpu.memory_space<hbm>>
      %dma_start3A_205 = arith.constant 0 : i32
      %dma_start3A_206 = arith.constant 0 : i32
      %dma_start3A_207 = tpu.memref_slice %arg3[%arg0, %arg1, %add3A_200, %dma_start3A_205, %dma_start3A_206] : memref<2x16x126x2x80xi32, #tpu.memory_space<hbm>> -> memref<1x1x1x2x80xi32, #tpu.memory_space<hbm>>
      %dma_start3A_208 = tpu.memref_squeeze %dma_start3A_207 : memref<1x1x1x2x80xi32, #tpu.memory_space<hbm>> -> memref<2x80xi32, #tpu.memory_space<hbm>>
      tpu.enqueue_dma source(%dma_start3A_208 : memref<2x80xi32, #tpu.memory_space<hbm>>) target(%arg8 : memref<2x80xi32, #tpu.memory_space<vmem>>) target_semaphore(%arg15 : memref<!tpu.dma_semaphore, #tpu.memory_space<semaphore_mem>>)
      %scan3A_209 = arith.constant 0 : i32
      scf.yield %scan3A_209 : i32
    }
    %scan3A_63 = arith.constant 41 : i32
    %dma_wait3A_64 = arith.constant 0 : i32
    %dma_wait3A_65 = arith.constant 0 : i32
    %dma_wait3A_66 = tpu.memref_slice %arg6[%dma_wait3A_64, %dma_wait3A_65] : memref<2x80xi32, #tpu.memory_space<vmem>> -> memref<1x80xi32, #tpu.memory_space<vmem>>
    %dma_wait3A_67 = tpu.memref_squeeze %dma_wait3A_66 : memref<1x80xi32, #tpu.memory_space<vmem>> -> memref<80xi32, #tpu.memory_space<vmem>>
    %dma_wait3A_68 = arith.constant 0 : i32
    %dma_wait3A_69 = arith.constant 0 : i32
    %dma_wait3A_70 = tpu.memref_slice %arg2[%dma_wait3A_68, %dma_wait3A_69] : memref<20000x128xf32, #tpu.memory_space<hbm>> -> memref<20000x128xf32, #tpu.memory_space<hbm>>
    tpu.wait_indirect_dma semaphore(%arg16 : memref<!tpu.dma_semaphore, #tpu.memory_space<semaphore_mem>>) src(%dma_wait3A_70 : memref<20000x128xf32, #tpu.memory_space<hbm>>) dst(%arg9 : memref<80x128xf32, #tpu.memory_space<vmem>>)
    %run_scoped3A = arith.constant 1 : i32
    "tpu.region"() ({
      %run_scoped3A_95 = tpu.sem_alloc : memref<!tpu.dma_semaphore, #tpu.memory_space<semaphore_mem>>
      %dma_start3A_96 = arith.constant 0 : i32
      %dma_start3A_97 = tpu.memref_slice %arg6[%run_scoped3A, %dma_start3A_96] : memref<2x80xi32, #tpu.memory_space<vmem>> -> memref<1x80xi32, #tpu.memory_space<vmem>>
      %dma_start3A_98 = tpu.memref_squeeze %dma_start3A_97 : memref<1x80xi32, #tpu.memory_space<vmem>> -> memref<80xi32, #tpu.memory_space<vmem>>
      %dma_start3A_99 = arith.constant 0 : i32
      %dma_start3A_100 = arith.constant 0 : i32
      %dma_start3A_101 = tpu.memref_slice %arg12[%dma_start3A_99, %dma_start3A_100] : memref<10240x128xf32, #tpu.memory_space<vmem_shared>> -> memref<10240x128xf32, #tpu.memory_space<vmem_shared>>
      tpu.enqueue_indirect_dma source(%arg9 : memref<80x128xf32, #tpu.memory_space<vmem>>) target(%dma_start3A_101 : memref<10240x128xf32, #tpu.memory_space<vmem_shared>>) offsets(%dma_start3A_98 : memref<80xi32, #tpu.memory_space<vmem>>) semaphore(%run_scoped3A_95 : memref<!tpu.dma_semaphore, #tpu.memory_space<semaphore_mem>>) {add = true}
      %dma_wait3A_102 = arith.constant 0 : i32
      %dma_wait3A_103 = tpu.memref_slice %arg6[%run_scoped3A, %dma_wait3A_102] : memref<2x80xi32, #tpu.memory_space<vmem>> -> memref<1x80xi32, #tpu.memory_space<vmem>>
      %dma_wait3A_104 = tpu.memref_squeeze %dma_wait3A_103 : memref<1x80xi32, #tpu.memory_space<vmem>> -> memref<80xi32, #tpu.memory_space<vmem>>
      %dma_wait3A_105 = arith.constant 0 : i32
      %dma_wait3A_106 = arith.constant 0 : i32
      %dma_wait3A_107 = tpu.memref_slice %arg12[%dma_wait3A_105, %dma_wait3A_106] : memref<10240x128xf32, #tpu.memory_space<vmem_shared>> -> memref<10240x128xf32, #tpu.memory_space<vmem_shared>>
      tpu.wait_indirect_dma semaphore(%run_scoped3A_95 : memref<!tpu.dma_semaphore, #tpu.memory_space<semaphore_mem>>) src(%arg9 : memref<80x128xf32, #tpu.memory_space<vmem>>) dst(%dma_wait3A_107 : memref<10240x128xf32, #tpu.memory_space<vmem_shared>>)
      tpu.yield
    }) : () -> ()
    %dma_wait3A_71 = arith.constant 0 : i32
    %dma_wait3A_72 = arith.constant 0 : i32
    %dma_wait3A_73 = tpu.memref_slice %arg7[%dma_wait3A_71, %dma_wait3A_72] : memref<2x80xi32, #tpu.memory_space<vmem>> -> memref<1x80xi32, #tpu.memory_space<vmem>>
    %dma_wait3A_74 = tpu.memref_squeeze %dma_wait3A_73 : memref<1x80xi32, #tpu.memory_space<vmem>> -> memref<80xi32, #tpu.memory_space<vmem>>
    %dma_wait3A_75 = arith.constant 0 : i32
    %dma_wait3A_76 = arith.constant 0 : i32
    %dma_wait3A_77 = tpu.memref_slice %arg2[%dma_wait3A_75, %dma_wait3A_76] : memref<20000x128xf32, #tpu.memory_space<hbm>> -> memref<20000x128xf32, #tpu.memory_space<hbm>>
    tpu.wait_indirect_dma semaphore(%arg17 : memref<!tpu.dma_semaphore, #tpu.memory_space<semaphore_mem>>) src(%dma_wait3A_77 : memref<20000x128xf32, #tpu.memory_space<hbm>>) dst(%arg10 : memref<80x128xf32, #tpu.memory_space<vmem>>)
    %run_scoped3A_78 = arith.constant 1 : i32
    "tpu.region"() ({
      %run_scoped3A_95 = tpu.sem_alloc : memref<!tpu.dma_semaphore, #tpu.memory_space<semaphore_mem>>
      %dma_start3A_96 = arith.constant 0 : i32
      %dma_start3A_97 = tpu.memref_slice %arg7[%run_scoped3A_78, %dma_start3A_96] : memref<2x80xi32, #tpu.memory_space<vmem>> -> memref<1x80xi32, #tpu.memory_space<vmem>>
      %dma_start3A_98 = tpu.memref_squeeze %dma_start3A_97 : memref<1x80xi32, #tpu.memory_space<vmem>> -> memref<80xi32, #tpu.memory_space<vmem>>
      %dma_start3A_99 = arith.constant 0 : i32
      %dma_start3A_100 = arith.constant 0 : i32
      %dma_start3A_101 = tpu.memref_slice %arg12[%dma_start3A_99, %dma_start3A_100] : memref<10240x128xf32, #tpu.memory_space<vmem_shared>> -> memref<10240x128xf32, #tpu.memory_space<vmem_shared>>
      tpu.enqueue_indirect_dma source(%arg10 : memref<80x128xf32, #tpu.memory_space<vmem>>) target(%dma_start3A_101 : memref<10240x128xf32, #tpu.memory_space<vmem_shared>>) offsets(%dma_start3A_98 : memref<80xi32, #tpu.memory_space<vmem>>) semaphore(%run_scoped3A_95 : memref<!tpu.dma_semaphore, #tpu.memory_space<semaphore_mem>>) {add = true}
      %dma_wait3A_102 = arith.constant 0 : i32
      %dma_wait3A_103 = tpu.memref_slice %arg7[%run_scoped3A_78, %dma_wait3A_102] : memref<2x80xi32, #tpu.memory_space<vmem>> -> memref<1x80xi32, #tpu.memory_space<vmem>>
      %dma_wait3A_104 = tpu.memref_squeeze %dma_wait3A_103 : memref<1x80xi32, #tpu.memory_space<vmem>> -> memref<80xi32, #tpu.memory_space<vmem>>
      %dma_wait3A_105 = arith.constant 0 : i32
      %dma_wait3A_106 = arith.constant 0 : i32
      %dma_wait3A_107 = tpu.memref_slice %arg12[%dma_wait3A_105, %dma_wait3A_106] : memref<10240x128xf32, #tpu.memory_space<vmem_shared>> -> memref<10240x128xf32, #tpu.memory_space<vmem_shared>>
      tpu.wait_indirect_dma semaphore(%run_scoped3A_95 : memref<!tpu.dma_semaphore, #tpu.memory_space<semaphore_mem>>) src(%arg10 : memref<80x128xf32, #tpu.memory_space<vmem>>) dst(%dma_wait3A_107 : memref<10240x128xf32, #tpu.memory_space<vmem_shared>>)
      tpu.yield
    }) : () -> ()
    %dma_wait3A_79 = arith.constant 0 : i32
    %dma_wait3A_80 = arith.constant 0 : i32
    %dma_wait3A_81 = arith.constant 0 : i32
    %dma_wait3A_82 = tpu.memref_slice %arg3[%arg0, %arg1, %dma_wait3A_79, %dma_wait3A_80, %dma_wait3A_81] : memref<2x16x126x2x80xi32, #tpu.memory_space<hbm>> -> memref<1x1x1x2x80xi32, #tpu.memory_space<hbm>>
    %dma_wait3A_83 = tpu.memref_squeeze %dma_wait3A_82 : memref<1x1x1x2x80xi32, #tpu.memory_space<hbm>> -> memref<2x80xi32, #tpu.memory_space<hbm>>
    %dma_wait3A_84 = arith.constant 0 : i32
    %dma_wait3A_85 = arith.constant 0 : i32
    %dma_wait3A_86 = tpu.memref_slice %arg3[%arg0, %arg1, %dma_wait3A_79, %dma_wait3A_84, %dma_wait3A_85] : memref<2x16x126x2x80xi32, #tpu.memory_space<hbm>> -> memref<1x1x1x2x80xi32, #tpu.memory_space<hbm>>
    %dma_wait3A_87 = tpu.memref_squeeze %dma_wait3A_86 : memref<1x1x1x2x80xi32, #tpu.memory_space<hbm>> -> memref<2x80xi32, #tpu.memory_space<hbm>>
    tpu.wait_dma2 semaphore(%arg15 : memref<!tpu.dma_semaphore, #tpu.memory_space<semaphore_mem>>) src(%dma_wait3A_87 : memref<2x80xi32, #tpu.memory_space<hbm>>) dst(%arg8 : memref<2x80xi32, #tpu.memory_space<vmem>>)
    %barrier3A_88 = arith.constant 0 : index
    tpu.barrier barrier_id(%barrier3A_88)
    %mul3A_89 = arith.constant 640 : i32
    %mul3A_90 = arith.muli %arg1, %mul3A_89 : i32
    %mul3A_91 = arith.constant 10240 : i32
    %mul3A_92 = arith.muli %arg0, %mul3A_91 : i32
    %mul3A_93 = arith.constant 640 : i32
    %mul3A_94 = arith.muli %arg1, %mul3A_93 : i32
    %add3A = arith.addi %mul3A_92, %mul3A_94 : i32
    "tpu.region"() ({
      %run_scoped3A_95 = tpu.sem_alloc : memref<!tpu.dma_semaphore, #tpu.memory_space<semaphore_mem>>
      %dma_start3A_96 = arith.constant 0 : i32
      %dma_start3A_97 = tpu.memref_slice %arg5[%add3A, %dma_start3A_96] : memref<20480x128xf32, #tpu.memory_space<hbm>> -> memref<640x128xf32, #tpu.memory_space<hbm>>
      %dma_start3A_98 = arith.constant 0 : i32
      %dma_start3A_99 = tpu.memref_slice %arg12[%mul3A_90, %dma_start3A_98] : memref<10240x128xf32, #tpu.memory_space<vmem_shared>> -> memref<640x128xf32, #tpu.memory_space<vmem_shared>>
      tpu.enqueue_dma source(%dma_start3A_99 : memref<640x128xf32, #tpu.memory_space<vmem_shared>>) target(%dma_start3A_97 : memref<640x128xf32, #tpu.memory_space<hbm>>) target_semaphore(%run_scoped3A_95 : memref<!tpu.dma_semaphore, #tpu.memory_space<semaphore_mem>>)
      %dma_wait3A_100 = arith.constant 0 : i32
      %dma_wait3A_101 = tpu.memref_slice %arg5[%add3A, %dma_wait3A_100] : memref<20480x128xf32, #tpu.memory_space<hbm>> -> memref<640x128xf32, #tpu.memory_space<hbm>>
      %dma_wait3A_102 = arith.constant 0 : i32
      %dma_wait3A_103 = tpu.memref_slice %arg12[%mul3A_90, %dma_wait3A_102] : memref<10240x128xf32, #tpu.memory_space<vmem_shared>> -> memref<640x128xf32, #tpu.memory_space<vmem_shared>>
      tpu.wait_dma2 semaphore(%run_scoped3A_95 : memref<!tpu.dma_semaphore, #tpu.memory_space<semaphore_mem>>) src(%dma_wait3A_103 : memref<640x128xf32, #tpu.memory_space<vmem_shared>>) dst(%dma_wait3A_101 : memref<640x128xf32, #tpu.memory_space<hbm>>)
      tpu.yield
    }) : () -> ()
    return
  }
}

#map = affine_map<(d0, d1) -> (0, 0, 0)>
#map1 = affine_map<(d0, d1) -> (0, 0)>
module attributes {stable_mosaic.version = 14 : i64} {
  func.func @_degree(%arg0: i32, %arg1: i32, %arg2: memref<16x126x80xi32, #tpu.memory_space<hbm>>, %arg3: memref<640x128xf32, #tpu.memory_space<hbm>>, %arg4: memref<80x128xf32, #tpu.memory_space<hbm>>, %arg5: memref<20480x128xf32, #tpu.memory_space<hbm>>, %arg6: memref<126x80xi32, #tpu.memory_space<vmem>>, %arg7: memref<80x128xf32, #tpu.memory_space<vmem>>, %arg8: memref<10240x128xf32, #tpu.memory_space<vmem_shared>>) attributes {dimension_semantics = [#tpu.dimension_semantics<core_parallel>, #tpu.dimension_semantics<subcore_parallel>], iteration_bounds = array<i64: 2, 16>, scalar_prefetch = 0 : i64, scratch_operands = 3 : i64, tpu.core_type = #tpu.core_type<sc_vector_subcore>, window_params = [{transform_indices = #map}, {transform_indices = #map1}, {transform_indices = #map1}, {transform_indices = #map1}]} {
    %mul3A = arith.constant 640 : i32
    %mul3A_0 = arith.muli %arg1, %mul3A : i32
    "tpu.region"() ({
      %run_scoped3A = tpu.sem_alloc : memref<!tpu.dma_semaphore, #tpu.memory_space<semaphore_mem>>
      %dma_start3A = arith.constant 0 : i32
      %dma_start3A_16 = tpu.memref_slice %arg8[%mul3A_0, %dma_start3A] : memref<10240x128xf32, #tpu.memory_space<vmem_shared>> -> memref<640x128xf32, #tpu.memory_space<vmem_shared>>
      tpu.enqueue_dma source(%arg3 : memref<640x128xf32, #tpu.memory_space<hbm>>) target(%dma_start3A_16 : memref<640x128xf32, #tpu.memory_space<vmem_shared>>) target_semaphore(%run_scoped3A : memref<!tpu.dma_semaphore, #tpu.memory_space<semaphore_mem>>)
      %dma_wait3A = arith.constant 0 : i32
      %dma_wait3A_17 = tpu.memref_slice %arg8[%mul3A_0, %dma_wait3A] : memref<10240x128xf32, #tpu.memory_space<vmem_shared>> -> memref<640x128xf32, #tpu.memory_space<vmem_shared>>
      tpu.wait_dma2 semaphore(%run_scoped3A : memref<!tpu.dma_semaphore, #tpu.memory_space<semaphore_mem>>) src(%arg3 : memref<640x128xf32, #tpu.memory_space<hbm>>) dst(%dma_wait3A_17 : memref<640x128xf32, #tpu.memory_space<vmem_shared>>)
      tpu.yield
    }) : () -> ()
    "tpu.region"() ({
      %run_scoped3A = tpu.sem_alloc : memref<!tpu.dma_semaphore, #tpu.memory_space<semaphore_mem>>
      %dma_start3A = arith.constant 0 : i32
      %dma_start3A_16 = arith.constant 0 : i32
      %dma_start3A_17 = tpu.memref_slice %arg2[%arg1, %dma_start3A, %dma_start3A_16] : memref<16x126x80xi32, #tpu.memory_space<hbm>> -> memref<1x126x80xi32, #tpu.memory_space<hbm>>
      %dma_start3A_18 = tpu.memref_squeeze %dma_start3A_17 : memref<1x126x80xi32, #tpu.memory_space<hbm>> -> memref<126x80xi32, #tpu.memory_space<hbm>>
      %dma_start3A_19 = arith.constant 0 : i32
      %dma_start3A_20 = arith.constant 0 : i32
      %dma_start3A_21 = tpu.memref_slice %arg2[%arg1, %dma_start3A_19, %dma_start3A_20] : memref<16x126x80xi32, #tpu.memory_space<hbm>> -> memref<1x126x80xi32, #tpu.memory_space<hbm>>
      %dma_start3A_22 = tpu.memref_squeeze %dma_start3A_21 : memref<1x126x80xi32, #tpu.memory_space<hbm>> -> memref<126x80xi32, #tpu.memory_space<hbm>>
      tpu.enqueue_dma source(%dma_start3A_22 : memref<126x80xi32, #tpu.memory_space<hbm>>) target(%arg6 : memref<126x80xi32, #tpu.memory_space<vmem>>) target_semaphore(%run_scoped3A : memref<!tpu.dma_semaphore, #tpu.memory_space<semaphore_mem>>)
      %dma_wait3A = arith.constant 0 : i32
      %dma_wait3A_23 = arith.constant 0 : i32
      %dma_wait3A_24 = tpu.memref_slice %arg2[%arg1, %dma_wait3A, %dma_wait3A_23] : memref<16x126x80xi32, #tpu.memory_space<hbm>> -> memref<1x126x80xi32, #tpu.memory_space<hbm>>
      %dma_wait3A_25 = tpu.memref_squeeze %dma_wait3A_24 : memref<1x126x80xi32, #tpu.memory_space<hbm>> -> memref<126x80xi32, #tpu.memory_space<hbm>>
      %dma_wait3A_26 = arith.constant 0 : i32
      %dma_wait3A_27 = arith.constant 0 : i32
      %dma_wait3A_28 = tpu.memref_slice %arg2[%arg1, %dma_wait3A_26, %dma_wait3A_27] : memref<16x126x80xi32, #tpu.memory_space<hbm>> -> memref<1x126x80xi32, #tpu.memory_space<hbm>>
      %dma_wait3A_29 = tpu.memref_squeeze %dma_wait3A_28 : memref<1x126x80xi32, #tpu.memory_space<hbm>> -> memref<126x80xi32, #tpu.memory_space<hbm>>
      tpu.wait_dma2 semaphore(%run_scoped3A : memref<!tpu.dma_semaphore, #tpu.memory_space<semaphore_mem>>) src(%dma_wait3A_29 : memref<126x80xi32, #tpu.memory_space<hbm>>) dst(%arg6 : memref<126x80xi32, #tpu.memory_space<vmem>>)
      tpu.yield
    }) : () -> ()
    "tpu.region"() ({
      %run_scoped3A = tpu.sem_alloc : memref<!tpu.dma_semaphore, #tpu.memory_space<semaphore_mem>>
      tpu.enqueue_dma source(%arg4 : memref<80x128xf32, #tpu.memory_space<hbm>>) target(%arg7 : memref<80x128xf32, #tpu.memory_space<vmem>>) target_semaphore(%run_scoped3A : memref<!tpu.dma_semaphore, #tpu.memory_space<semaphore_mem>>)
      tpu.wait_dma2 semaphore(%run_scoped3A : memref<!tpu.dma_semaphore, #tpu.memory_space<semaphore_mem>>) src(%arg4 : memref<80x128xf32, #tpu.memory_space<hbm>>) dst(%arg7 : memref<80x128xf32, #tpu.memory_space<vmem>>)
      tpu.yield
    }) : () -> ()
    %barrier3A = arith.constant 0 : index
    tpu.barrier barrier_id(%barrier3A)
    %mul3A_1 = arith.constant 63 : i32
    %mul3A_2 = arith.muli %arg0, %mul3A_1 : i32
    %scan3A = arith.constant 0 : i32
    %scan3A_3 = arith.constant 0 : i32
    %scan3A_4 = arith.constant 63 : i32
    %scan3A_5 = arith.addi %scan3A_3, %scan3A_4 : i32
    %scan3A_6 = arith.constant 1 : i32
    %scan3A_7 = scf.for %scan3A_16 = %scan3A_3 to %scan3A_5 step %scan3A_6 iter_args(%scan3A_17 = %scan3A) -> (i32)  : i32 {
      %add3A_18 = arith.addi %mul3A_2, %scan3A_16 : i32
      "tpu.region"() ({
        %run_scoped3A = tpu.sem_alloc : memref<!tpu.dma_semaphore, #tpu.memory_space<semaphore_mem>>
        %dma_start3A = arith.constant 0 : i32
        %dma_start3A_20 = tpu.memref_slice %arg6[%add3A_18, %dma_start3A] : memref<126x80xi32, #tpu.memory_space<vmem>> -> memref<1x80xi32, #tpu.memory_space<vmem>>
        %dma_start3A_21 = tpu.memref_squeeze %dma_start3A_20 : memref<1x80xi32, #tpu.memory_space<vmem>> -> memref<80xi32, #tpu.memory_space<vmem>>
        %dma_start3A_22 = arith.constant 0 : i32
        %dma_start3A_23 = arith.constant 0 : i32
        %dma_start3A_24 = tpu.memref_slice %arg8[%dma_start3A_22, %dma_start3A_23] : memref<10240x128xf32, #tpu.memory_space<vmem_shared>> -> memref<10240x128xf32, #tpu.memory_space<vmem_shared>>
        tpu.enqueue_indirect_dma source(%arg7 : memref<80x128xf32, #tpu.memory_space<vmem>>) target(%dma_start3A_24 : memref<10240x128xf32, #tpu.memory_space<vmem_shared>>) offsets(%dma_start3A_21 : memref<80xi32, #tpu.memory_space<vmem>>) semaphore(%run_scoped3A : memref<!tpu.dma_semaphore, #tpu.memory_space<semaphore_mem>>) {add = true}
        %dma_wait3A = arith.constant 0 : i32
        %dma_wait3A_25 = tpu.memref_slice %arg6[%add3A_18, %dma_wait3A] : memref<126x80xi32, #tpu.memory_space<vmem>> -> memref<1x80xi32, #tpu.memory_space<vmem>>
        %dma_wait3A_26 = tpu.memref_squeeze %dma_wait3A_25 : memref<1x80xi32, #tpu.memory_space<vmem>> -> memref<80xi32, #tpu.memory_space<vmem>>
        %dma_wait3A_27 = arith.constant 0 : i32
        %dma_wait3A_28 = arith.constant 0 : i32
        %dma_wait3A_29 = tpu.memref_slice %arg8[%dma_wait3A_27, %dma_wait3A_28] : memref<10240x128xf32, #tpu.memory_space<vmem_shared>> -> memref<10240x128xf32, #tpu.memory_space<vmem_shared>>
        tpu.wait_indirect_dma semaphore(%run_scoped3A : memref<!tpu.dma_semaphore, #tpu.memory_space<semaphore_mem>>) src(%arg7 : memref<80x128xf32, #tpu.memory_space<vmem>>) dst(%dma_wait3A_29 : memref<10240x128xf32, #tpu.memory_space<vmem_shared>>)
        tpu.yield
      }) : () -> ()
      %scan3A_19 = arith.constant 0 : i32
      scf.yield %scan3A_19 : i32
    }
    %scan3A_8 = arith.constant 63 : i32
    %barrier3A_9 = arith.constant 0 : index
    tpu.barrier barrier_id(%barrier3A_9)
    %mul3A_10 = arith.constant 640 : i32
    %mul3A_11 = arith.muli %arg1, %mul3A_10 : i32
    %mul3A_12 = arith.constant 10240 : i32
    %mul3A_13 = arith.muli %arg0, %mul3A_12 : i32
    %mul3A_14 = arith.constant 640 : i32
    %mul3A_15 = arith.muli %arg1, %mul3A_14 : i32
    %add3A = arith.addi %mul3A_13, %mul3A_15 : i32
    "tpu.region"() ({
      %run_scoped3A = tpu.sem_alloc : memref<!tpu.dma_semaphore, #tpu.memory_space<semaphore_mem>>
      %dma_start3A = arith.constant 0 : i32
      %dma_start3A_16 = tpu.memref_slice %arg5[%add3A, %dma_start3A] : memref<20480x128xf32, #tpu.memory_space<hbm>> -> memref<640x128xf32, #tpu.memory_space<hbm>>
      %dma_start3A_17 = arith.constant 0 : i32
      %dma_start3A_18 = tpu.memref_slice %arg8[%mul3A_11, %dma_start3A_17] : memref<10240x128xf32, #tpu.memory_space<vmem_shared>> -> memref<640x128xf32, #tpu.memory_space<vmem_shared>>
      tpu.enqueue_dma source(%dma_start3A_18 : memref<640x128xf32, #tpu.memory_space<vmem_shared>>) target(%dma_start3A_16 : memref<640x128xf32, #tpu.memory_space<hbm>>) target_semaphore(%run_scoped3A : memref<!tpu.dma_semaphore, #tpu.memory_space<semaphore_mem>>)
      %dma_wait3A = arith.constant 0 : i32
      %dma_wait3A_19 = tpu.memref_slice %arg5[%add3A, %dma_wait3A] : memref<20480x128xf32, #tpu.memory_space<hbm>> -> memref<640x128xf32, #tpu.memory_space<hbm>>
      %dma_wait3A_20 = arith.constant 0 : i32
      %dma_wait3A_21 = tpu.memref_slice %arg8[%mul3A_11, %dma_wait3A_20] : memref<10240x128xf32, #tpu.memory_space<vmem_shared>> -> memref<640x128xf32, #tpu.memory_space<vmem_shared>>
      tpu.wait_dma2 semaphore(%run_scoped3A : memref<!tpu.dma_semaphore, #tpu.memory_space<semaphore_mem>>) src(%dma_wait3A_21 : memref<640x128xf32, #tpu.memory_space<vmem_shared>>) dst(%dma_wait3A_19 : memref<640x128xf32, #tpu.memory_space<hbm>>)
      tpu.yield
    }) : () -> ()
    return
  }
}

module attributes {stable_mosaic.version = 14 : i64} {
  func.func @body(%arg0: i32, %arg1: memref<2x1000x128xf32, #tpu.memory_space<vmem>>, %arg2: memref<2x1000x128xf32, #tpu.memory_space<vmem>>, %arg3: memref<2x1000x128xf32, #tpu.memory_space<vmem>>, %arg4: memref<256x256xf32, #tpu.memory_space<vmem>>, %arg5: memref<256x256xf32, #tpu.memory_space<vmem>>, %arg6: memref<1x256xf32, #tpu.memory_space<vmem>>, %arg7: memref<2x1000x128xf32, #tpu.memory_space<vmem>>) attributes {dimension_semantics = [#tpu.dimension_semantics<arbitrary>], iteration_bounds = array<i64: 10>, scalar_prefetch = 0 : i64, scratch_operands = 0 : i64, tpu.core_type = #tpu.core_type<tc>, window_params = [{transform_indices = @transform_0, window_bounds = array<i64: 2, 1000, 128>}, {transform_indices = @transform_1, window_bounds = array<i64: 2, 1000, 128>}, {transform_indices = @transform_2, window_bounds = array<i64: 2, 1000, 128>}, {pipeline_mode = #tpu.pipeline_mode<synchronous>, transform_indices = @transform_3, window_bounds = array<i64: 256, 256>}, {pipeline_mode = #tpu.pipeline_mode<synchronous>, transform_indices = @transform_4, window_bounds = array<i64: 256, 256>}, {pipeline_mode = #tpu.pipeline_mode<synchronous>, transform_indices = @transform_5, window_bounds = array<i64: 1, 256>}, {transform_indices = @transform_6, window_bounds = array<i64: 2, 1000, 128>}]} {
    %get3A = arith.constant 0 : index
    %get3A_0 = arith.constant 0 : index
    %get3A_1 = arith.constant 0 : index
    %get3A_2 = vector.load %arg3[%get3A, %get3A_0, %get3A_1] : memref<2x1000x128xf32, #tpu.memory_space<vmem>>, vector<1x1000x128xf32>
    %get3A_3 = vector.shape_cast %get3A_2 : vector<1x1000x128xf32> to vector<1000x128xf32>
    %slice3A = vector.extract_strided_slice %get3A_3 {offsets = [0, 0], sizes = [1000, 1], strides = [1, 1]} : vector<1000x128xf32> to vector<1000x1xf32>
    %get3A_4 = arith.constant 1 : index
    %get3A_5 = arith.constant 0 : index
    %get3A_6 = arith.constant 0 : index
    %get3A_7 = vector.load %arg3[%get3A_4, %get3A_5, %get3A_6] : memref<2x1000x128xf32, #tpu.memory_space<vmem>>, vector<1x1000x128xf32>
    %get3A_8 = vector.shape_cast %get3A_7 : vector<1x1000x128xf32> to vector<1000x128xf32>
    %slice3A_9 = vector.extract_strided_slice %get3A_8 {offsets = [0, 0], sizes = [1000, 1], strides = [1, 1]} : vector<1000x128xf32> to vector<1000x1xf32>
    %add3A = arith.addf %slice3A, %slice3A_9 : vector<1000x1xf32>
    %max3A = arith.constant 1.000000e+00 : f32
    %max3A_10 = vector.broadcast %max3A : f32 to vector<1000x1xf32>
    %max3A_11 = arith.maximumf %add3A, %max3A_10 : vector<1000x1xf32>
    %div3A = arith.constant 1.000000e+00 : f32
    %div3A_12 = vector.broadcast %div3A : f32 to vector<1000x1xf32>
    %div3A_13 = arith.divf %div3A_12, %max3A_11 : vector<1000x1xf32>
    %get3A_14 = arith.constant 0 : index
    %get3A_15 = arith.constant 0 : index
    %get3A_16 = arith.constant 0 : index
    %get3A_17 = vector.load %arg1[%get3A_14, %get3A_15, %get3A_16] : memref<2x1000x128xf32, #tpu.memory_space<vmem>>, vector<1x1000x128xf32>
    %get3A_18 = vector.shape_cast %get3A_17 : vector<1x1000x128xf32> to vector<1000x128xf32>
    %get3A_19 = arith.constant 1 : index
    %get3A_20 = arith.constant 0 : index
    %get3A_21 = arith.constant 0 : index
    %get3A_22 = vector.load %arg1[%get3A_19, %get3A_20, %get3A_21] : memref<2x1000x128xf32, #tpu.memory_space<vmem>>, vector<1x1000x128xf32>
    %get3A_23 = vector.shape_cast %get3A_22 : vector<1x1000x128xf32> to vector<1000x128xf32>
    %concatenate3A = tpu.concatenate %get3A_18, %get3A_23 in 1 : vector<1000x128xf32>, vector<1000x128xf32> -> vector<1000x256xf32>
    %mul3A = vector.broadcast %div3A_13 : vector<1000x1xf32> to vector<1000x256xf32>
    %mul3A_24 = arith.mulf %concatenate3A, %mul3A : vector<1000x256xf32>
    %get3A_25 = arith.constant 0 : index
    %get3A_26 = arith.constant 0 : index
    %get3A_27 = arith.constant 0 : index
    %get3A_28 = vector.load %arg2[%get3A_25, %get3A_26, %get3A_27] : memref<2x1000x128xf32, #tpu.memory_space<vmem>>, vector<1x1000x128xf32>
    %get3A_29 = vector.shape_cast %get3A_28 : vector<1x1000x128xf32> to vector<1000x128xf32>
    %get3A_30 = arith.constant 1 : index
    %get3A_31 = arith.constant 0 : index
    %get3A_32 = arith.constant 0 : index
    %get3A_33 = vector.load %arg2[%get3A_30, %get3A_31, %get3A_32] : memref<2x1000x128xf32, #tpu.memory_space<vmem>>, vector<1x1000x128xf32>
    %get3A_34 = vector.shape_cast %get3A_33 : vector<1x1000x128xf32> to vector<1000x128xf32>
    %concatenate3A_35 = tpu.concatenate %get3A_29, %get3A_34 in 1 : vector<1000x128xf32>, vector<1000x128xf32> -> vector<1000x256xf32>
    %get3A_36 = arith.constant 0 : index
    %get3A_37 = arith.constant 0 : index
    %get3A_38 = vector.load %arg4[%get3A_36, %get3A_37] : memref<256x256xf32, #tpu.memory_space<vmem>>, vector<256x256xf32>
    %dot_general3A = arith.constant dense<0.000000e+00> : vector<1000x256xf32>
    %dot_general3A_39 = tpu.matmul %mul3A_24, %get3A_38, %dot_general3A {dimension_numbers = #tpu.dot_dimension_numbers<[1], [0], [0], [1], [0, 0, 1, 1], [], []>, transpose_lhs_hint = false} : vector<1000x256xf32>, vector<256x256xf32>, vector<1000x256xf32> -> vector<1000x256xf32>
    %get3A_40 = arith.constant 0 : index
    %get3A_41 = arith.constant 0 : index
    %get3A_42 = vector.load %arg5[%get3A_40, %get3A_41] : memref<256x256xf32, #tpu.memory_space<vmem>>, vector<256x256xf32>
    %dot_general3A_43 = arith.constant dense<0.000000e+00> : vector<1000x256xf32>
    %dot_general3A_44 = tpu.matmul %concatenate3A_35, %get3A_42, %dot_general3A_43 {dimension_numbers = #tpu.dot_dimension_numbers<[1], [0], [0], [1], [0, 0, 1, 1], [], []>, transpose_lhs_hint = false} : vector<1000x256xf32>, vector<256x256xf32>, vector<1000x256xf32> -> vector<1000x256xf32>
    %add3A_45 = arith.addf %dot_general3A_39, %dot_general3A_44 : vector<1000x256xf32>
    %get3A_46 = arith.constant 0 : index
    %get3A_47 = arith.constant 0 : index
    %get3A_48 = vector.load %arg6[%get3A_46, %get3A_47] : memref<1x256xf32, #tpu.memory_space<vmem>>, vector<1x256xf32>
    %add3A_49 = vector.broadcast %get3A_48 : vector<1x256xf32> to vector<1000x256xf32>
    %add3A_50 = arith.addf %add3A_45, %add3A_49 : vector<1000x256xf32>
    %max3A_51 = arith.constant 0.000000e+00 : f32
    %max3A_52 = vector.broadcast %max3A_51 : f32 to vector<1000x256xf32>
    %max3A_53 = arith.maximumf %add3A_50, %max3A_52 : vector<1000x256xf32>
    %slice3A_54 = vector.extract_strided_slice %max3A_53 {offsets = [0, 0], sizes = [1000, 128], strides = [1, 1]} : vector<1000x256xf32> to vector<1000x128xf32>
    %swap3A = arith.constant 0 : index
    %swap3A_55 = arith.constant 0 : index
    %swap3A_56 = arith.constant 0 : index
    %swap3A_57 = vector.load %arg7[%swap3A, %swap3A_55, %swap3A_56] : memref<2x1000x128xf32, #tpu.memory_space<vmem>>, vector<1x1000x128xf32>
    %swap3A_58 = vector.shape_cast %swap3A_57 : vector<1x1000x128xf32> to vector<1000x128xf32>
    %swap3A_59 = vector.shape_cast %slice3A_54 : vector<1000x128xf32> to vector<1x1000x128xf32>
    tpu.vector_store %arg7[%swap3A, %swap3A_55, %swap3A_56], %swap3A_59 {strides = array<i32>} : memref<2x1000x128xf32, #tpu.memory_space<vmem>>, vector<1x1000x128xf32>,
    %slice3A_60 = vector.extract_strided_slice %max3A_53 {offsets = [0, 128], sizes = [1000, 128], strides = [1, 1]} : vector<1000x256xf32> to vector<1000x128xf32>
    %swap3A_61 = arith.constant 1 : index
    %swap3A_62 = arith.constant 0 : index
    %swap3A_63 = arith.constant 0 : index
    %swap3A_64 = vector.load %arg7[%swap3A_61, %swap3A_62, %swap3A_63] : memref<2x1000x128xf32, #tpu.memory_space<vmem>>, vector<1x1000x128xf32>
    %swap3A_65 = vector.shape_cast %swap3A_64 : vector<1x1000x128xf32> to vector<1000x128xf32>
    %swap3A_66 = vector.shape_cast %slice3A_60 : vector<1000x128xf32> to vector<1x1000x128xf32>
    tpu.vector_store %arg7[%swap3A_61, %swap3A_62, %swap3A_63], %swap3A_66 {strides = array<i32>} : memref<2x1000x128xf32, #tpu.memory_space<vmem>>, vector<1x1000x128xf32>,
    return
  }
  func.func @transform_0(%arg0: i32) -> (i32, i32, i32) {
    %c0_i32 = arith.constant 0 : i32
    %c0_i32_0 = arith.constant 0 : i32
    %c0_i32_1 = arith.constant 0 : i32
    return %c0_i32, %arg0, %c0_i32_0 : i32, i32, i32
  }
  func.func @transform_1(%arg0: i32) -> (i32, i32, i32) {
    %c0_i32 = arith.constant 0 : i32
    %c0_i32_0 = arith.constant 0 : i32
    %c0_i32_1 = arith.constant 0 : i32
    return %c0_i32, %arg0, %c0_i32_0 : i32, i32, i32
  }
  func.func @transform_2(%arg0: i32) -> (i32, i32, i32) {
    %c0_i32 = arith.constant 0 : i32
    %c0_i32_0 = arith.constant 0 : i32
    %c0_i32_1 = arith.constant 0 : i32
    return %c0_i32, %arg0, %c0_i32_0 : i32, i32, i32
  }
  func.func @transform_3(%arg0: i32) -> (i32, i32) {
    %c0_i32 = arith.constant 0 : i32
    %c0_i32_0 = arith.constant 0 : i32
    %c0_i32_1 = arith.constant 0 : i32
    return %c0_i32, %c0_i32_0 : i32, i32
  }
  func.func @transform_4(%arg0: i32) -> (i32, i32) {
    %c0_i32 = arith.constant 0 : i32
    %c0_i32_0 = arith.constant 0 : i32
    %c0_i32_1 = arith.constant 0 : i32
    return %c0_i32, %c0_i32_0 : i32, i32
  }
  func.func @transform_5(%arg0: i32) -> (i32, i32) {
    %c0_i32 = arith.constant 0 : i32
    %c0_i32_0 = arith.constant 0 : i32
    %c0_i32_1 = arith.constant 0 : i32
    return %c0_i32, %c0_i32_0 : i32, i32
  }
  func.func @transform_6(%arg0: i32) -> (i32, i32, i32) {
    %c0_i32 = arith.constant 0 : i32
    %c0_i32_0 = arith.constant 0 : i32
    %c0_i32_1 = arith.constant 0 : i32
    return %c0_i32, %arg0, %c0_i32_0 : i32, i32, i32
  }
}

module attributes {stable_mosaic.version = 14 : i64} {
  func.func @body(%arg0: i32, %arg1: memref<2x1000x128xf32, #tpu.memory_space<vmem>>, %arg2: memref<2x1000x128xf32, #tpu.memory_space<vmem>>, %arg3: memref<2x1000x128xf32, #tpu.memory_space<vmem>>, %arg4: memref<256x256xf32, #tpu.memory_space<vmem>>, %arg5: memref<256x256xf32, #tpu.memory_space<vmem>>, %arg6: memref<1x256xf32, #tpu.memory_space<vmem>>, %arg7: memref<1000x256xf32, #tpu.memory_space<vmem>>) attributes {dimension_semantics = [#tpu.dimension_semantics<arbitrary>], iteration_bounds = array<i64: 10>, scalar_prefetch = 0 : i64, scratch_operands = 0 : i64, tpu.core_type = #tpu.core_type<tc>, window_params = [{transform_indices = @transform_0, window_bounds = array<i64: 2, 1000, 128>}, {transform_indices = @transform_1, window_bounds = array<i64: 2, 1000, 128>}, {transform_indices = @transform_2, window_bounds = array<i64: 2, 1000, 128>}, {pipeline_mode = #tpu.pipeline_mode<synchronous>, transform_indices = @transform_3, window_bounds = array<i64: 256, 256>}, {pipeline_mode = #tpu.pipeline_mode<synchronous>, transform_indices = @transform_4, window_bounds = array<i64: 256, 256>}, {pipeline_mode = #tpu.pipeline_mode<synchronous>, transform_indices = @transform_5, window_bounds = array<i64: 1, 256>}, {transform_indices = @transform_6, window_bounds = array<i64: 1000, 256>}]} {
    %get3A = arith.constant 0 : index
    %get3A_0 = arith.constant 0 : index
    %get3A_1 = arith.constant 0 : index
    %get3A_2 = vector.load %arg3[%get3A, %get3A_0, %get3A_1] : memref<2x1000x128xf32, #tpu.memory_space<vmem>>, vector<1x1000x128xf32>
    %get3A_3 = vector.shape_cast %get3A_2 : vector<1x1000x128xf32> to vector<1000x128xf32>
    %slice3A = vector.extract_strided_slice %get3A_3 {offsets = [0, 0], sizes = [1000, 1], strides = [1, 1]} : vector<1000x128xf32> to vector<1000x1xf32>
    %get3A_4 = arith.constant 1 : index
    %get3A_5 = arith.constant 0 : index
    %get3A_6 = arith.constant 0 : index
    %get3A_7 = vector.load %arg3[%get3A_4, %get3A_5, %get3A_6] : memref<2x1000x128xf32, #tpu.memory_space<vmem>>, vector<1x1000x128xf32>
    %get3A_8 = vector.shape_cast %get3A_7 : vector<1x1000x128xf32> to vector<1000x128xf32>
    %slice3A_9 = vector.extract_strided_slice %get3A_8 {offsets = [0, 0], sizes = [1000, 1], strides = [1, 1]} : vector<1000x128xf32> to vector<1000x1xf32>
    %add3A = arith.addf %slice3A, %slice3A_9 : vector<1000x1xf32>
    %max3A = arith.constant 1.000000e+00 : f32
    %max3A_10 = vector.broadcast %max3A : f32 to vector<1000x1xf32>
    %max3A_11 = arith.maximumf %add3A, %max3A_10 : vector<1000x1xf32>
    %div3A = arith.constant 1.000000e+00 : f32
    %div3A_12 = vector.broadcast %div3A : f32 to vector<1000x1xf32>
    %div3A_13 = arith.divf %div3A_12, %max3A_11 : vector<1000x1xf32>
    %get3A_14 = arith.constant 0 : index
    %get3A_15 = arith.constant 0 : index
    %get3A_16 = arith.constant 0 : index
    %get3A_17 = vector.load %arg1[%get3A_14, %get3A_15, %get3A_16] : memref<2x1000x128xf32, #tpu.memory_space<vmem>>, vector<1x1000x128xf32>
    %get3A_18 = vector.shape_cast %get3A_17 : vector<1x1000x128xf32> to vector<1000x128xf32>
    %get3A_19 = arith.constant 1 : index
    %get3A_20 = arith.constant 0 : index
    %get3A_21 = arith.constant 0 : index
    %get3A_22 = vector.load %arg1[%get3A_19, %get3A_20, %get3A_21] : memref<2x1000x128xf32, #tpu.memory_space<vmem>>, vector<1x1000x128xf32>
    %get3A_23 = vector.shape_cast %get3A_22 : vector<1x1000x128xf32> to vector<1000x128xf32>
    %concatenate3A = tpu.concatenate %get3A_18, %get3A_23 in 1 : vector<1000x128xf32>, vector<1000x128xf32> -> vector<1000x256xf32>
    %mul3A = vector.broadcast %div3A_13 : vector<1000x1xf32> to vector<1000x256xf32>
    %mul3A_24 = arith.mulf %concatenate3A, %mul3A : vector<1000x256xf32>
    %get3A_25 = arith.constant 0 : index
    %get3A_26 = arith.constant 0 : index
    %get3A_27 = arith.constant 0 : index
    %get3A_28 = vector.load %arg2[%get3A_25, %get3A_26, %get3A_27] : memref<2x1000x128xf32, #tpu.memory_space<vmem>>, vector<1x1000x128xf32>
    %get3A_29 = vector.shape_cast %get3A_28 : vector<1x1000x128xf32> to vector<1000x128xf32>
    %get3A_30 = arith.constant 1 : index
    %get3A_31 = arith.constant 0 : index
    %get3A_32 = arith.constant 0 : index
    %get3A_33 = vector.load %arg2[%get3A_30, %get3A_31, %get3A_32] : memref<2x1000x128xf32, #tpu.memory_space<vmem>>, vector<1x1000x128xf32>
    %get3A_34 = vector.shape_cast %get3A_33 : vector<1x1000x128xf32> to vector<1000x128xf32>
    %concatenate3A_35 = tpu.concatenate %get3A_29, %get3A_34 in 1 : vector<1000x128xf32>, vector<1000x128xf32> -> vector<1000x256xf32>
    %get3A_36 = arith.constant 0 : index
    %get3A_37 = arith.constant 0 : index
    %get3A_38 = vector.load %arg4[%get3A_36, %get3A_37] : memref<256x256xf32, #tpu.memory_space<vmem>>, vector<256x256xf32>
    %dot_general3A = arith.constant dense<0.000000e+00> : vector<1000x256xf32>
    %dot_general3A_39 = tpu.matmul %mul3A_24, %get3A_38, %dot_general3A {dimension_numbers = #tpu.dot_dimension_numbers<[1], [0], [0], [1], [0, 0, 1, 1], [], []>, transpose_lhs_hint = false} : vector<1000x256xf32>, vector<256x256xf32>, vector<1000x256xf32> -> vector<1000x256xf32>
    %get3A_40 = arith.constant 0 : index
    %get3A_41 = arith.constant 0 : index
    %get3A_42 = vector.load %arg5[%get3A_40, %get3A_41] : memref<256x256xf32, #tpu.memory_space<vmem>>, vector<256x256xf32>
    %dot_general3A_43 = arith.constant dense<0.000000e+00> : vector<1000x256xf32>
    %dot_general3A_44 = tpu.matmul %concatenate3A_35, %get3A_42, %dot_general3A_43 {dimension_numbers = #tpu.dot_dimension_numbers<[1], [0], [0], [1], [0, 0, 1, 1], [], []>, transpose_lhs_hint = false} : vector<1000x256xf32>, vector<256x256xf32>, vector<1000x256xf32> -> vector<1000x256xf32>
    %add3A_45 = arith.addf %dot_general3A_39, %dot_general3A_44 : vector<1000x256xf32>
    %get3A_46 = arith.constant 0 : index
    %get3A_47 = arith.constant 0 : index
    %get3A_48 = vector.load %arg6[%get3A_46, %get3A_47] : memref<1x256xf32, #tpu.memory_space<vmem>>, vector<1x256xf32>
    %add3A_49 = vector.broadcast %get3A_48 : vector<1x256xf32> to vector<1000x256xf32>
    %add3A_50 = arith.addf %add3A_45, %add3A_49 : vector<1000x256xf32>
    %swap3A = arith.constant 0 : index
    %swap3A_51 = arith.constant 0 : index
    %swap3A_52 = vector.load %arg7[%swap3A, %swap3A_51] : memref<1000x256xf32, #tpu.memory_space<vmem>>, vector<1000x256xf32>
    tpu.vector_store %arg7[%swap3A, %swap3A_51], %add3A_50 {strides = array<i32>} : memref<1000x256xf32, #tpu.memory_space<vmem>>, vector<1000x256xf32>,
    return
  }
  func.func @transform_0(%arg0: i32) -> (i32, i32, i32) {
    %c0_i32 = arith.constant 0 : i32
    %c0_i32_0 = arith.constant 0 : i32
    %c0_i32_1 = arith.constant 0 : i32
    return %c0_i32, %arg0, %c0_i32_0 : i32, i32, i32
  }
  func.func @transform_1(%arg0: i32) -> (i32, i32, i32) {
    %c0_i32 = arith.constant 0 : i32
    %c0_i32_0 = arith.constant 0 : i32
    %c0_i32_1 = arith.constant 0 : i32
    return %c0_i32, %arg0, %c0_i32_0 : i32, i32, i32
  }
  func.func @transform_2(%arg0: i32) -> (i32, i32, i32) {
    %c0_i32 = arith.constant 0 : i32
    %c0_i32_0 = arith.constant 0 : i32
    %c0_i32_1 = arith.constant 0 : i32
    return %c0_i32, %arg0, %c0_i32_0 : i32, i32, i32
  }
  func.func @transform_3(%arg0: i32) -> (i32, i32) {
    %c0_i32 = arith.constant 0 : i32
    %c0_i32_0 = arith.constant 0 : i32
    %c0_i32_1 = arith.constant 0 : i32
    return %c0_i32, %c0_i32_0 : i32, i32
  }
  func.func @transform_4(%arg0: i32) -> (i32, i32) {
    %c0_i32 = arith.constant 0 : i32
    %c0_i32_0 = arith.constant 0 : i32
    %c0_i32_1 = arith.constant 0 : i32
    return %c0_i32, %c0_i32_0 : i32, i32
  }
  func.func @transform_5(%arg0: i32) -> (i32, i32) {
    %c0_i32 = arith.constant 0 : i32
    %c0_i32_0 = arith.constant 0 : i32
    %c0_i32_1 = arith.constant 0 : i32
    return %c0_i32, %c0_i32_0 : i32, i32
  }
  func.func @transform_6(%arg0: i32) -> (i32, i32) {
    %c0_i32 = arith.constant 0 : i32
    %c0_i32_0 = arith.constant 0 : i32
    return %arg0, %c0_i32 : i32, i32
  }
}

</mosaic_0001>

<sc_bundles>
// kernel: kernel.12.cloned.1.call-start
scs
__scs_entry_jumppad:
0x0: {  	(pc) =	sbr.rel $0x88, $3  }
0x1: {  	(tag) =	ssettag $0x0;
	lr =	simm.s32 $0x1  }
0x2: {  	[smem:$0x3F96] =	sst lr;
	_ =	strace $0xD0000000  }
0x3: {  	_ = 	snop  }
0x4: {  	_ = 	snop  }
0x5: {  	_ = 	snop  }
0x6: {  	_ = 	snop  }
0x7: {  	_ = 	snop  }
__scs_overlays_trampoline_lowered:
0x8: {  	[smem:$0x3FA5] =	sst s0  }
0x9: {  	[smem:$0x3FA6] =	sst s1  }
0xa: {  	[smem:$0x3FA7] =	sst s2  }
0xb: {  	[smem:$0x3FA8] =	sst s3  }
0xc: {  	[smem:$0x3FA9] =	sst s4  }
0xd: {  	[smem:$0x3FAA] =	sst s5  }
0xe: {  	[smem:$0x3FAB] =	sst s6  }
0xf: {  	[smem:$0x3FAC] =	sst s7  }
0x10: {  	[smem:$0x3FAD] =	sst s8  }
0x11: {  	[smem:$0x3FAE] =	sst s9;
	s0 =	simm.s32 @!p0 $0x0  }
0x12: {  	s1 =	sld [smem:$0x3F94];
	s0 =	simm.s32 @p0 $0x1  }
0x13: {  	[smem:$0x3FAF] =	sst s0;
	s0 =	simm.s32 @!p1 $0x0  }
0x14: {  	s2 =	sld [smem:$0x3F93];
	s0 =	simm.s32 @p1 $0x1  }
0x15: {  	[smem:$0x3FB0] =	sst s0;
	s0 =	simm.s32 @!p2 $0x0  }
0x16: {  	s3 =	sld [smem:$0x3FDB];
	s0 =	simm.s32 @p2 $0x1  }
0x17: {  	s4 =	simm.s32 $0x1BF5;
	[smem:$0x3FB2] =	sst s0  }
0x18: {  	s0 =	sld [smem:$0x3F95];
	_ =	swait.ge [sflag:s4], $0x0  }
0x19: {  	s7 =	sld [smem:$0x3F96]  }
0x1a: {  	s8 =	sadd.s32 $0xFFFFE003, lr  }
0x1b: {  	s9 =	sadd.s32 $0xFFFFFEF7, lr;
	s5 =	simm.s32 $0xFFFFFFFF;
	p2 =	slt.u32 s8, $0xFFFFF086  }
0x1c: {  	p1 =	slt.u32 s9, $0xF7A;
	s5 =	simm.s32 @!p2 $0x0  }
0x1d: {  	s5 =	simm.s32 @p1 $0x1;
	p0 =	seq.s32 s7, s2  }
0x1e: {  	s7 =	smul.u32 @!p0 $0xF7A, s2;
	p2 =	seq.s32 @!p0 s5, $0x0  }
0x1f: {  	s9 =	smul.u32 $0xF7A, s1;
	s8 =	simm.s32 @!p0 $0x1BF5;
	p2 =	por !p2, p0  }
0x20: {  	[sflag:s8] =	ssyncset.s32 @!p0 $0xFFFFF086;
	s6 =	sadd.s32 @!p0 s3, s7;
	s7 =	simm.s32 @!p0 $0x108  }
0x21: {  	s3 =	sadd.s32 s3, s9;
	s6 =	sadd.s32 @!p0 $0x88, s6;
	s7 =	simm.s32 @p2 $0x1082  }
0x22: {  	[simem:s7], [sflag:s8] =	dma.local @!p0 [hbm:s6], $0xF7A  }
0x23: {  	s9 =	sor.u32 $0xD0000000, s2;
	s6 =	simm.s32 $0x108;
	_ =	swait.ge @!p0 [sflag:s8], $0x0  }
0x24: {  	s3 =	sadd.s32 $0x88, s3;
	s6 =	simm.s32 @!p1 $0x1082;
	[sflag:s4] =	ssyncset.s32 $0xFFFFF086  }
0x25: {  	[simem:s6], [sflag:s4] =	dma.local [hbm:s3], $0xF7A  }
0x26: {  	[smem:$0x3F96] =	sst s1;
	(tag) =	ssettag s2;
	_ =	strace s9  }
0x27: {  	s1 =	sld [smem:$0x3FA6]  }
0x28: {  	s2 =	sld [smem:$0x3FA7]  }
0x29: {  	s4 =	sld [smem:$0x3FA9]  }
0x2a: {  	p0 =	seq.s32 s5, $0x0;
	s5 =	sld [smem:$0x3FAA]  }
0x2b: {  	s6 =	sld [smem:$0x3FAB]  }
0x2c: {  	s7 =	sld [smem:$0x3FAC]  }
0x2d: {  	s3 =	simm.s32 $0x108;
	s8 =	sld [smem:$0x3FAD]  }
0x2e: {  	s3 =	simm.s32 @!p0 $0x1082;
	s9 =	sld [smem:$0x3FAE]  }
0x2f: {  	lr =	sadd.s32 s0, s3;
	s0 =	sld [smem:$0x3FA5]  }
0x30: {  	s3 =	sld [smem:$0x3FA8]  }
0x31: {  	[smem:$0x3FB1] =	sst s10  }
0x32: {  	s10 =	sld [smem:$0x3FAF];
	_ =	sdelay $0x3  }
0x33: {  	p0 =	seq.s32 s10, $0x1;
	s10 =	sld [smem:$0x3FB1];
	_ =	sdelay $0x3  }
0x34: {  	[smem:$0x3FB1] =	sst s10  }
0x35: {  	s10 =	sld [smem:$0x3FB0];
	_ =	sdelay $0x3  }
0x36: {  	p1 =	seq.s32 s10, $0x1;
	s10 =	sld [smem:$0x3FB1];
	_ =	sdelay $0x3  }
0x37: {  	[smem:$0x3FB1] =	sst s10  }
0x38: {  	s10 =	sld [smem:$0x3FB2]  }
0x39: {  	_ = 	snop;
	(pc) =	sbr.ind lr, $3  }
0x3a: {  	_ = 	snop  }
0x3b: {  	_ = 	snop  }
0x3c: {  	p2 =	seq.s32 s10, $0x1;
	s10 =	sld [smem:$0x3FB1]  }
0x3d: {  	_ =	shalt  }
0x3e: {  	_ =	shalt  }
0x3f: {  	_ =	shalt  }
0x40: {  	_ =	shalt  }
0x41: {  	_ =	shalt  }
0x42: {  	_ =	shalt  }
0x43: {  	_ =	shalt  }
0x44: {  	_ =	shalt  }
0x45: {  	_ =	shalt  }
0x46: {  	_ =	shalt  }
0x47: {  	_ =	shalt  }
0x48: {  	_ =	shalt  }
0x49: {  	_ =	shalt  }
0x4a: {  	_ =	shalt  }
0x4b: {  	_ =	shalt  }
0x4c: {  	_ =	shalt  }
0x4d: {  	_ =	shalt  }
0x4e: {  	_ =	shalt  }
0x4f: {  	_ =	shalt  }
0x50: {  	_ =	shalt  }
0x51: {  	_ =	shalt  }
0x52: {  	_ =	shalt  }
0x53: {  	_ =	shalt  }
0x54: {  	_ =	shalt  }
0x55: {  	_ =	shalt  }
0x56: {  	_ =	shalt  }
0x57: {  	_ =	shalt  }
0x58: {  	_ =	shalt  }
0x59: {  	_ =	shalt  }
0x5a: {  	_ =	shalt  }
0x5b: {  	_ =	shalt  }
0x5c: {  	_ =	shalt  }
0x5d: {  	_ =	shalt  }
0x5e: {  	_ =	shalt  }
0x5f: {  	_ =	shalt  }
0x60: {  	_ =	shalt  }
0x61: {  	_ =	shalt  }
0x62: {  	_ =	shalt  }
0x63: {  	_ =	shalt  }
0x64: {  	_ =	shalt  }
0x65: {  	_ =	shalt  }
0x66: {  	_ =	shalt  }
0x67: {  	_ =	shalt  }
0x68: {  	_ =	shalt  }
0x69: {  	_ =	shalt  }
0x6a: {  	_ =	shalt  }
0x6b: {  	_ =	shalt  }
0x6c: {  	_ =	shalt  }
0x6d: {  	_ =	shalt  }
0x6e: {  	_ =	shalt  }
0x6f: {  	_ =	shalt  }
0x70: {  	_ =	shalt  }
0x71: {  	_ =	shalt  }
0x72: {  	_ =	shalt  }
0x73: {  	_ =	shalt  }
0x74: {  	_ =	shalt  }
0x75: {  	_ =	shalt  }
0x76: {  	_ =	shalt  }
0x77: {  	_ =	shalt  }
0x78: {  	_ =	shalt  }
0x79: {  	_ =	shalt  }
0x7a: {  	_ =	shalt  }
0x7b: {  	_ =	shalt  }
0x7c: {  	_ =	shalt  }
0x7d: {  	_ =	shalt  }
0x7e: {  	_ =	shalt  }
0x7f: {  	_ =	shalt  }
0x80: {  	_ =	shalt  }
0x81: {  	_ =	shalt  }
0x82: {  	_ =	shalt  }
0x83: {  	_ =	shalt  }
0x84: {  	_ =	shalt  }
0x85: {  	_ =	shalt  }
0x86: {  	_ =	shalt  }
0x87: {  	_ =	shalt  }
.Lfunc_end0:
.L_simem_size_0:
called_computation.1_lowered:
.L_overlay_start_0:
0x88: {  	s2 =	sld [smem:$0x3FD9]  }
0x89: {  	s3 =	sld [smem:$0x3FFE];
	_ =	sdelay $0x1  }
0x8a: {  	s1 =	srdreg.scid  }
0x8b: {  	s0 =	sand.u32 $0x1, s1  }
0x8c: {  	s17 =	sshll.u32 s0, $0xA;
	s2 =	sadd.s32 s3, s2  }
0x8d: {  	s2 =	sadd.s32 s2, s17  }
0x8e: {  	[smem:$0x3FBD] =	sst s2  }
0x8f: {  	_ = 	snop  }
0x90: {  	s2 =	sld [smem:$0x3FD0];
	(tm) =	ssettm $0x1  }
0x91: {  	s18 =	sld [smem:$0x3FFB];
	_ =	sdelay $0x3  }
0x92: {  	_ =	strace s18  }
0x93: {  	s3 =	sld [smem:$0x3FFC];
	_ =	sdelay $0x3  }
0x94: {  	_ =	strace s3  }
0x95: {  	s3 =	sld [smem:$0x3FFD];
	_ =	sdelay $0x3  }
0x96: {  	_ =	strace s3  }
0x97: {  	_ =	strace $0x8FFFFFFF  }
0x98: {  	s19 =	sld [smem:$0x3FDB];
	_ =	sdelay $0x1  }
0x99: {  	s4 =	simm.s32 $_scs_section_size  }
0x9a: {  	s5 =	simm.s32 $_size__tile_overlayer_lowered;
	s6 =	simm.s32 $_tile_overlayer_lowered  }
0x9b: {  	s22 =	simm.s32 $0x1BFF;
	s21 =	sshll.u32 s6, $0x1;
	s3 =	sadd.s32 s4, s19  }
0x9c: {  	s7 =	simm.s32 $0x0;
	s20 =	sshll.u32 s5, $0x1;
	s5 =	sadd.s32 s21, s3  }
0x9d: {  	[timem:s7], [sflag:s22] =	dma.local [hbm:s5], s20  }
0x9e: {  	_ =	swait.ge [sflag:s22], s20  }
0x9f: {  	s4 =	ssub.s32 $0x0, s20;
	[sflag:s22] =	ssyncset.done $0x0  }
0xa0: {  	[sflag:s22] =	ssyncadd.s32 s4;
	_ =	sdelay $0x1  }
0xa1: {  	s23 =	simm.s32 $0x1B8B  }
0xa2: {  	_ =	swait.ge [sflag:s23], $0x1  }
0xa3: {  	[sflag:s23] =	ssyncset.done $0x0  }
0xa4: {  	s25 =	simm.s32 $0x1B8E;
	s24 =	sld [smem:$0x3FFE];
	[sflag:s23] =	ssyncadd.s32 $0xFFFFFFFF  }
0xa5: {  	s26 =	simm.s32 $execute0_lowered;
	[smem:$0x3FD2] =	sst s25  }
0xa6: {  	s5 =	sshll.u32 s26, $0x1;
	_ =	strace $0x80000046;
	[dreg:$0x1] =	wrdreg $0xFFFFFFFF  }
0xa7: {  	s28 =	simm.s32 $_size_execute0_lowered;
	s3 =	sadd.s32 s3, s5;
	[dreg:$0x0] =	wrdreg $0x0  }
0xa8: {  	s5 =	sshll.u32 s28, $0x1;
	[dreg:$0x2] =	wrdreg s3  }
0xa9: {  	[dreg:$0x3] =	wrdreg s5  }
0xaa: {  	[dreg:$0x4] =	wrdreg $0xC0  }
0xab: {  	_ =	task [dreg:s7], $0x5FFFF  }
0xac: {  	[dreg:$0x1] =	wrdreg $0xFFFFFFFF  }
0xad: {  	[dreg:$0x0] =	wrdreg $0x60  }
0xae: {  	[dreg:$0x2] =	wrdreg s2  }
0xaf: {  	[dreg:$0x3] =	wrdreg s24  }
0xb0: {  	[dreg:$0x4] =	wrdreg $0x7B000  }
0xb1: {  	[dreg:$0x5] =	wrdreg $0xA  }
0xb2: {  	_ =	task.clear_ibuf [dreg:s7], $0x6FFFF;
	_ =	strace $0x90000046  }
0xb3: {  	s29 =	simm.s32 $0xA;
	_ =	strace $0x80000048  }
0xb4: {  	_ =	swait.ge [sflag:s29], $0x1  }
0xb5: {  	[sflag:s29] =	ssyncadd.s32 $0xFFFFFFFF  }
0xb6: {  	_ =	strace $0x90000048  }
0xb7: {  	_ =	sfence  }
0xb8: {  	s30 =	sld [smem:$0x0];
	_ =	sdelay $0x2  }
0xb9: {  	s31 =	sshll.u32 s1, $0xD;
	s1 =	sshrl.u32 s1, $0x2  }
0xba: {  	s3 =	sand.u32 $0x4000, s31;
	s1 =	sadd.s32 s1, s30  }
0xbb: {  	s0 =	sor.u32 s3, s0;
	s1 =	sshll.u32 s1, $0x11  }
0xbc: {  	s0 =	sor.u32 s1, s0  }
0xbd: {  	s0 =	sadd.s32 $0x8F2B, s0  }
0xbe: {  	[sflag:s0] =	ssyncadd.remote.s32 $0x1  }
0xbf: {  	_ =	sfence.sel $0xFFFF  }
0xc0: {  	[dreg:$0x0] =	wrdreg $0xFFFFFFFF;
	(pc) =	sbr.abs _section_cstart, $3  }
0xc1: {  	[dreg:$0x1] =	wrdreg $0xFFFFFFFF  }
0xc2: {  	_ =	task.clear_ibuf [dreg:s7], $0x2FFFF;
	_ =	strace $0x9FFFFFFF  }
0xc3: {  	(tm) =	ssettm $0x7FFFFFFF  }
tec
execute0_lowered:
.L_overlay_start_1:
0x0: {  	(tag) =	ssettag $0x1  }
0x1: {  	s1 =	rddreg [dreg:$0x0]  }
0x2: {  	s0 =	rddreg [dreg:$0x1]  }
0x3: {  	s3 =	rddreg [dreg:$0x2]  }
0x4: {  	s2 =	srdreg.scid;
	s10 =	stileid.u32  }
0x5: {  	s4 =	simm.s32 $0x0;
	s28 =	simm.s32 $0x5300;
	s29 =	simm.s32 $0x80  }
0x6: {  	s30 =	simm.s32 $0x5;
	s31 =	simm.s32 $0x180;
	s6 =	smul.u32 $0x2800, s10  }
0x7: {  	s2 =	sand.u32 $0x1, s2;
	[smem:$0x7FF] =	sst s4;
	s16 =	smul.u32 $0x7E00, s10  }
0x8: {  	s5 =	sadd.s32 $0x4800, s0;
	s9 =	sadd.s32 $0x24000, s0;
	s17 =	smul.u32 $0x50000, s10  }
0x9: {  	s21 =	sshll.u32 s10, $0x6;
	s7 =	smul.u32 $0x28000, s2;
	_ =	strace $0x80000047  }
0xa: {  	s8 =	smul.u32 $0x7E000, s2;
	[dreg:$0x4] =	wrdreg s9;
	s2 =	ssub.s32 $0x2, s2  }
0xb: {  	s18 =	sshrl.u32 s2, $0x1;
	s19 =	sshrl.u32 s17, $0x2;
	s17 =	simm.s32 $0x7  }
0xc: {  	s6 =	sadd.s32 s6, s7;
	s9 =	sadd.s32 s16, s8;
	s2 =	ssub.s32 s2, s18  }
0xd: {  	s8 =	sor.u32 $0x1C07, s21;
	s18 =	simm.s32 $0x100;
	s21 =	simm.s32 $0x50  }
0xe: {  	s0 =	sadd.s32 s6, s0;
	s20 =	sshrl.u32 s9, $0x3;
	s6 =	sadd.s32 s19, s3  }
0xf: {  	s24 =	sadd.s32 $0x500, s9;
	s25 =	sadd.s32 $0x400, s9;
	s2 =	smax.u32 s2, $0x1  }
0x10: {  	s15 =	sadd.s32 $0x300, s9;
	s19 =	simm.s32 $0x200;
	s7 =	sadd.s32 s5, s20  }
0x11: {  	s0 =	sadd.s32 $0x26800, s0;
	[dreg:$0x8] =	wrdreg s2;
	s26 =	sshrl.u32 s25, $0x3  }
0x12: {  	s16 =	sshrl.u32 s6, $0x3;
	s20 =	simm.s32 $0x1;
	s25 =	simm.s32 $0x4  }
0x13: {  	s2 =	simm.s32 $0x280;
	s6 =	simm.s32 $0x0;
	s22 =	sadd.s32 $0x20, s7  }
0x14: {  	s23 =	sadd.s32 $0x40, s7;
	[dreg:$0x7] =	wrdreg s0;
	s0 =	sshrl.u32 s24, $0x3  }
0x15: {  	s14 =	sadd.s32 s26, s5;
	s24 =	simm.s32 $0x2B00;
	[dreg:$0x5] =	wrdreg s22  }
0x16: {  	s26 =	simm.s32 $0x3;
	[dreg:$0x6] =	wrdreg s23;
	s13 =	sadd.s32 s0, s5  }
0x17: {  	s22 =	simm.s32 $0x300;
	s23 =	simm.s32 $0x2;
	s0 =	simm.s32 $0x6  }
.LBB2_1:
0x18: {  	s9 =	rddreg [dreg:$0x4]  }
0x19: {  	[spmem:s16], [sflag:s8] =	dma.local [hbm:s9], $0x2800  }
0x1a: {  	_ =	swait.ge [sflag:s17], $0x2800  }
0x1b: {  	[sflag:s17] =	ssyncset.done $0x0  }
0x1c: {  	[sflag:s17] =	ssyncadd.s32 $0xFFFFD800  }
0x1d: {  	[bflag:$0x0] =	sbarrier.arrive $0xFFFF  }
0x1e: {  	[tilespmem:s4], [sflag:$0x1] =	stream.linear.gather [hbm4b:s7+s4], $0x100, $0x38;
	[tilespmem:$0x1BB00] =	vst v63  }
0x1f: {  	s12 =	rddreg [dreg:$0x5]  }
0x20: {  	[tilespmem:s18], [sflag:$0x2] =	stream.linear.gather [hbm4b:s12+s4], $0x100, $0x38;
	[tilespmem:$0x1BB00] =	vst v63  }
0x21: {  	s10 =	rddreg [dreg:$0x6]  }
0x22: {  	[tilespmem:s19], [sflag:$0x3] =	stream.linear.gather [hbm4b:s10+s4], $0x100, $0x38;
	[tilespmem:$0x1BB00] =	vst v63  }
0x23: {  	_ =	swait.ge [sflag:s20], $0x100  }
0x24: {  	[sflag:s20] =	ssyncset.done $0x0  }
0x25: {  	[sflag:s20] =	ssyncadd.s32 $0xFFFFFF00  }
0x26: {  	[tilespmem:s22], [sflag:$0x4] =	stream.indirect.gather [hbm4b:s1+s21], $0x80, s4, s21, $0xb8;
	[tilespmem:$0x1BB00] =	vst v63  }
0x27: {  	_ =	swait.ge [sflag:s23], $0x100  }
0x28: {  	[sflag:s23] =	ssyncset.done $0x0  }
0x29: {  	[sflag:s23] =	ssyncadd.s32 $0xFFFFFF00  }
0x2a: {  	[tilespmem:s24], [sflag:$0x5] =	stream.indirect.gather [hbm4b:s1+s21], $0x80, s18, s21, $0xb8;
	[tilespmem:$0x1BB00] =	vst v63  }
0x2b: {  	_ =	swait.ge [sflag:s25], $0x2800  }
0x2c: {  	[sflag:s25] =	ssyncset.done $0x0  }
0x2d: {  	[sflag:s25] =	ssyncadd.s32 $0xFFFFD800  }
0x2e: {  	_ =	swait.ge [sflag:s26], $0x100  }
0x2f: {  	[sflag:s26] =	ssyncset.done $0x0  }
0x30: {  	[sflag:s26] =	ssyncadd.s32 $0xFFFFFF00  }
0x31: {  	[tilespmem:s28], [sflag:$0x6] =	stream.indirect.gather [hbm4b:s1+s21], $0x80, s19, s21, $0xb8;
	[tilespmem:$0x1BB00] =	vst v63  }
0x32: {  	_ = 	snop  }
0x33: {  	[spmem:s3] =	stream.indirect.scatter.add.f32 [tilespmem:s22], [sflag:$0x7], $0x80, s29, s21, $0xb8;
	[tilespmem:$0x1BB00] =	vst v63  }
0x34: {  	_ =	swait.ge [sflag:s17], $0x2800  }
0x35: {  	s11 =	sshrl.u32 s15, $0x3;
	[sflag:s17] =	ssyncset.done $0x0  }
0x36: {  	s9 =	sadd.s32 s5, s11;
	[sflag:s17] =	ssyncadd.s32 $0xFFFFD800  }
0x37: {  	[tilespmem:s4], [sflag:$0x1] =	stream.linear.gather [hbm4b:s9+s4], $0x100, $0x38;
	[tilespmem:$0x1BB00] =	vst v63  }
0x38: {  	_ =	swait.ge [sflag:s30], $0x2800  }
0x39: {  	[sflag:s30] =	ssyncset.done $0x0  }
0x3a: {  	[sflag:s30] =	ssyncadd.s32 $0xFFFFD800  }
0x3b: {  	_ =	swait.ge [sflag:s20], $0x100  }
0x3c: {  	[sflag:s20] =	ssyncset.done $0x0  }
0x3d: {  	[sflag:s20] =	ssyncadd.s32 $0xFFFFFF00  }
0x3e: {  	[tilespmem:s22], [sflag:$0x4] =	stream.indirect.gather [hbm4b:s1+s21], $0x80, s4, s21, $0xb8;
	[tilespmem:$0x1BB00] =	vst v63  }
0x3f: {  	_ = 	snop  }
0x40: {  	[spmem:s3] =	stream.indirect.scatter.add.f32 [tilespmem:s24], [sflag:$0x7], $0x80, s31, s21, $0xb8;
	[tilespmem:$0x1BB00] =	vst v63  }
0x41: {  	_ =	swait.ge [sflag:s17], $0x2800  }
0x42: {  	[sflag:s17] =	ssyncset.done $0x0  }
0x43: {  	s12 =	sadd.s32 $0x0, s14;
	[sflag:s17] =	ssyncadd.s32 $0xFFFFD800  }
0x44: {  	[tilespmem:s18], [sflag:$0x2] =	stream.linear.gather [hbm4b:s12+s4], $0x100, $0x38;
	[tilespmem:$0x1BB00] =	vst v63  }
0x45: {  	_ =	swait.ge [sflag:s0], $0x2800  }
0x46: {  	[sflag:s0] =	ssyncset.done $0x0  }
0x47: {  	[sflag:s0] =	ssyncadd.s32 $0xFFFFD800  }
0x48: {  	_ =	swait.ge [sflag:s23], $0x100  }
0x49: {  	[sflag:s23] =	ssyncset.done $0x0  }
0x4a: {  	[sflag:s23] =	ssyncadd.s32 $0xFFFFFF00  }
0x4b: {  	[tilespmem:s24], [sflag:$0x5] =	stream.indirect.gather [hbm4b:s1+s21], $0x80, s18, s21, $0xb8;
	[tilespmem:$0x1BB00] =	vst v63  }
0x4c: {  	_ = 	snop  }
0x4d: {  	[spmem:s3] =	stream.indirect.scatter.add.f32 [tilespmem:s28], [sflag:$0x7], $0x80, s2, s21, $0xb8;
	[tilespmem:$0x1BB00] =	vst v63  }
0x4e: {  	_ =	swait.ge [sflag:s17], $0x2800  }
0x4f: {  	s11 =	sadd.s32 $0x0, s13;
	[sflag:s17] =	ssyncset.done $0x0  }
0x50: {  	s10 =	sadd.s32 $0x300, s15;
	s9 =	simm.s32 $0x60;
	[sflag:s17] =	ssyncadd.s32 $0xFFFFD800  }
.LBB2_2:
0x51: {  	[tilespmem:s19], [sflag:$0x3] =	stream.linear.gather [hbm4b:s11+s4], $0x100, $0x38;
	[tilespmem:$0x1BB00] =	vst v63  }
0x52: {  	s11 =	smov.u32 s9  }
0x53: {  	p0 =	sne.s32 s9, $0xF00;
	s9 =	sadd.s32 $0x60, s9;
	_ =	swait.ge [sflag:s25], $0x2800  }
0x54: {  	[sflag:s25] =	ssyncset.done $0x0  }
0x55: {  	[sflag:s25] =	ssyncadd.s32 $0xFFFFD800  }
0x56: {  	_ =	swait.ge [sflag:s26], $0x100  }
0x57: {  	[sflag:s26] =	ssyncset.done $0x0  }
0x58: {  	[sflag:s26] =	ssyncadd.s32 $0xFFFFFF00  }
0x59: {  	[tilespmem:s28], [sflag:$0x6] =	stream.indirect.gather [hbm4b:s1+s21], $0x80, s19, s21, $0xb8;
	[tilespmem:$0x1BB00] =	vst v63  }
0x5a: {  	_ = 	snop  }
0x5b: {  	[spmem:s3] =	stream.indirect.scatter.add.f32 [tilespmem:s22], [sflag:$0x7], $0x80, s29, s21, $0xb8;
	[tilespmem:$0x1BB00] =	vst v63  }
0x5c: {  	_ =	swait.ge [sflag:s17], $0x2800  }
0x5d: {  	s12 =	sshrl.u32 s10, $0x3;
	[sflag:s17] =	ssyncset.done $0x0  }
0x5e: {  	s12 =	sadd.s32 s5, s12;
	[sflag:s17] =	ssyncadd.s32 $0xFFFFD800  }
0x5f: {  	[tilespmem:s4], [sflag:$0x1] =	stream.linear.gather [hbm4b:s12+s4], $0x100, $0x38;
	[tilespmem:$0x1BB00] =	vst v63  }
0x60: {  	_ =	swait.ge [sflag:s30], $0x2800  }
0x61: {  	[sflag:s30] =	ssyncset.done $0x0  }
0x62: {  	[sflag:s30] =	ssyncadd.s32 $0xFFFFD800  }
0x63: {  	_ =	swait.ge [sflag:s20], $0x100  }
0x64: {  	[sflag:s20] =	ssyncset.done $0x0  }
0x65: {  	[sflag:s20] =	ssyncadd.s32 $0xFFFFFF00  }
0x66: {  	[tilespmem:s22], [sflag:$0x4] =	stream.indirect.gather [hbm4b:s1+s21], $0x80, s4, s21, $0xb8;
	[tilespmem:$0x1BB00] =	vst v63  }
0x67: {  	_ = 	snop  }
0x68: {  	[spmem:s3] =	stream.indirect.scatter.add.f32 [tilespmem:s24], [sflag:$0x7], $0x80, s31, s21, $0xb8;
	[tilespmem:$0x1BB00] =	vst v63  }
0x69: {  	_ =	swait.ge [sflag:s17], $0x2800  }
0x6a: {  	[sflag:s17] =	ssyncset.done $0x0  }
0x6b: {  	s12 =	sadd.s32 s11, s14;
	[sflag:s17] =	ssyncadd.s32 $0xFFFFD800  }
0x6c: {  	[tilespmem:s18], [sflag:$0x2] =	stream.linear.gather [hbm4b:s12+s4], $0x100, $0x38;
	[tilespmem:$0x1BB00] =	vst v63  }
0x6d: {  	_ =	swait.ge [sflag:s0], $0x2800  }
0x6e: {  	[sflag:s0] =	ssyncset.done $0x0  }
0x6f: {  	[sflag:s0] =	ssyncadd.s32 $0xFFFFD800  }
0x70: {  	_ =	swait.ge [sflag:s23], $0x100  }
0x71: {  	[sflag:s23] =	ssyncset.done $0x0  }
0x72: {  	[sflag:s23] =	ssyncadd.s32 $0xFFFFFF00  }
0x73: {  	[tilespmem:s24], [sflag:$0x5] =	stream.indirect.gather [hbm4b:s1+s21], $0x80, s18, s21, $0xb8;
	[tilespmem:$0x1BB00] =	vst v63  }
.Ltmp0:
0x74: {  	(pc) =	sbr.rel @p0 .LBB2_2-.Ltmp0, $4  }
0x75: {  	[spmem:s3] =	stream.indirect.scatter.add.f32 [tilespmem:s28], [sflag:$0x7], $0x80, s2, s21, $0xb8;
	[tilespmem:$0x1BB00] =	vst v63  }
0x76: {  	_ =	swait.ge [sflag:s17], $0x2800  }
0x77: {  	[sflag:s17] =	ssyncset.done $0x0  }
0x78: {  	s10 =	sadd.s32 $0x300, s10;
	s11 =	sadd.s32 s11, s13;
	[sflag:s17] =	ssyncadd.s32 $0xFFFFD800  }
0x79: {  	[tilespmem:s19], [sflag:$0x3] =	stream.linear.gather [hbm4b:s11+s4], $0x100, $0x38;
	[tilespmem:$0x1BB00] =	vst v63  }
0x7a: {  	_ =	swait.ge [sflag:s25], $0x2800  }
0x7b: {  	[sflag:s25] =	ssyncset.done $0x0  }
0x7c: {  	[sflag:s25] =	ssyncadd.s32 $0xFFFFD800  }
0x7d: {  	[spmem:s3] =	stream.indirect.scatter.add.f32 [tilespmem:s22], [sflag:$0x7], $0x80, s29, s21, $0xb8;
	[tilespmem:$0x1BB00] =	vst v63  }
0x7e: {  	_ =	swait.ge [sflag:s17], $0x2800  }
0x7f: {  	[sflag:s17] =	ssyncset.done $0x0  }
0x80: {  	[sflag:s17] =	ssyncadd.s32 $0xFFFFD800  }
0x81: {  	_ =	swait.ge [sflag:s30], $0x2800  }
0x82: {  	[sflag:s30] =	ssyncset.done $0x0  }
0x83: {  	[sflag:s30] =	ssyncadd.s32 $0xFFFFD800  }
0x84: {  	[spmem:s3] =	stream.indirect.scatter.add.f32 [tilespmem:s24], [sflag:$0x7], $0x80, s31, s21, $0xb8;
	[tilespmem:$0x1BB00] =	vst v63  }
0x85: {  	_ =	swait.ge [sflag:s17], $0x2800  }
0x86: {  	[sflag:s17] =	ssyncset.done $0x0  }
0x87: {  	[sflag:s17] =	ssyncadd.s32 $0xFFFFD800  }
0x88: {  	_ =	swait.ge [sflag:s26], $0x100  }
0x89: {  	[sflag:s26] =	ssyncset.done $0x0  }
0x8a: {  	[sflag:s26] =	ssyncadd.s32 $0xFFFFFF00  }
0x8b: {  	[bflag:$0x0] =	sbarrier.arrive $0xFFFF  }
0x8c: {  	s9 =	rddreg [dreg:$0x7]  }
0x8d: {  	[hbm:s9], [sflag:s8] =	dma.local [spmem:s16], $0x2800  }
0x8e: {  	_ =	swait.ge [sflag:s17], $0x2800  }
0x8f: {  	s6 =	sadd.s32 $0x1, s6;
	s12 =	rddreg [dreg:$0x8]  }
0x90: {  	p0 =	sne.s32 s6, s12  }
.Ltmp1:
0x91: {  	_ = 	snop;
	(pc) =	sbr.rel @p0 .LBB2_1-.Ltmp1, $3  }
0x92: {  	_ =	sdelay $0x1  }
0x93: {  	[sflag:s17] =	ssyncset.done $0x0  }
0x94: {  	[sflag:s17] =	ssyncadd.s32 $0xFFFFD800  }
0x95: {  	_ =	sfence.sel $0x180000  }
0x96: {  	[bflag:$0x0] =	sbarrier.arrive $0xFFFF  }
0x97: {  	_ =	strace $0x90000047  }
0x98: {  	s0 =	stileid.u32;
	[bflag:$0x2] =	sbarrier.arrive $0xFFFF  }
0x99: {  	p0 =	sne.s32 s0, $0x0;
	s0 =	rddreg [dreg:$0x3]  }
0x9a: {  	s0 =	sadd.s32 @!p0 $0x100000, s0  }
0x9b: {  	[sflag:s0] =	ssyncadd.tile.s32 @!p0 $0x1;
	_ =	shalt  }
.Lfunc_end2:
_tile_overlayer_lowered:
.L_overlay_start_2:
0x9c: {  	(tag) =	ssettag $0x2  }
0x9d: {  	s0 =	rddreg [dreg:$0x0];
	s2 =	stileid.u32  }
0x9e: {  	s1 =	rddreg [dreg:$0x1];
	p0 =	sne.s32 s2, $0x0  }
0x9f: {  	s3 =	rddreg [dreg:$0x2];
	[bflag:$0x3] =	sbarrier.arrive $0xFFFF;
	s2 =	simm.s32 @!p0 $0x1C07  }
0xa0: {  	[timem:s3], [sflag:s2] =	dma.local @!p0 [hbm:s0], s1  }
0xa1: {  	s0 =	simm.s32 @!p0 $0x7  }
0xa2: {  	_ =	swait.ge @!p0 [sflag:s0], s1  }
0xa3: {  	s1 =	ssub.s32 @!p0 $0x0, s1;
	[sflag:s0] =	ssyncset.done @!p0 $0x0  }
0xa4: {  	[sflag:s0] =	ssyncadd.s32 @!p0 s1  }
0xa5: {  	[bflag:$0x3] =	sbarrier.arrive $0xFFFF  }
0xa6: {  	_ =	shalt  }

// kernel: kernel.15.cloned.1.call-start
scs
__scs_entry_jumppad:
0x0: {  	(pc) =	sbr.rel $0x88, $3  }
0x1: {  	(tag) =	ssettag $0x0;
	lr =	simm.s32 $0x1  }
0x2: {  	[smem:$0x3F96] =	sst lr;
	_ =	strace $0xD0000000  }
0x3: {  	_ = 	snop  }
0x4: {  	_ = 	snop  }
0x5: {  	_ = 	snop  }
0x6: {  	_ = 	snop  }
0x7: {  	_ = 	snop  }
__scs_overlays_trampoline_lowered:
0x8: {  	[smem:$0x3FA5] =	sst s0  }
0x9: {  	[smem:$0x3FA6] =	sst s1  }
0xa: {  	[smem:$0x3FA7] =	sst s2  }
0xb: {  	[smem:$0x3FA8] =	sst s3  }
0xc: {  	[smem:$0x3FA9] =	sst s4  }
0xd: {  	[smem:$0x3FAA] =	sst s5  }
0xe: {  	[smem:$0x3FAB] =	sst s6  }
0xf: {  	[smem:$0x3FAC] =	sst s7  }
0x10: {  	[smem:$0x3FAD] =	sst s8  }
0x11: {  	[smem:$0x3FAE] =	sst s9;
	s0 =	simm.s32 @!p0 $0x0  }
0x12: {  	s1 =	sld [smem:$0x3F94];
	s0 =	simm.s32 @p0 $0x1  }
0x13: {  	[smem:$0x3FAF] =	sst s0;
	s0 =	simm.s32 @!p1 $0x0  }
0x14: {  	s2 =	sld [smem:$0x3F93];
	s0 =	simm.s32 @p1 $0x1  }
0x15: {  	[smem:$0x3FB0] =	sst s0;
	s0 =	simm.s32 @!p2 $0x0  }
0x16: {  	s3 =	sld [smem:$0x3FDB];
	s0 =	simm.s32 @p2 $0x1  }
0x17: {  	s4 =	simm.s32 $0x1BF5;
	[smem:$0x3FB2] =	sst s0  }
0x18: {  	s0 =	sld [smem:$0x3F95];
	_ =	swait.ge [sflag:s4], $0x0  }
0x19: {  	s7 =	sld [smem:$0x3F96]  }
0x1a: {  	s8 =	sadd.s32 $0xFFFFE003, lr  }
0x1b: {  	s9 =	sadd.s32 $0xFFFFFEF7, lr;
	s5 =	simm.s32 $0xFFFFFFFF;
	p2 =	slt.u32 s8, $0xFFFFF086  }
0x1c: {  	p1 =	slt.u32 s9, $0xF7A;
	s5 =	simm.s32 @!p2 $0x0  }
0x1d: {  	s5 =	simm.s32 @p1 $0x1;
	p0 =	seq.s32 s7, s2  }
0x1e: {  	s7 =	smul.u32 @!p0 $0xF7A, s2;
	p2 =	seq.s32 @!p0 s5, $0x0  }
0x1f: {  	s9 =	smul.u32 $0xF7A, s1;
	s8 =	simm.s32 @!p0 $0x1BF5;
	p2 =	por !p2, p0  }
0x20: {  	[sflag:s8] =	ssyncset.s32 @!p0 $0xFFFFF086;
	s6 =	sadd.s32 @!p0 s3, s7;
	s7 =	simm.s32 @!p0 $0x108  }
0x21: {  	s3 =	sadd.s32 s3, s9;
	s6 =	sadd.s32 @!p0 $0x88, s6;
	s7 =	simm.s32 @p2 $0x1082  }
0x22: {  	[simem:s7], [sflag:s8] =	dma.local @!p0 [hbm:s6], $0xF7A  }
0x23: {  	s9 =	sor.u32 $0xD0000000, s2;
	s6 =	simm.s32 $0x108;
	_ =	swait.ge @!p0 [sflag:s8], $0x0  }
0x24: {  	s3 =	sadd.s32 $0x88, s3;
	s6 =	simm.s32 @!p1 $0x1082;
	[sflag:s4] =	ssyncset.s32 $0xFFFFF086  }
0x25: {  	[simem:s6], [sflag:s4] =	dma.local [hbm:s3], $0xF7A  }
0x26: {  	[smem:$0x3F96] =	sst s1;
	(tag) =	ssettag s2;
	_ =	strace s9  }
0x27: {  	s1 =	sld [smem:$0x3FA6]  }
0x28: {  	s2 =	sld [smem:$0x3FA7]  }
0x29: {  	s4 =	sld [smem:$0x3FA9]  }
0x2a: {  	p0 =	seq.s32 s5, $0x0;
	s5 =	sld [smem:$0x3FAA]  }
0x2b: {  	s6 =	sld [smem:$0x3FAB]  }
0x2c: {  	s7 =	sld [smem:$0x3FAC]  }
0x2d: {  	s3 =	simm.s32 $0x108;
	s8 =	sld [smem:$0x3FAD]  }
0x2e: {  	s3 =	simm.s32 @!p0 $0x1082;
	s9 =	sld [smem:$0x3FAE]  }
0x2f: {  	lr =	sadd.s32 s0, s3;
	s0 =	sld [smem:$0x3FA5]  }
0x30: {  	s3 =	sld [smem:$0x3FA8]  }
0x31: {  	[smem:$0x3FB1] =	sst s10  }
0x32: {  	s10 =	sld [smem:$0x3FAF];
	_ =	sdelay $0x3  }
0x33: {  	p0 =	seq.s32 s10, $0x1;
	s10 =	sld [smem:$0x3FB1];
	_ =	sdelay $0x3  }
0x34: {  	[smem:$0x3FB1] =	sst s10  }
0x35: {  	s10 =	sld [smem:$0x3FB0];
	_ =	sdelay $0x3  }
0x36: {  	p1 =	seq.s32 s10, $0x1;
	s10 =	sld [smem:$0x3FB1];
	_ =	sdelay $0x3  }
0x37: {  	[smem:$0x3FB1] =	sst s10  }
0x38: {  	s10 =	sld [smem:$0x3FB2]  }
0x39: {  	_ = 	snop;
	(pc) =	sbr.ind lr, $3  }
0x3a: {  	_ = 	snop  }
0x3b: {  	_ = 	snop  }
0x3c: {  	p2 =	seq.s32 s10, $0x1;
	s10 =	sld [smem:$0x3FB1]  }
0x3d: {  	_ =	shalt  }
0x3e: {  	_ =	shalt  }
0x3f: {  	_ =	shalt  }
0x40: {  	_ =	shalt  }
0x41: {  	_ =	shalt  }
0x42: {  	_ =	shalt  }
0x43: {  	_ =	shalt  }
0x44: {  	_ =	shalt  }
0x45: {  	_ =	shalt  }
0x46: {  	_ =	shalt  }
0x47: {  	_ =	shalt  }
0x48: {  	_ =	shalt  }
0x49: {  	_ =	shalt  }
0x4a: {  	_ =	shalt  }
0x4b: {  	_ =	shalt  }
0x4c: {  	_ =	shalt  }
0x4d: {  	_ =	shalt  }
0x4e: {  	_ =	shalt  }
0x4f: {  	_ =	shalt  }
0x50: {  	_ =	shalt  }
0x51: {  	_ =	shalt  }
0x52: {  	_ =	shalt  }
0x53: {  	_ =	shalt  }
0x54: {  	_ =	shalt  }
0x55: {  	_ =	shalt  }
0x56: {  	_ =	shalt  }
0x57: {  	_ =	shalt  }
0x58: {  	_ =	shalt  }
0x59: {  	_ =	shalt  }
0x5a: {  	_ =	shalt  }
0x5b: {  	_ =	shalt  }
0x5c: {  	_ =	shalt  }
0x5d: {  	_ =	shalt  }
0x5e: {  	_ =	shalt  }
0x5f: {  	_ =	shalt  }
0x60: {  	_ =	shalt  }
0x61: {  	_ =	shalt  }
0x62: {  	_ =	shalt  }
0x63: {  	_ =	shalt  }
0x64: {  	_ =	shalt  }
0x65: {  	_ =	shalt  }
0x66: {  	_ =	shalt  }
0x67: {  	_ =	shalt  }
0x68: {  	_ =	shalt  }
0x69: {  	_ =	shalt  }
0x6a: {  	_ =	shalt  }
0x6b: {  	_ =	shalt  }
0x6c: {  	_ =	shalt  }
0x6d: {  	_ =	shalt  }
0x6e: {  	_ =	shalt  }
0x6f: {  	_ =	shalt  }
0x70: {  	_ =	shalt  }
0x71: {  	_ =	shalt  }
0x72: {  	_ =	shalt  }
0x73: {  	_ =	shalt  }
0x74: {  	_ =	shalt  }
0x75: {  	_ =	shalt  }
0x76: {  	_ =	shalt  }
0x77: {  	_ =	shalt  }
0x78: {  	_ =	shalt  }
0x79: {  	_ =	shalt  }
0x7a: {  	_ =	shalt  }
0x7b: {  	_ =	shalt  }
0x7c: {  	_ =	shalt  }
0x7d: {  	_ =	shalt  }
0x7e: {  	_ =	shalt  }
0x7f: {  	_ =	shalt  }
0x80: {  	_ =	shalt  }
0x81: {  	_ =	shalt  }
0x82: {  	_ =	shalt  }
0x83: {  	_ =	shalt  }
0x84: {  	_ =	shalt  }
0x85: {  	_ =	shalt  }
0x86: {  	_ =	shalt  }
0x87: {  	_ =	shalt  }
.Lfunc_end0:
.L_simem_size_0:
called_computation.2_lowered:
.L_overlay_start_0:
0x88: {  	s2 =	sld [smem:$0x3FD9]  }
0x89: {  	s3 =	sld [smem:$0x3FFE];
	_ =	sdelay $0x1  }
0x8a: {  	s1 =	srdreg.scid  }
0x8b: {  	s0 =	sand.u32 $0x1, s1  }
0x8c: {  	s17 =	sshll.u32 s0, $0xA;
	s2 =	sadd.s32 s3, s2  }
0x8d: {  	s2 =	sadd.s32 s2, s17  }
0x8e: {  	[smem:$0x3FBD] =	sst s2  }
0x8f: {  	_ = 	snop  }
0x90: {  	s2 =	sld [smem:$0x3FD0];
	(tm) =	ssettm $0x1  }
0x91: {  	s18 =	sld [smem:$0x3FFB];
	_ =	sdelay $0x3  }
0x92: {  	_ =	strace s18  }
0x93: {  	s3 =	sld [smem:$0x3FFC];
	_ =	sdelay $0x3  }
0x94: {  	_ =	strace s3  }
0x95: {  	s3 =	sld [smem:$0x3FFD];
	_ =	sdelay $0x3  }
0x96: {  	_ =	strace s3  }
0x97: {  	_ =	strace $0x8FFFFFFF  }
0x98: {  	s19 =	sld [smem:$0x3FDB];
	_ =	sdelay $0x1  }
0x99: {  	s4 =	simm.s32 $_scs_section_size  }
0x9a: {  	s5 =	simm.s32 $_size__tile_overlayer_lowered;
	s6 =	simm.s32 $_tile_overlayer_lowered  }
0x9b: {  	s22 =	simm.s32 $0x1BFF;
	s21 =	sshll.u32 s6, $0x1;
	s3 =	sadd.s32 s4, s19  }
0x9c: {  	s7 =	simm.s32 $0x0;
	s20 =	sshll.u32 s5, $0x1;
	s5 =	sadd.s32 s21, s3  }
0x9d: {  	[timem:s7], [sflag:s22] =	dma.local [hbm:s5], s20  }
0x9e: {  	_ =	swait.ge [sflag:s22], s20  }
0x9f: {  	s4 =	ssub.s32 $0x0, s20;
	[sflag:s22] =	ssyncset.done $0x0  }
0xa0: {  	[sflag:s22] =	ssyncadd.s32 s4;
	_ =	sdelay $0x1  }
0xa1: {  	s23 =	simm.s32 $0x1B8B  }
0xa2: {  	_ =	swait.ge [sflag:s23], $0x1  }
0xa3: {  	[sflag:s23] =	ssyncset.done $0x0  }
0xa4: {  	s25 =	simm.s32 $0x1B8E;
	s24 =	sld [smem:$0x3FFE];
	[sflag:s23] =	ssyncadd.s32 $0xFFFFFFFF  }
0xa5: {  	s26 =	simm.s32 $execute0_lowered;
	[smem:$0x3FD2] =	sst s25  }
0xa6: {  	s5 =	sshll.u32 s26, $0x1;
	_ =	strace $0x8000004C;
	[dreg:$0x1] =	wrdreg $0xFFFFFFFF  }
0xa7: {  	s28 =	simm.s32 $_size_execute0_lowered;
	s3 =	sadd.s32 s3, s5;
	[dreg:$0x0] =	wrdreg $0x0  }
0xa8: {  	s5 =	sshll.u32 s28, $0x1;
	[dreg:$0x2] =	wrdreg s3  }
0xa9: {  	[dreg:$0x3] =	wrdreg s5  }
0xaa: {  	[dreg:$0x4] =	wrdreg $0xC0  }
0xab: {  	_ =	task [dreg:s7], $0x5FFFF  }
0xac: {  	[dreg:$0x1] =	wrdreg $0xFFFFFFFF  }
0xad: {  	[dreg:$0x0] =	wrdreg $0x60  }
0xae: {  	[dreg:$0x2] =	wrdreg s2  }
0xaf: {  	[dreg:$0x3] =	wrdreg s24  }
0xb0: {  	[dreg:$0x4] =	wrdreg $0x7B000  }
0xb1: {  	[dreg:$0x5] =	wrdreg $0x9  }
0xb2: {  	_ =	task.clear_ibuf [dreg:s7], $0x6FFFF;
	_ =	strace $0x9000004C  }
0xb3: {  	s29 =	simm.s32 $0x9;
	_ =	strace $0x8000004E  }
0xb4: {  	_ =	swait.ge [sflag:s29], $0x1  }
0xb5: {  	[sflag:s29] =	ssyncadd.s32 $0xFFFFFFFF  }
0xb6: {  	_ =	strace $0x9000004E  }
0xb7: {  	_ =	sfence  }
0xb8: {  	s30 =	sld [smem:$0x0];
	_ =	sdelay $0x2  }
0xb9: {  	s31 =	sshll.u32 s1, $0xD;
	s1 =	sshrl.u32 s1, $0x2  }
0xba: {  	s3 =	sand.u32 $0x4000, s31;
	s1 =	sadd.s32 s1, s30  }
0xbb: {  	s0 =	sor.u32 s3, s0;
	s1 =	sshll.u32 s1, $0x11  }
0xbc: {  	s0 =	sor.u32 s1, s0  }
0xbd: {  	s0 =	sadd.s32 $0x8F2B, s0  }
0xbe: {  	[sflag:s0] =	ssyncadd.remote.s32 $0x1  }
0xbf: {  	_ =	sfence.sel $0xFFFF  }
0xc0: {  	[dreg:$0x0] =	wrdreg $0xFFFFFFFF;
	(pc) =	sbr.abs _section_cstart, $3  }
0xc1: {  	[dreg:$0x1] =	wrdreg $0xFFFFFFFF  }
0xc2: {  	_ =	task.clear_ibuf [dreg:s7], $0x2FFFF;
	_ =	strace $0x9FFFFFFF  }
0xc3: {  	(tm) =	ssettm $0x7FFFFFFF  }
tec
execute0_lowered:
.L_overlay_start_1:
0x0: {  	(tag) =	ssettag $0x1  }
0x1: {  	s1 =	rddreg [dreg:$0x0]  }
0x2: {  	s0 =	rddreg [dreg:$0x1]  }
0x3: {  	s3 =	rddreg [dreg:$0x2]  }
0x4: {  	s2 =	srdreg.scid;
	s10 =	stileid.u32  }
0x5: {  	s4 =	simm.s32 $0x0;
	s28 =	simm.s32 $0x5300;
	s29 =	simm.s32 $0x80  }
0x6: {  	s30 =	simm.s32 $0x5;
	s31 =	simm.s32 $0x180;
	s6 =	smul.u32 $0x2800, s10  }
0x7: {  	s2 =	sand.u32 $0x1, s2;
	[smem:$0x7FF] =	sst s4;
	s16 =	smul.u32 $0x7E00, s10  }
0x8: {  	s5 =	sadd.s32 $0x4800, s0;
	s9 =	sadd.s32 $0x24000, s0;
	s17 =	smul.u32 $0x50000, s10  }
0x9: {  	s21 =	sshll.u32 s10, $0x6;
	s7 =	smul.u32 $0x28000, s2;
	_ =	strace $0x8000004D  }
0xa: {  	s8 =	smul.u32 $0x7E000, s2;
	[dreg:$0x4] =	wrdreg s9;
	s2 =	ssub.s32 $0x2, s2  }
0xb: {  	s18 =	sshrl.u32 s2, $0x1;
	s19 =	sshrl.u32 s17, $0x2;
	s17 =	simm.s32 $0x7  }
0xc: {  	s6 =	sadd.s32 s6, s7;
	s9 =	sadd.s32 s16, s8;
	s2 =	ssub.s32 s2, s18  }
0xd: {  	s8 =	sor.u32 $0x1C07, s21;
	s18 =	simm.s32 $0x100;
	s21 =	simm.s32 $0x50  }
0xe: {  	s0 =	sadd.s32 s6, s0;
	s20 =	sshrl.u32 s9, $0x3;
	s6 =	sadd.s32 s19, s3  }
0xf: {  	s24 =	sadd.s32 $0x500, s9;
	s25 =	sadd.s32 $0x400, s9;
	s2 =	smax.u32 s2, $0x1  }
0x10: {  	s15 =	sadd.s32 $0x300, s9;
	s19 =	simm.s32 $0x200;
	s7 =	sadd.s32 s5, s20  }
0x11: {  	s0 =	sadd.s32 $0x26800, s0;
	[dreg:$0x8] =	wrdreg s2;
	s26 =	sshrl.u32 s25, $0x3  }
0x12: {  	s16 =	sshrl.u32 s6, $0x3;
	s20 =	simm.s32 $0x1;
	s25 =	simm.s32 $0x4  }
0x13: {  	s2 =	simm.s32 $0x280;
	s6 =	simm.s32 $0x0;
	s22 =	sadd.s32 $0x20, s7  }
0x14: {  	s23 =	sadd.s32 $0x40, s7;
	[dreg:$0x7] =	wrdreg s0;
	s0 =	sshrl.u32 s24, $0x3  }
0x15: {  	s14 =	sadd.s32 s26, s5;
	s24 =	simm.s32 $0x2B00;
	[dreg:$0x5] =	wrdreg s22  }
0x16: {  	s26 =	simm.s32 $0x3;
	[dreg:$0x6] =	wrdreg s23;
	s13 =	sadd.s32 s0, s5  }
0x17: {  	s22 =	simm.s32 $0x300;
	s23 =	simm.s32 $0x2;
	s0 =	simm.s32 $0x6  }
.LBB2_1:
0x18: {  	s9 =	rddreg [dreg:$0x4]  }
0x19: {  	[spmem:s16], [sflag:s8] =	dma.local [hbm:s9], $0x2800  }
0x1a: {  	_ =	swait.ge [sflag:s17], $0x2800  }
0x1b: {  	[sflag:s17] =	ssyncset.done $0x0  }
0x1c: {  	[sflag:s17] =	ssyncadd.s32 $0xFFFFD800  }
0x1d: {  	[bflag:$0x0] =	sbarrier.arrive $0xFFFF  }
0x1e: {  	[tilespmem:s4], [sflag:$0x1] =	stream.linear.gather [hbm4b:s7+s4], $0x100, $0x38;
	[tilespmem:$0x1BB00] =	vst v63  }
0x1f: {  	s12 =	rddreg [dreg:$0x5]  }
0x20: {  	[tilespmem:s18], [sflag:$0x2] =	stream.linear.gather [hbm4b:s12+s4], $0x100, $0x38;
	[tilespmem:$0x1BB00] =	vst v63  }
0x21: {  	s10 =	rddreg [dreg:$0x6]  }
0x22: {  	[tilespmem:s19], [sflag:$0x3] =	stream.linear.gather [hbm4b:s10+s4], $0x100, $0x38;
	[tilespmem:$0x1BB00] =	vst v63  }
0x23: {  	_ =	swait.ge [sflag:s20], $0x100  }
0x24: {  	[sflag:s20] =	ssyncset.done $0x0  }
0x25: {  	[sflag:s20] =	ssyncadd.s32 $0xFFFFFF00  }
0x26: {  	[tilespmem:s22], [sflag:$0x4] =	stream.indirect.gather [hbm4b:s1+s21], $0x80, s4, s21, $0xb8;
	[tilespmem:$0x1BB00] =	vst v63  }
0x27: {  	_ =	swait.ge [sflag:s23], $0x100  }
0x28: {  	[sflag:s23] =	ssyncset.done $0x0  }
0x29: {  	[sflag:s23] =	ssyncadd.s32 $0xFFFFFF00  }
0x2a: {  	[tilespmem:s24], [sflag:$0x5] =	stream.indirect.gather [hbm4b:s1+s21], $0x80, s18, s21, $0xb8;
	[tilespmem:$0x1BB00] =	vst v63  }
0x2b: {  	_ =	swait.ge [sflag:s25], $0x2800  }
0x2c: {  	[sflag:s25] =	ssyncset.done $0x0  }
0x2d: {  	[sflag:s25] =	ssyncadd.s32 $0xFFFFD800  }
0x2e: {  	_ =	swait.ge [sflag:s26], $0x100  }
0x2f: {  	[sflag:s26] =	ssyncset.done $0x0  }
0x30: {  	[sflag:s26] =	ssyncadd.s32 $0xFFFFFF00  }
0x31: {  	[tilespmem:s28], [sflag:$0x6] =	stream.indirect.gather [hbm4b:s1+s21], $0x80, s19, s21, $0xb8;
	[tilespmem:$0x1BB00] =	vst v63  }
0x32: {  	_ = 	snop  }
0x33: {  	[spmem:s3] =	stream.indirect.scatter.add.f32 [tilespmem:s22], [sflag:$0x7], $0x80, s29, s21, $0xb8;
	[tilespmem:$0x1BB00] =	vst v63  }
0x34: {  	_ =	swait.ge [sflag:s17], $0x2800  }
0x35: {  	s11 =	sshrl.u32 s15, $0x3;
	[sflag:s17] =	ssyncset.done $0x0  }
0x36: {  	s9 =	sadd.s32 s5, s11;
	[sflag:s17] =	ssyncadd.s32 $0xFFFFD800  }
0x37: {  	[tilespmem:s4], [sflag:$0x1] =	stream.linear.gather [hbm4b:s9+s4], $0x100, $0x38;
	[tilespmem:$0x1BB00] =	vst v63  }
0x38: {  	_ =	swait.ge [sflag:s30], $0x2800  }
0x39: {  	[sflag:s30] =	ssyncset.done $0x0  }
0x3a: {  	[sflag:s30] =	ssyncadd.s32 $0xFFFFD800  }
0x3b: {  	_ =	swait.ge [sflag:s20], $0x100  }
0x3c: {  	[sflag:s20] =	ssyncset.done $0x0  }
0x3d: {  	[sflag:s20] =	ssyncadd.s32 $0xFFFFFF00  }
0x3e: {  	[tilespmem:s22], [sflag:$0x4] =	stream.indirect.gather [hbm4b:s1+s21], $0x80, s4, s21, $0xb8;
	[tilespmem:$0x1BB00] =	vst v63  }
0x3f: {  	_ = 	snop  }
0x40: {  	[spmem:s3] =	stream.indirect.scatter.add.f32 [tilespmem:s24], [sflag:$0x7], $0x80, s31, s21, $0xb8;
	[tilespmem:$0x1BB00] =	vst v63  }
0x41: {  	_ =	swait.ge [sflag:s17], $0x2800  }
0x42: {  	[sflag:s17] =	ssyncset.done $0x0  }
0x43: {  	s12 =	sadd.s32 $0x0, s14;
	[sflag:s17] =	ssyncadd.s32 $0xFFFFD800  }
0x44: {  	[tilespmem:s18], [sflag:$0x2] =	stream.linear.gather [hbm4b:s12+s4], $0x100, $0x38;
	[tilespmem:$0x1BB00] =	vst v63  }
0x45: {  	_ =	swait.ge [sflag:s0], $0x2800  }
0x46: {  	[sflag:s0] =	ssyncset.done $0x0  }
0x47: {  	[sflag:s0] =	ssyncadd.s32 $0xFFFFD800  }
0x48: {  	_ =	swait.ge [sflag:s23], $0x100  }
0x49: {  	[sflag:s23] =	ssyncset.done $0x0  }
0x4a: {  	[sflag:s23] =	ssyncadd.s32 $0xFFFFFF00  }
0x4b: {  	[tilespmem:s24], [sflag:$0x5] =	stream.indirect.gather [hbm4b:s1+s21], $0x80, s18, s21, $0xb8;
	[tilespmem:$0x1BB00] =	vst v63  }
0x4c: {  	_ = 	snop  }
0x4d: {  	[spmem:s3] =	stream.indirect.scatter.add.f32 [tilespmem:s28], [sflag:$0x7], $0x80, s2, s21, $0xb8;
	[tilespmem:$0x1BB00] =	vst v63  }
0x4e: {  	_ =	swait.ge [sflag:s17], $0x2800  }
0x4f: {  	s11 =	sadd.s32 $0x0, s13;
	[sflag:s17] =	ssyncset.done $0x0  }
0x50: {  	s10 =	sadd.s32 $0x300, s15;
	s9 =	simm.s32 $0x60;
	[sflag:s17] =	ssyncadd.s32 $0xFFFFD800  }
.LBB2_2:
0x51: {  	[tilespmem:s19], [sflag:$0x3] =	stream.linear.gather [hbm4b:s11+s4], $0x100, $0x38;
	[tilespmem:$0x1BB00] =	vst v63  }
0x52: {  	s11 =	smov.u32 s9  }
0x53: {  	p0 =	sne.s32 s9, $0xF00;
	s9 =	sadd.s32 $0x60, s9;
	_ =	swait.ge [sflag:s25], $0x2800  }
0x54: {  	[sflag:s25] =	ssyncset.done $0x0  }
0x55: {  	[sflag:s25] =	ssyncadd.s32 $0xFFFFD800  }
0x56: {  	_ =	swait.ge [sflag:s26], $0x100  }
0x57: {  	[sflag:s26] =	ssyncset.done $0x0  }
0x58: {  	[sflag:s26] =	ssyncadd.s32 $0xFFFFFF00  }
0x59: {  	[tilespmem:s28], [sflag:$0x6] =	stream.indirect.gather [hbm4b:s1+s21], $0x80, s19, s21, $0xb8;
	[tilespmem:$0x1BB00] =	vst v63  }
0x5a: {  	_ = 	snop  }
0x5b: {  	[spmem:s3] =	stream.indirect.scatter.add.f32 [tilespmem:s22], [sflag:$0x7], $0x80, s29, s21, $0xb8;
	[tilespmem:$0x1BB00] =	vst v63  }
0x5c: {  	_ =	swait.ge [sflag:s17], $0x2800  }
0x5d: {  	s12 =	sshrl.u32 s10, $0x3;
	[sflag:s17] =	ssyncset.done $0x0  }
0x5e: {  	s12 =	sadd.s32 s5, s12;
	[sflag:s17] =	ssyncadd.s32 $0xFFFFD800  }
0x5f: {  	[tilespmem:s4], [sflag:$0x1] =	stream.linear.gather [hbm4b:s12+s4], $0x100, $0x38;
	[tilespmem:$0x1BB00] =	vst v63  }
0x60: {  	_ =	swait.ge [sflag:s30], $0x2800  }
0x61: {  	[sflag:s30] =	ssyncset.done $0x0  }
0x62: {  	[sflag:s30] =	ssyncadd.s32 $0xFFFFD800  }
0x63: {  	_ =	swait.ge [sflag:s20], $0x100  }
0x64: {  	[sflag:s20] =	ssyncset.done $0x0  }
0x65: {  	[sflag:s20] =	ssyncadd.s32 $0xFFFFFF00  }
0x66: {  	[tilespmem:s22], [sflag:$0x4] =	stream.indirect.gather [hbm4b:s1+s21], $0x80, s4, s21, $0xb8;
	[tilespmem:$0x1BB00] =	vst v63  }
0x67: {  	_ = 	snop  }
0x68: {  	[spmem:s3] =	stream.indirect.scatter.add.f32 [tilespmem:s24], [sflag:$0x7], $0x80, s31, s21, $0xb8;
	[tilespmem:$0x1BB00] =	vst v63  }
0x69: {  	_ =	swait.ge [sflag:s17], $0x2800  }
0x6a: {  	[sflag:s17] =	ssyncset.done $0x0  }
0x6b: {  	s12 =	sadd.s32 s11, s14;
	[sflag:s17] =	ssyncadd.s32 $0xFFFFD800  }
0x6c: {  	[tilespmem:s18], [sflag:$0x2] =	stream.linear.gather [hbm4b:s12+s4], $0x100, $0x38;
	[tilespmem:$0x1BB00] =	vst v63  }
0x6d: {  	_ =	swait.ge [sflag:s0], $0x2800  }
0x6e: {  	[sflag:s0] =	ssyncset.done $0x0  }
0x6f: {  	[sflag:s0] =	ssyncadd.s32 $0xFFFFD800  }
0x70: {  	_ =	swait.ge [sflag:s23], $0x100  }
0x71: {  	[sflag:s23] =	ssyncset.done $0x0  }
0x72: {  	[sflag:s23] =	ssyncadd.s32 $0xFFFFFF00  }
0x73: {  	[tilespmem:s24], [sflag:$0x5] =	stream.indirect.gather [hbm4b:s1+s21], $0x80, s18, s21, $0xb8;
	[tilespmem:$0x1BB00] =	vst v63  }
.Ltmp0:
0x74: {  	(pc) =	sbr.rel @p0 .LBB2_2-.Ltmp0, $4  }
0x75: {  	[spmem:s3] =	stream.indirect.scatter.add.f32 [tilespmem:s28], [sflag:$0x7], $0x80, s2, s21, $0xb8;
	[tilespmem:$0x1BB00] =	vst v63  }
0x76: {  	_ =	swait.ge [sflag:s17], $0x2800  }
0x77: {  	[sflag:s17] =	ssyncset.done $0x0  }
0x78: {  	s10 =	sadd.s32 $0x300, s10;
	s11 =	sadd.s32 s11, s13;
	[sflag:s17] =	ssyncadd.s32 $0xFFFFD800  }
0x79: {  	[tilespmem:s19], [sflag:$0x3] =	stream.linear.gather [hbm4b:s11+s4], $0x100, $0x38;
	[tilespmem:$0x1BB00] =	vst v63  }
0x7a: {  	_ =	swait.ge [sflag:s25], $0x2800  }
0x7b: {  	[sflag:s25] =	ssyncset.done $0x0  }
0x7c: {  	[sflag:s25] =	ssyncadd.s32 $0xFFFFD800  }
0x7d: {  	[spmem:s3] =	stream.indirect.scatter.add.f32 [tilespmem:s22], [sflag:$0x7], $0x80, s29, s21, $0xb8;
	[tilespmem:$0x1BB00] =	vst v63  }
0x7e: {  	_ =	swait.ge [sflag:s17], $0x2800  }
0x7f: {  	[sflag:s17] =	ssyncset.done $0x0  }
0x80: {  	[sflag:s17] =	ssyncadd.s32 $0xFFFFD800  }
0x81: {  	_ =	swait.ge [sflag:s30], $0x2800  }
0x82: {  	[sflag:s30] =	ssyncset.done $0x0  }
0x83: {  	[sflag:s30] =	ssyncadd.s32 $0xFFFFD800  }
0x84: {  	[spmem:s3] =	stream.indirect.scatter.add.f32 [tilespmem:s24], [sflag:$0x7], $0x80, s31, s21, $0xb8;
	[tilespmem:$0x1BB00] =	vst v63  }
0x85: {  	_ =	swait.ge [sflag:s17], $0x2800  }
0x86: {  	[sflag:s17] =	ssyncset.done $0x0  }
0x87: {  	[sflag:s17] =	ssyncadd.s32 $0xFFFFD800  }
0x88: {  	_ =	swait.ge [sflag:s26], $0x100  }
0x89: {  	[sflag:s26] =	ssyncset.done $0x0  }
0x8a: {  	[sflag:s26] =	ssyncadd.s32 $0xFFFFFF00  }
0x8b: {  	[bflag:$0x0] =	sbarrier.arrive $0xFFFF  }
0x8c: {  	s9 =	rddreg [dreg:$0x7]  }
0x8d: {  	[hbm:s9], [sflag:s8] =	dma.local [spmem:s16], $0x2800  }
0x8e: {  	_ =	swait.ge [sflag:s17], $0x2800  }
0x8f: {  	s6 =	sadd.s32 $0x1, s6;
	s12 =	rddreg [dreg:$0x8]  }
0x90: {  	p0 =	sne.s32 s6, s12  }
.Ltmp1:
0x91: {  	_ = 	snop;
	(pc) =	sbr.rel @p0 .LBB2_1-.Ltmp1, $3  }
0x92: {  	_ =	sdelay $0x1  }
0x93: {  	[sflag:s17] =	ssyncset.done $0x0  }
0x94: {  	[sflag:s17] =	ssyncadd.s32 $0xFFFFD800  }
0x95: {  	_ =	sfence.sel $0x180000  }
0x96: {  	[bflag:$0x0] =	sbarrier.arrive $0xFFFF  }
0x97: {  	_ =	strace $0x9000004D  }
0x98: {  	s0 =	stileid.u32;
	[bflag:$0x2] =	sbarrier.arrive $0xFFFF  }
0x99: {  	p0 =	sne.s32 s0, $0x0;
	s0 =	rddreg [dreg:$0x3]  }
0x9a: {  	s0 =	sadd.s32 @!p0 $0x100000, s0  }
0x9b: {  	[sflag:s0] =	ssyncadd.tile.s32 @!p0 $0x1;
	_ =	shalt  }
.Lfunc_end2:
_tile_overlayer_lowered:
.L_overlay_start_2:
0x9c: {  	(tag) =	ssettag $0x2  }
0x9d: {  	s0 =	rddreg [dreg:$0x0];
	s2 =	stileid.u32  }
0x9e: {  	s1 =	rddreg [dreg:$0x1];
	p0 =	sne.s32 s2, $0x0  }
0x9f: {  	s3 =	rddreg [dreg:$0x2];
	[bflag:$0x3] =	sbarrier.arrive $0xFFFF;
	s2 =	simm.s32 @!p0 $0x1C07  }
0xa0: {  	[timem:s3], [sflag:s2] =	dma.local @!p0 [hbm:s0], s1  }
0xa1: {  	s0 =	simm.s32 @!p0 $0x7  }
0xa2: {  	_ =	swait.ge @!p0 [sflag:s0], s1  }
0xa3: {  	s1 =	ssub.s32 @!p0 $0x0, s1;
	[sflag:s0] =	ssyncset.done @!p0 $0x0  }
0xa4: {  	[sflag:s0] =	ssyncadd.s32 @!p0 s1  }
0xa5: {  	[bflag:$0x3] =	sbarrier.arrive $0xFFFF  }
0xa6: {  	_ =	shalt  }

// kernel: kernel.18.cloned.1.call-start
scs
__scs_entry_jumppad:
0x0: {  	(pc) =	sbr.rel $0x88, $3  }
0x1: {  	(tag) =	ssettag $0x0;
	lr =	simm.s32 $0x1  }
0x2: {  	[smem:$0x3F96] =	sst lr;
	_ =	strace $0xD0000000  }
0x3: {  	_ = 	snop  }
0x4: {  	_ = 	snop  }
0x5: {  	_ = 	snop  }
0x6: {  	_ = 	snop  }
0x7: {  	_ = 	snop  }
__scs_overlays_trampoline_lowered:
0x8: {  	[smem:$0x3FA5] =	sst s0  }
0x9: {  	[smem:$0x3FA6] =	sst s1  }
0xa: {  	[smem:$0x3FA7] =	sst s2  }
0xb: {  	[smem:$0x3FA8] =	sst s3  }
0xc: {  	[smem:$0x3FA9] =	sst s4  }
0xd: {  	[smem:$0x3FAA] =	sst s5  }
0xe: {  	[smem:$0x3FAB] =	sst s6  }
0xf: {  	[smem:$0x3FAC] =	sst s7  }
0x10: {  	[smem:$0x3FAD] =	sst s8  }
0x11: {  	[smem:$0x3FAE] =	sst s9;
	s0 =	simm.s32 @!p0 $0x0  }
0x12: {  	s1 =	sld [smem:$0x3F94];
	s0 =	simm.s32 @p0 $0x1  }
0x13: {  	[smem:$0x3FAF] =	sst s0;
	s0 =	simm.s32 @!p1 $0x0  }
0x14: {  	s2 =	sld [smem:$0x3F93];
	s0 =	simm.s32 @p1 $0x1  }
0x15: {  	[smem:$0x3FB0] =	sst s0;
	s0 =	simm.s32 @!p2 $0x0  }
0x16: {  	s3 =	sld [smem:$0x3FDB];
	s0 =	simm.s32 @p2 $0x1  }
0x17: {  	s4 =	simm.s32 $0x1BF5;
	[smem:$0x3FB2] =	sst s0  }
0x18: {  	s0 =	sld [smem:$0x3F95];
	_ =	swait.ge [sflag:s4], $0x0  }
0x19: {  	s7 =	sld [smem:$0x3F96]  }
0x1a: {  	s8 =	sadd.s32 $0xFFFFE003, lr  }
0x1b: {  	s9 =	sadd.s32 $0xFFFFFEF7, lr;
	s5 =	simm.s32 $0xFFFFFFFF;
	p2 =	slt.u32 s8, $0xFFFFF086  }
0x1c: {  	p1 =	slt.u32 s9, $0xF7A;
	s5 =	simm.s32 @!p2 $0x0  }
0x1d: {  	s5 =	simm.s32 @p1 $0x1;
	p0 =	seq.s32 s7, s2  }
0x1e: {  	s7 =	smul.u32 @!p0 $0xF7A, s2;
	p2 =	seq.s32 @!p0 s5, $0x0  }
0x1f: {  	s9 =	smul.u32 $0xF7A, s1;
	s8 =	simm.s32 @!p0 $0x1BF5;
	p2 =	por !p2, p0  }
0x20: {  	[sflag:s8] =	ssyncset.s32 @!p0 $0xFFFFF086;
	s6 =	sadd.s32 @!p0 s3, s7;
	s7 =	simm.s32 @!p0 $0x108  }
0x21: {  	s3 =	sadd.s32 s3, s9;
	s6 =	sadd.s32 @!p0 $0x88, s6;
	s7 =	simm.s32 @p2 $0x1082  }
0x22: {  	[simem:s7], [sflag:s8] =	dma.local @!p0 [hbm:s6], $0xF7A  }
0x23: {  	s9 =	sor.u32 $0xD0000000, s2;
	s6 =	simm.s32 $0x108;
	_ =	swait.ge @!p0 [sflag:s8], $0x0  }
0x24: {  	s3 =	sadd.s32 $0x88, s3;
	s6 =	simm.s32 @!p1 $0x1082;
	[sflag:s4] =	ssyncset.s32 $0xFFFFF086  }
0x25: {  	[simem:s6], [sflag:s4] =	dma.local [hbm:s3], $0xF7A  }
0x26: {  	[smem:$0x3F96] =	sst s1;
	(tag) =	ssettag s2;
	_ =	strace s9  }
0x27: {  	s1 =	sld [smem:$0x3FA6]  }
0x28: {  	s2 =	sld [smem:$0x3FA7]  }
0x29: {  	s4 =	sld [smem:$0x3FA9]  }
0x2a: {  	p0 =	seq.s32 s5, $0x0;
	s5 =	sld [smem:$0x3FAA]  }
0x2b: {  	s6 =	sld [smem:$0x3FAB]  }
0x2c: {  	s7 =	sld [smem:$0x3FAC]  }
0x2d: {  	s3 =	simm.s32 $0x108;
	s8 =	sld [smem:$0x3FAD]  }
0x2e: {  	s3 =	simm.s32 @!p0 $0x1082;
	s9 =	sld [smem:$0x3FAE]  }
0x2f: {  	lr =	sadd.s32 s0, s3;
	s0 =	sld [smem:$0x3FA5]  }
0x30: {  	s3 =	sld [smem:$0x3FA8]  }
0x31: {  	[smem:$0x3FB1] =	sst s10  }
0x32: {  	s10 =	sld [smem:$0x3FAF];
	_ =	sdelay $0x3  }
0x33: {  	p0 =	seq.s32 s10, $0x1;
	s10 =	sld [smem:$0x3FB1];
	_ =	sdelay $0x3  }
0x34: {  	[smem:$0x3FB1] =	sst s10  }
0x35: {  	s10 =	sld [smem:$0x3FB0];
	_ =	sdelay $0x3  }
0x36: {  	p1 =	seq.s32 s10, $0x1;
	s10 =	sld [smem:$0x3FB1];
	_ =	sdelay $0x3  }
0x37: {  	[smem:$0x3FB1] =	sst s10  }
0x38: {  	s10 =	sld [smem:$0x3FB2]  }
0x39: {  	_ = 	snop;
	(pc) =	sbr.ind lr, $3  }
0x3a: {  	_ = 	snop  }
0x3b: {  	_ = 	snop  }
0x3c: {  	p2 =	seq.s32 s10, $0x1;
	s10 =	sld [smem:$0x3FB1]  }
0x3d: {  	_ =	shalt  }
0x3e: {  	_ =	shalt  }
0x3f: {  	_ =	shalt  }
0x40: {  	_ =	shalt  }
0x41: {  	_ =	shalt  }
0x42: {  	_ =	shalt  }
0x43: {  	_ =	shalt  }
0x44: {  	_ =	shalt  }
0x45: {  	_ =	shalt  }
0x46: {  	_ =	shalt  }
0x47: {  	_ =	shalt  }
0x48: {  	_ =	shalt  }
0x49: {  	_ =	shalt  }
0x4a: {  	_ =	shalt  }
0x4b: {  	_ =	shalt  }
0x4c: {  	_ =	shalt  }
0x4d: {  	_ =	shalt  }
0x4e: {  	_ =	shalt  }
0x4f: {  	_ =	shalt  }
0x50: {  	_ =	shalt  }
0x51: {  	_ =	shalt  }
0x52: {  	_ =	shalt  }
0x53: {  	_ =	shalt  }
0x54: {  	_ =	shalt  }
0x55: {  	_ =	shalt  }
0x56: {  	_ =	shalt  }
0x57: {  	_ =	shalt  }
0x58: {  	_ =	shalt  }
0x59: {  	_ =	shalt  }
0x5a: {  	_ =	shalt  }
0x5b: {  	_ =	shalt  }
0x5c: {  	_ =	shalt  }
0x5d: {  	_ =	shalt  }
0x5e: {  	_ =	shalt  }
0x5f: {  	_ =	shalt  }
0x60: {  	_ =	shalt  }
0x61: {  	_ =	shalt  }
0x62: {  	_ =	shalt  }
0x63: {  	_ =	shalt  }
0x64: {  	_ =	shalt  }
0x65: {  	_ =	shalt  }
0x66: {  	_ =	shalt  }
0x67: {  	_ =	shalt  }
0x68: {  	_ =	shalt  }
0x69: {  	_ =	shalt  }
0x6a: {  	_ =	shalt  }
0x6b: {  	_ =	shalt  }
0x6c: {  	_ =	shalt  }
0x6d: {  	_ =	shalt  }
0x6e: {  	_ =	shalt  }
0x6f: {  	_ =	shalt  }
0x70: {  	_ =	shalt  }
0x71: {  	_ =	shalt  }
0x72: {  	_ =	shalt  }
0x73: {  	_ =	shalt  }
0x74: {  	_ =	shalt  }
0x75: {  	_ =	shalt  }
0x76: {  	_ =	shalt  }
0x77: {  	_ =	shalt  }
0x78: {  	_ =	shalt  }
0x79: {  	_ =	shalt  }
0x7a: {  	_ =	shalt  }
0x7b: {  	_ =	shalt  }
0x7c: {  	_ =	shalt  }
0x7d: {  	_ =	shalt  }
0x7e: {  	_ =	shalt  }
0x7f: {  	_ =	shalt  }
0x80: {  	_ =	shalt  }
0x81: {  	_ =	shalt  }
0x82: {  	_ =	shalt  }
0x83: {  	_ =	shalt  }
0x84: {  	_ =	shalt  }
0x85: {  	_ =	shalt  }
0x86: {  	_ =	shalt  }
0x87: {  	_ =	shalt  }
.Lfunc_end0:
.L_simem_size_0:
called_computation.3_lowered:
.L_overlay_start_0:
0x88: {  	s2 =	sld [smem:$0x3FD9]  }
0x89: {  	s3 =	sld [smem:$0x3FFE];
	_ =	sdelay $0x1  }
0x8a: {  	s1 =	srdreg.scid  }
0x8b: {  	s0 =	sand.u32 $0x1, s1  }
0x8c: {  	s17 =	sshll.u32 s0, $0xA;
	s2 =	sadd.s32 s3, s2  }
0x8d: {  	s2 =	sadd.s32 s2, s17  }
0x8e: {  	[smem:$0x3FBD] =	sst s2  }
0x8f: {  	_ = 	snop  }
0x90: {  	s2 =	sld [smem:$0x3FD0];
	(tm) =	ssettm $0x1  }
0x91: {  	s18 =	sld [smem:$0x3FFB];
	_ =	sdelay $0x3  }
0x92: {  	_ =	strace s18  }
0x93: {  	s3 =	sld [smem:$0x3FFC];
	_ =	sdelay $0x3  }
0x94: {  	_ =	strace s3  }
0x95: {  	s3 =	sld [smem:$0x3FFD];
	_ =	sdelay $0x3  }
0x96: {  	_ =	strace s3  }
0x97: {  	_ =	strace $0x8FFFFFFF  }
0x98: {  	s19 =	sld [smem:$0x3FDB];
	_ =	sdelay $0x1  }
0x99: {  	s4 =	simm.s32 $_scs_section_size  }
0x9a: {  	s5 =	simm.s32 $_size__tile_overlayer_lowered;
	s6 =	simm.s32 $_tile_overlayer_lowered  }
0x9b: {  	s22 =	simm.s32 $0x1BFF;
	s21 =	sshll.u32 s6, $0x1;
	s3 =	sadd.s32 s4, s19  }
0x9c: {  	s7 =	simm.s32 $0x0;
	s20 =	sshll.u32 s5, $0x1;
	s5 =	sadd.s32 s21, s3  }
0x9d: {  	[timem:s7], [sflag:s22] =	dma.local [hbm:s5], s20  }
0x9e: {  	_ =	swait.ge [sflag:s22], s20  }
0x9f: {  	s4 =	ssub.s32 $0x0, s20;
	[sflag:s22] =	ssyncset.done $0x0  }
0xa0: {  	[sflag:s22] =	ssyncadd.s32 s4;
	_ =	sdelay $0x1  }
0xa1: {  	s23 =	simm.s32 $0x1B8B  }
0xa2: {  	_ =	swait.ge [sflag:s23], $0x1  }
0xa3: {  	[sflag:s23] =	ssyncset.done $0x0  }
0xa4: {  	s25 =	simm.s32 $0x1B8E;
	s24 =	sld [smem:$0x3FFE];
	[sflag:s23] =	ssyncadd.s32 $0xFFFFFFFF  }
0xa5: {  	s26 =	simm.s32 $execute0_lowered;
	[smem:$0x3FD2] =	sst s25  }
0xa6: {  	s5 =	sshll.u32 s26, $0x1;
	_ =	strace $0x8000004F;
	[dreg:$0x1] =	wrdreg $0xFFFFFFFF  }
0xa7: {  	s28 =	simm.s32 $_size_execute0_lowered;
	s3 =	sadd.s32 s3, s5;
	[dreg:$0x0] =	wrdreg $0x0  }
0xa8: {  	s5 =	sshll.u32 s28, $0x1;
	[dreg:$0x2] =	wrdreg s3  }
0xa9: {  	[dreg:$0x3] =	wrdreg s5  }
0xaa: {  	[dreg:$0x4] =	wrdreg $0xC0  }
0xab: {  	_ =	task [dreg:s7], $0x5FFFF  }
0xac: {  	[dreg:$0x1] =	wrdreg $0xFFFFFFFF  }
0xad: {  	[dreg:$0x0] =	wrdreg $0x60  }
0xae: {  	[dreg:$0x2] =	wrdreg s2  }
0xaf: {  	[dreg:$0x3] =	wrdreg s24  }
0xb0: {  	[dreg:$0x4] =	wrdreg $0x7B000  }
0xb1: {  	[dreg:$0x5] =	wrdreg $0x9  }
0xb2: {  	_ =	task.clear_ibuf [dreg:s7], $0x6FFFF;
	_ =	strace $0x9000004F  }
0xb3: {  	s29 =	simm.s32 $0x9;
	_ =	strace $0x80000051  }
0xb4: {  	_ =	swait.ge [sflag:s29], $0x1  }
0xb5: {  	[sflag:s29] =	ssyncadd.s32 $0xFFFFFFFF  }
0xb6: {  	_ =	strace $0x90000051  }
0xb7: {  	_ =	sfence  }
0xb8: {  	s30 =	sld [smem:$0x0];
	_ =	sdelay $0x2  }
0xb9: {  	s31 =	sshll.u32 s1, $0xD;
	s1 =	sshrl.u32 s1, $0x2  }
0xba: {  	s3 =	sand.u32 $0x4000, s31;
	s1 =	sadd.s32 s1, s30  }
0xbb: {  	s0 =	sor.u32 s3, s0;
	s1 =	sshll.u32 s1, $0x11  }
0xbc: {  	s0 =	sor.u32 s1, s0  }
0xbd: {  	s0 =	sadd.s32 $0x8F2B, s0  }
0xbe: {  	[sflag:s0] =	ssyncadd.remote.s32 $0x1  }
0xbf: {  	_ =	sfence.sel $0xFFFF  }
0xc0: {  	[dreg:$0x0] =	wrdreg $0xFFFFFFFF;
	(pc) =	sbr.abs _section_cstart, $3  }
0xc1: {  	[dreg:$0x1] =	wrdreg $0xFFFFFFFF  }
0xc2: {  	_ =	task.clear_ibuf [dreg:s7], $0x2FFFF;
	_ =	strace $0x9FFFFFFF  }
0xc3: {  	(tm) =	ssettm $0x7FFFFFFF  }
tec
execute0_lowered:
.L_overlay_start_1:
0x0: {  	(tag) =	ssettag $0x1  }
0x1: {  	s1 =	rddreg [dreg:$0x0]  }
0x2: {  	s0 =	rddreg [dreg:$0x1]  }
0x3: {  	s3 =	rddreg [dreg:$0x2]  }
0x4: {  	s2 =	srdreg.scid;
	s10 =	stileid.u32  }
0x5: {  	s4 =	simm.s32 $0x0;
	s28 =	simm.s32 $0x5300;
	s29 =	simm.s32 $0x80  }
0x6: {  	s30 =	simm.s32 $0x5;
	s31 =	simm.s32 $0x180;
	s6 =	smul.u32 $0x2800, s10  }
0x7: {  	s2 =	sand.u32 $0x1, s2;
	[smem:$0x7FF] =	sst s4;
	s16 =	smul.u32 $0x7E00, s10  }
0x8: {  	s5 =	sadd.s32 $0x4800, s0;
	s9 =	sadd.s32 $0x24000, s0;
	s17 =	smul.u32 $0x50000, s10  }
0x9: {  	s21 =	sshll.u32 s10, $0x6;
	s7 =	smul.u32 $0x28000, s2;
	_ =	strace $0x80000050  }
0xa: {  	s8 =	smul.u32 $0x7E000, s2;
	[dreg:$0x4] =	wrdreg s9;
	s2 =	ssub.s32 $0x2, s2  }
0xb: {  	s18 =	sshrl.u32 s2, $0x1;
	s19 =	sshrl.u32 s17, $0x2;
	s17 =	simm.s32 $0x7  }
0xc: {  	s6 =	sadd.s32 s6, s7;
	s9 =	sadd.s32 s16, s8;
	s2 =	ssub.s32 s2, s18  }
0xd: {  	s8 =	sor.u32 $0x1C07, s21;
	s18 =	simm.s32 $0x100;
	s21 =	simm.s32 $0x50  }
0xe: {  	s0 =	sadd.s32 s6, s0;
	s20 =	sshrl.u32 s9, $0x3;
	s6 =	sadd.s32 s19, s3  }
0xf: {  	s24 =	sadd.s32 $0x500, s9;
	s25 =	sadd.s32 $0x400, s9;
	s2 =	smax.u32 s2, $0x1  }
0x10: {  	s15 =	sadd.s32 $0x300, s9;
	s19 =	simm.s32 $0x200;
	s7 =	sadd.s32 s5, s20  }
0x11: {  	s0 =	sadd.s32 $0x26800, s0;
	[dreg:$0x8] =	wrdreg s2;
	s26 =	sshrl.u32 s25, $0x3  }
0x12: {  	s16 =	sshrl.u32 s6, $0x3;
	s20 =	simm.s32 $0x1;
	s25 =	simm.s32 $0x4  }
0x13: {  	s2 =	simm.s32 $0x280;
	s6 =	simm.s32 $0x0;
	s22 =	sadd.s32 $0x20, s7  }
0x14: {  	s23 =	sadd.s32 $0x40, s7;
	[dreg:$0x7] =	wrdreg s0;
	s0 =	sshrl.u32 s24, $0x3  }
0x15: {  	s14 =	sadd.s32 s26, s5;
	s24 =	simm.s32 $0x2B00;
	[dreg:$0x5] =	wrdreg s22  }
0x16: {  	s26 =	simm.s32 $0x3;
	[dreg:$0x6] =	wrdreg s23;
	s13 =	sadd.s32 s0, s5  }
0x17: {  	s22 =	simm.s32 $0x300;
	s23 =	simm.s32 $0x2;
	s0 =	simm.s32 $0x6  }
.LBB2_1:
0x18: {  	s9 =	rddreg [dreg:$0x4]  }
0x19: {  	[spmem:s16], [sflag:s8] =	dma.local [hbm:s9], $0x2800  }
0x1a: {  	_ =	swait.ge [sflag:s17], $0x2800  }
0x1b: {  	[sflag:s17] =	ssyncset.done $0x0  }
0x1c: {  	[sflag:s17] =	ssyncadd.s32 $0xFFFFD800  }
0x1d: {  	[bflag:$0x0] =	sbarrier.arrive $0xFFFF  }
0x1e: {  	[tilespmem:s4], [sflag:$0x1] =	stream.linear.gather [hbm4b:s7+s4], $0x100, $0x38;
	[tilespmem:$0x1BB00] =	vst v63  }
0x1f: {  	s12 =	rddreg [dreg:$0x5]  }
0x20: {  	[tilespmem:s18], [sflag:$0x2] =	stream.linear.gather [hbm4b:s12+s4], $0x100, $0x38;
	[tilespmem:$0x1BB00] =	vst v63  }
0x21: {  	s10 =	rddreg [dreg:$0x6]  }
0x22: {  	[tilespmem:s19], [sflag:$0x3] =	stream.linear.gather [hbm4b:s10+s4], $0x100, $0x38;
	[tilespmem:$0x1BB00] =	vst v63  }
0x23: {  	_ =	swait.ge [sflag:s20], $0x100  }
0x24: {  	[sflag:s20] =	ssyncset.done $0x0  }
0x25: {  	[sflag:s20] =	ssyncadd.s32 $0xFFFFFF00  }
0x26: {  	[tilespmem:s22], [sflag:$0x4] =	stream.indirect.gather [hbm4b:s1+s21], $0x80, s4, s21, $0xb8;
	[tilespmem:$0x1BB00] =	vst v63  }
0x27: {  	_ =	swait.ge [sflag:s23], $0x100  }
0x28: {  	[sflag:s23] =	ssyncset.done $0x0  }
0x29: {  	[sflag:s23] =	ssyncadd.s32 $0xFFFFFF00  }
0x2a: {  	[tilespmem:s24], [sflag:$0x5] =	stream.indirect.gather [hbm4b:s1+s21], $0x80, s18, s21, $0xb8;
	[tilespmem:$0x1BB00] =	vst v63  }
0x2b: {  	_ =	swait.ge [sflag:s25], $0x2800  }
0x2c: {  	[sflag:s25] =	ssyncset.done $0x0  }
0x2d: {  	[sflag:s25] =	ssyncadd.s32 $0xFFFFD800  }
0x2e: {  	_ =	swait.ge [sflag:s26], $0x100  }
0x2f: {  	[sflag:s26] =	ssyncset.done $0x0  }
0x30: {  	[sflag:s26] =	ssyncadd.s32 $0xFFFFFF00  }
0x31: {  	[tilespmem:s28], [sflag:$0x6] =	stream.indirect.gather [hbm4b:s1+s21], $0x80, s19, s21, $0xb8;
	[tilespmem:$0x1BB00] =	vst v63  }
0x32: {  	_ = 	snop  }
0x33: {  	[spmem:s3] =	stream.indirect.scatter.add.f32 [tilespmem:s22], [sflag:$0x7], $0x80, s29, s21, $0xb8;
	[tilespmem:$0x1BB00] =	vst v63  }
0x34: {  	_ =	swait.ge [sflag:s17], $0x2800  }
0x35: {  	s11 =	sshrl.u32 s15, $0x3;
	[sflag:s17] =	ssyncset.done $0x0  }
0x36: {  	s9 =	sadd.s32 s5, s11;
	[sflag:s17] =	ssyncadd.s32 $0xFFFFD800  }
0x37: {  	[tilespmem:s4], [sflag:$0x1] =	stream.linear.gather [hbm4b:s9+s4], $0x100, $0x38;
	[tilespmem:$0x1BB00] =	vst v63  }
0x38: {  	_ =	swait.ge [sflag:s30], $0x2800  }
0x39: {  	[sflag:s30] =	ssyncset.done $0x0  }
0x3a: {  	[sflag:s30] =	ssyncadd.s32 $0xFFFFD800  }
0x3b: {  	_ =	swait.ge [sflag:s20], $0x100  }
0x3c: {  	[sflag:s20] =	ssyncset.done $0x0  }
0x3d: {  	[sflag:s20] =	ssyncadd.s32 $0xFFFFFF00  }
0x3e: {  	[tilespmem:s22], [sflag:$0x4] =	stream.indirect.gather [hbm4b:s1+s21], $0x80, s4, s21, $0xb8;
	[tilespmem:$0x1BB00] =	vst v63  }
0x3f: {  	_ = 	snop  }
0x40: {  	[spmem:s3] =	stream.indirect.scatter.add.f32 [tilespmem:s24], [sflag:$0x7], $0x80, s31, s21, $0xb8;
	[tilespmem:$0x1BB00] =	vst v63  }
0x41: {  	_ =	swait.ge [sflag:s17], $0x2800  }
0x42: {  	[sflag:s17] =	ssyncset.done $0x0  }
0x43: {  	s12 =	sadd.s32 $0x0, s14;
	[sflag:s17] =	ssyncadd.s32 $0xFFFFD800  }
0x44: {  	[tilespmem:s18], [sflag:$0x2] =	stream.linear.gather [hbm4b:s12+s4], $0x100, $0x38;
	[tilespmem:$0x1BB00] =	vst v63  }
0x45: {  	_ =	swait.ge [sflag:s0], $0x2800  }
0x46: {  	[sflag:s0] =	ssyncset.done $0x0  }
0x47: {  	[sflag:s0] =	ssyncadd.s32 $0xFFFFD800  }
0x48: {  	_ =	swait.ge [sflag:s23], $0x100  }
0x49: {  	[sflag:s23] =	ssyncset.done $0x0  }
0x4a: {  	[sflag:s23] =	ssyncadd.s32 $0xFFFFFF00  }
0x4b: {  	[tilespmem:s24], [sflag:$0x5] =	stream.indirect.gather [hbm4b:s1+s21], $0x80, s18, s21, $0xb8;
	[tilespmem:$0x1BB00] =	vst v63  }
0x4c: {  	_ = 	snop  }
0x4d: {  	[spmem:s3] =	stream.indirect.scatter.add.f32 [tilespmem:s28], [sflag:$0x7], $0x80, s2, s21, $0xb8;
	[tilespmem:$0x1BB00] =	vst v63  }
0x4e: {  	_ =	swait.ge [sflag:s17], $0x2800  }
0x4f: {  	s11 =	sadd.s32 $0x0, s13;
	[sflag:s17] =	ssyncset.done $0x0  }
0x50: {  	s10 =	sadd.s32 $0x300, s15;
	s9 =	simm.s32 $0x60;
	[sflag:s17] =	ssyncadd.s32 $0xFFFFD800  }
.LBB2_2:
0x51: {  	[tilespmem:s19], [sflag:$0x3] =	stream.linear.gather [hbm4b:s11+s4], $0x100, $0x38;
	[tilespmem:$0x1BB00] =	vst v63  }
0x52: {  	s11 =	smov.u32 s9  }
0x53: {  	p0 =	sne.s32 s9, $0xF00;
	s9 =	sadd.s32 $0x60, s9;
	_ =	swait.ge [sflag:s25], $0x2800  }
0x54: {  	[sflag:s25] =	ssyncset.done $0x0  }
0x55: {  	[sflag:s25] =	ssyncadd.s32 $0xFFFFD800  }
0x56: {  	_ =	swait.ge [sflag:s26], $0x100  }
0x57: {  	[sflag:s26] =	ssyncset.done $0x0  }
0x58: {  	[sflag:s26] =	ssyncadd.s32 $0xFFFFFF00  }
0x59: {  	[tilespmem:s28], [sflag:$0x6] =	stream.indirect.gather [hbm4b:s1+s21], $0x80, s19, s21, $0xb8;
	[tilespmem:$0x1BB00] =	vst v63  }
0x5a: {  	_ = 	snop  }
0x5b: {  	[spmem:s3] =	stream.indirect.scatter.add.f32 [tilespmem:s22], [sflag:$0x7], $0x80, s29, s21, $0xb8;
	[tilespmem:$0x1BB00] =	vst v63  }
0x5c: {  	_ =	swait.ge [sflag:s17], $0x2800  }
0x5d: {  	s12 =	sshrl.u32 s10, $0x3;
	[sflag:s17] =	ssyncset.done $0x0  }
0x5e: {  	s12 =	sadd.s32 s5, s12;
	[sflag:s17] =	ssyncadd.s32 $0xFFFFD800  }
0x5f: {  	[tilespmem:s4], [sflag:$0x1] =	stream.linear.gather [hbm4b:s12+s4], $0x100, $0x38;
	[tilespmem:$0x1BB00] =	vst v63  }
0x60: {  	_ =	swait.ge [sflag:s30], $0x2800  }
0x61: {  	[sflag:s30] =	ssyncset.done $0x0  }
0x62: {  	[sflag:s30] =	ssyncadd.s32 $0xFFFFD800  }
0x63: {  	_ =	swait.ge [sflag:s20], $0x100  }
0x64: {  	[sflag:s20] =	ssyncset.done $0x0  }
0x65: {  	[sflag:s20] =	ssyncadd.s32 $0xFFFFFF00  }
0x66: {  	[tilespmem:s22], [sflag:$0x4] =	stream.indirect.gather [hbm4b:s1+s21], $0x80, s4, s21, $0xb8;
	[tilespmem:$0x1BB00] =	vst v63  }
0x67: {  	_ = 	snop  }
0x68: {  	[spmem:s3] =	stream.indirect.scatter.add.f32 [tilespmem:s24], [sflag:$0x7], $0x80, s31, s21, $0xb8;
	[tilespmem:$0x1BB00] =	vst v63  }
0x69: {  	_ =	swait.ge [sflag:s17], $0x2800  }
0x6a: {  	[sflag:s17] =	ssyncset.done $0x0  }
0x6b: {  	s12 =	sadd.s32 s11, s14;
	[sflag:s17] =	ssyncadd.s32 $0xFFFFD800  }
0x6c: {  	[tilespmem:s18], [sflag:$0x2] =	stream.linear.gather [hbm4b:s12+s4], $0x100, $0x38;
	[tilespmem:$0x1BB00] =	vst v63  }
0x6d: {  	_ =	swait.ge [sflag:s0], $0x2800  }
0x6e: {  	[sflag:s0] =	ssyncset.done $0x0  }
0x6f: {  	[sflag:s0] =	ssyncadd.s32 $0xFFFFD800  }
0x70: {  	_ =	swait.ge [sflag:s23], $0x100  }
0x71: {  	[sflag:s23] =	ssyncset.done $0x0  }
0x72: {  	[sflag:s23] =	ssyncadd.s32 $0xFFFFFF00  }
0x73: {  	[tilespmem:s24], [sflag:$0x5] =	stream.indirect.gather [hbm4b:s1+s21], $0x80, s18, s21, $0xb8;
	[tilespmem:$0x1BB00] =	vst v63  }
.Ltmp0:
0x74: {  	(pc) =	sbr.rel @p0 .LBB2_2-.Ltmp0, $4  }
0x75: {  	[spmem:s3] =	stream.indirect.scatter.add.f32 [tilespmem:s28], [sflag:$0x7], $0x80, s2, s21, $0xb8;
	[tilespmem:$0x1BB00] =	vst v63  }
0x76: {  	_ =	swait.ge [sflag:s17], $0x2800  }
0x77: {  	[sflag:s17] =	ssyncset.done $0x0  }
0x78: {  	s10 =	sadd.s32 $0x300, s10;
	s11 =	sadd.s32 s11, s13;
	[sflag:s17] =	ssyncadd.s32 $0xFFFFD800  }
0x79: {  	[tilespmem:s19], [sflag:$0x3] =	stream.linear.gather [hbm4b:s11+s4], $0x100, $0x38;
	[tilespmem:$0x1BB00] =	vst v63  }
0x7a: {  	_ =	swait.ge [sflag:s25], $0x2800  }
0x7b: {  	[sflag:s25] =	ssyncset.done $0x0  }
0x7c: {  	[sflag:s25] =	ssyncadd.s32 $0xFFFFD800  }
0x7d: {  	[spmem:s3] =	stream.indirect.scatter.add.f32 [tilespmem:s22], [sflag:$0x7], $0x80, s29, s21, $0xb8;
	[tilespmem:$0x1BB00] =	vst v63  }
0x7e: {  	_ =	swait.ge [sflag:s17], $0x2800  }
0x7f: {  	[sflag:s17] =	ssyncset.done $0x0  }
0x80: {  	[sflag:s17] =	ssyncadd.s32 $0xFFFFD800  }
0x81: {  	_ =	swait.ge [sflag:s30], $0x2800  }
0x82: {  	[sflag:s30] =	ssyncset.done $0x0  }
0x83: {  	[sflag:s30] =	ssyncadd.s32 $0xFFFFD800  }
0x84: {  	[spmem:s3] =	stream.indirect.scatter.add.f32 [tilespmem:s24], [sflag:$0x7], $0x80, s31, s21, $0xb8;
	[tilespmem:$0x1BB00] =	vst v63  }
0x85: {  	_ =	swait.ge [sflag:s17], $0x2800  }
0x86: {  	[sflag:s17] =	ssyncset.done $0x0  }
0x87: {  	[sflag:s17] =	ssyncadd.s32 $0xFFFFD800  }
0x88: {  	_ =	swait.ge [sflag:s26], $0x100  }
0x89: {  	[sflag:s26] =	ssyncset.done $0x0  }
0x8a: {  	[sflag:s26] =	ssyncadd.s32 $0xFFFFFF00  }
0x8b: {  	[bflag:$0x0] =	sbarrier.arrive $0xFFFF  }
0x8c: {  	s9 =	rddreg [dreg:$0x7]  }
0x8d: {  	[hbm:s9], [sflag:s8] =	dma.local [spmem:s16], $0x2800  }
0x8e: {  	_ =	swait.ge [sflag:s17], $0x2800  }
0x8f: {  	s6 =	sadd.s32 $0x1, s6;
	s12 =	rddreg [dreg:$0x8]  }
0x90: {  	p0 =	sne.s32 s6, s12  }
.Ltmp1:
0x91: {  	_ = 	snop;
	(pc) =	sbr.rel @p0 .LBB2_1-.Ltmp1, $3  }
0x92: {  	_ =	sdelay $0x1  }
0x93: {  	[sflag:s17] =	ssyncset.done $0x0  }
0x94: {  	[sflag:s17] =	ssyncadd.s32 $0xFFFFD800  }
0x95: {  	_ =	sfence.sel $0x180000  }
0x96: {  	[bflag:$0x0] =	sbarrier.arrive $0xFFFF  }
0x97: {  	_ =	strace $0x90000050  }
0x98: {  	s0 =	stileid.u32;
	[bflag:$0x2] =	sbarrier.arrive $0xFFFF  }
0x99: {  	p0 =	sne.s32 s0, $0x0;
	s0 =	rddreg [dreg:$0x3]  }
0x9a: {  	s0 =	sadd.s32 @!p0 $0x100000, s0  }
0x9b: {  	[sflag:s0] =	ssyncadd.tile.s32 @!p0 $0x1;
	_ =	shalt  }
.Lfunc_end2:
_tile_overlayer_lowered:
.L_overlay_start_2:
0x9c: {  	(tag) =	ssettag $0x2  }
0x9d: {  	s0 =	rddreg [dreg:$0x0];
	s2 =	stileid.u32  }
0x9e: {  	s1 =	rddreg [dreg:$0x1];
	p0 =	sne.s32 s2, $0x0  }
0x9f: {  	s3 =	rddreg [dreg:$0x2];
	[bflag:$0x3] =	sbarrier.arrive $0xFFFF;
	s2 =	simm.s32 @!p0 $0x1C07  }
0xa0: {  	[timem:s3], [sflag:s2] =	dma.local @!p0 [hbm:s0], s1  }
0xa1: {  	s0 =	simm.s32 @!p0 $0x7  }
0xa2: {  	_ =	swait.ge @!p0 [sflag:s0], s1  }
0xa3: {  	s1 =	ssub.s32 @!p0 $0x0, s1;
	[sflag:s0] =	ssyncset.done @!p0 $0x0  }
0xa4: {  	[sflag:s0] =	ssyncadd.s32 @!p0 s1  }
0xa5: {  	[bflag:$0x3] =	sbarrier.arrive $0xFFFF  }
0xa6: {  	_ =	shalt  }

// kernel: kernel.9.cloned.1.call-start
scs
__scs_entry_jumppad:
0x0: {  	(pc) =	sbr.rel $0x88, $3  }
0x1: {  	(tag) =	ssettag $0x0;
	lr =	simm.s32 $0x1  }
0x2: {  	[smem:$0x3F96] =	sst lr;
	_ =	strace $0xD0000000  }
0x3: {  	_ = 	snop  }
0x4: {  	_ = 	snop  }
0x5: {  	_ = 	snop  }
0x6: {  	_ = 	snop  }
0x7: {  	_ = 	snop  }
__scs_overlays_trampoline_lowered:
0x8: {  	[smem:$0x3FA5] =	sst s0  }
0x9: {  	[smem:$0x3FA6] =	sst s1  }
0xa: {  	[smem:$0x3FA7] =	sst s2  }
0xb: {  	[smem:$0x3FA8] =	sst s3  }
0xc: {  	[smem:$0x3FA9] =	sst s4  }
0xd: {  	[smem:$0x3FAA] =	sst s5  }
0xe: {  	[smem:$0x3FAB] =	sst s6  }
0xf: {  	[smem:$0x3FAC] =	sst s7  }
0x10: {  	[smem:$0x3FAD] =	sst s8  }
0x11: {  	[smem:$0x3FAE] =	sst s9;
	s0 =	simm.s32 @!p0 $0x0  }
0x12: {  	s1 =	sld [smem:$0x3F94];
	s0 =	simm.s32 @p0 $0x1  }
0x13: {  	[smem:$0x3FAF] =	sst s0;
	s0 =	simm.s32 @!p1 $0x0  }
0x14: {  	s2 =	sld [smem:$0x3F93];
	s0 =	simm.s32 @p1 $0x1  }
0x15: {  	[smem:$0x3FB0] =	sst s0;
	s0 =	simm.s32 @!p2 $0x0  }
0x16: {  	s3 =	sld [smem:$0x3FDB];
	s0 =	simm.s32 @p2 $0x1  }
0x17: {  	s4 =	simm.s32 $0x1BF5;
	[smem:$0x3FB2] =	sst s0  }
0x18: {  	s0 =	sld [smem:$0x3F95];
	_ =	swait.ge [sflag:s4], $0x0  }
0x19: {  	s7 =	sld [smem:$0x3F96]  }
0x1a: {  	s8 =	sadd.s32 $0xFFFFE003, lr  }
0x1b: {  	s9 =	sadd.s32 $0xFFFFFEF7, lr;
	s5 =	simm.s32 $0xFFFFFFFF;
	p2 =	slt.u32 s8, $0xFFFFF086  }
0x1c: {  	p1 =	slt.u32 s9, $0xF7A;
	s5 =	simm.s32 @!p2 $0x0  }
0x1d: {  	s5 =	simm.s32 @p1 $0x1;
	p0 =	seq.s32 s7, s2  }
0x1e: {  	s7 =	smul.u32 @!p0 $0xF7A, s2;
	p2 =	seq.s32 @!p0 s5, $0x0  }
0x1f: {  	s9 =	smul.u32 $0xF7A, s1;
	s8 =	simm.s32 @!p0 $0x1BF5;
	p2 =	por !p2, p0  }
0x20: {  	[sflag:s8] =	ssyncset.s32 @!p0 $0xFFFFF086;
	s6 =	sadd.s32 @!p0 s3, s7;
	s7 =	simm.s32 @!p0 $0x108  }
0x21: {  	s3 =	sadd.s32 s3, s9;
	s6 =	sadd.s32 @!p0 $0x88, s6;
	s7 =	simm.s32 @p2 $0x1082  }
0x22: {  	[simem:s7], [sflag:s8] =	dma.local @!p0 [hbm:s6], $0xF7A  }
0x23: {  	s9 =	sor.u32 $0xD0000000, s2;
	s6 =	simm.s32 $0x108;
	_ =	swait.ge @!p0 [sflag:s8], $0x0  }
0x24: {  	s3 =	sadd.s32 $0x88, s3;
	s6 =	simm.s32 @!p1 $0x1082;
	[sflag:s4] =	ssyncset.s32 $0xFFFFF086  }
0x25: {  	[simem:s6], [sflag:s4] =	dma.local [hbm:s3], $0xF7A  }
0x26: {  	[smem:$0x3F96] =	sst s1;
	(tag) =	ssettag s2;
	_ =	strace s9  }
0x27: {  	s1 =	sld [smem:$0x3FA6]  }
0x28: {  	s2 =	sld [smem:$0x3FA7]  }
0x29: {  	s4 =	sld [smem:$0x3FA9]  }
0x2a: {  	p0 =	seq.s32 s5, $0x0;
	s5 =	sld [smem:$0x3FAA]  }
0x2b: {  	s6 =	sld [smem:$0x3FAB]  }
0x2c: {  	s7 =	sld [smem:$0x3FAC]  }
0x2d: {  	s3 =	simm.s32 $0x108;
	s8 =	sld [smem:$0x3FAD]  }
0x2e: {  	s3 =	simm.s32 @!p0 $0x1082;
	s9 =	sld [smem:$0x3FAE]  }
0x2f: {  	lr =	sadd.s32 s0, s3;
	s0 =	sld [smem:$0x3FA5]  }
0x30: {  	s3 =	sld [smem:$0x3FA8]  }
0x31: {  	[smem:$0x3FB1] =	sst s10  }
0x32: {  	s10 =	sld [smem:$0x3FAF];
	_ =	sdelay $0x3  }
0x33: {  	p0 =	seq.s32 s10, $0x1;
	s10 =	sld [smem:$0x3FB1];
	_ =	sdelay $0x3  }
0x34: {  	[smem:$0x3FB1] =	sst s10  }
0x35: {  	s10 =	sld [smem:$0x3FB0];
	_ =	sdelay $0x3  }
0x36: {  	p1 =	seq.s32 s10, $0x1;
	s10 =	sld [smem:$0x3FB1];
	_ =	sdelay $0x3  }
0x37: {  	[smem:$0x3FB1] =	sst s10  }
0x38: {  	s10 =	sld [smem:$0x3FB2]  }
0x39: {  	_ = 	snop;
	(pc) =	sbr.ind lr, $3  }
0x3a: {  	_ = 	snop  }
0x3b: {  	_ = 	snop  }
0x3c: {  	p2 =	seq.s32 s10, $0x1;
	s10 =	sld [smem:$0x3FB1]  }
0x3d: {  	_ =	shalt  }
0x3e: {  	_ =	shalt  }
0x3f: {  	_ =	shalt  }
0x40: {  	_ =	shalt  }
0x41: {  	_ =	shalt  }
0x42: {  	_ =	shalt  }
0x43: {  	_ =	shalt  }
0x44: {  	_ =	shalt  }
0x45: {  	_ =	shalt  }
0x46: {  	_ =	shalt  }
0x47: {  	_ =	shalt  }
0x48: {  	_ =	shalt  }
0x49: {  	_ =	shalt  }
0x4a: {  	_ =	shalt  }
0x4b: {  	_ =	shalt  }
0x4c: {  	_ =	shalt  }
0x4d: {  	_ =	shalt  }
0x4e: {  	_ =	shalt  }
0x4f: {  	_ =	shalt  }
0x50: {  	_ =	shalt  }
0x51: {  	_ =	shalt  }
0x52: {  	_ =	shalt  }
0x53: {  	_ =	shalt  }
0x54: {  	_ =	shalt  }
0x55: {  	_ =	shalt  }
0x56: {  	_ =	shalt  }
0x57: {  	_ =	shalt  }
0x58: {  	_ =	shalt  }
0x59: {  	_ =	shalt  }
0x5a: {  	_ =	shalt  }
0x5b: {  	_ =	shalt  }
0x5c: {  	_ =	shalt  }
0x5d: {  	_ =	shalt  }
0x5e: {  	_ =	shalt  }
0x5f: {  	_ =	shalt  }
0x60: {  	_ =	shalt  }
0x61: {  	_ =	shalt  }
0x62: {  	_ =	shalt  }
0x63: {  	_ =	shalt  }
0x64: {  	_ =	shalt  }
0x65: {  	_ =	shalt  }
0x66: {  	_ =	shalt  }
0x67: {  	_ =	shalt  }
0x68: {  	_ =	shalt  }
0x69: {  	_ =	shalt  }
0x6a: {  	_ =	shalt  }
0x6b: {  	_ =	shalt  }
0x6c: {  	_ =	shalt  }
0x6d: {  	_ =	shalt  }
0x6e: {  	_ =	shalt  }
0x6f: {  	_ =	shalt  }
0x70: {  	_ =	shalt  }
0x71: {  	_ =	shalt  }
0x72: {  	_ =	shalt  }
0x73: {  	_ =	shalt  }
0x74: {  	_ =	shalt  }
0x75: {  	_ =	shalt  }
0x76: {  	_ =	shalt  }
0x77: {  	_ =	shalt  }
0x78: {  	_ =	shalt  }
0x79: {  	_ =	shalt  }
0x7a: {  	_ =	shalt  }
0x7b: {  	_ =	shalt  }
0x7c: {  	_ =	shalt  }
0x7d: {  	_ =	shalt  }
0x7e: {  	_ =	shalt  }
0x7f: {  	_ =	shalt  }
0x80: {  	_ =	shalt  }
0x81: {  	_ =	shalt  }
0x82: {  	_ =	shalt  }
0x83: {  	_ =	shalt  }
0x84: {  	_ =	shalt  }
0x85: {  	_ =	shalt  }
0x86: {  	_ =	shalt  }
0x87: {  	_ =	shalt  }
.Lfunc_end0:
.L_simem_size_0:
called_computation_lowered:
.L_overlay_start_0:
0x88: {  	s2 =	sld [smem:$0x3FD9]  }
0x89: {  	s3 =	sld [smem:$0x3FFE];
	_ =	sdelay $0x1  }
0x8a: {  	s1 =	srdreg.scid  }
0x8b: {  	s0 =	sand.u32 $0x1, s1  }
0x8c: {  	s17 =	sshll.u32 s0, $0xA;
	s2 =	sadd.s32 s3, s2  }
0x8d: {  	s2 =	sadd.s32 s2, s17  }
0x8e: {  	[smem:$0x3FBD] =	sst s2  }
0x8f: {  	_ = 	snop  }
0x90: {  	(tm) =	ssettm $0x1  }
0x91: {  	s18 =	sld [smem:$0x3FFB];
	_ =	sdelay $0x3  }
0x92: {  	_ =	strace s18  }
0x93: {  	s2 =	sld [smem:$0x3FFC];
	_ =	sdelay $0x3  }
0x94: {  	_ =	strace s2  }
0x95: {  	s2 =	sld [smem:$0x3FFD];
	_ =	sdelay $0x3  }
0x96: {  	_ =	strace s2  }
0x97: {  	_ =	strace $0x8FFFFFFF  }
0x98: {  	s19 =	sld [smem:$0x3FDB];
	_ =	sdelay $0x1  }
0x99: {  	s20 =	simm.s32 $_scs_section_size  }
0x9a: {  	s4 =	simm.s32 $_size__tile_overlayer_lowered;
	s5 =	simm.s32 $_tile_overlayer_lowered  }
0x9b: {  	s6 =	simm.s32 $0x1BFF;
	s21 =	sshll.u32 s5, $0x1;
	s3 =	sadd.s32 s20, s19  }
0x9c: {  	s22 =	simm.s32 $0x0;
	s4 =	sshll.u32 s4, $0x1;
	s5 =	sadd.s32 s21, s3  }
0x9d: {  	[timem:s22], [sflag:s6] =	dma.local [hbm:s5], s4  }
0x9e: {  	_ =	swait.ge [sflag:s6], s4  }
0x9f: {  	s4 =	ssub.s32 $0x0, s4;
	[sflag:s6] =	ssyncset.done $0x0  }
0xa0: {  	[sflag:s6] =	ssyncadd.s32 s4;
	_ =	sdelay $0x1  }
0xa1: {  	s23 =	simm.s32 $0x1B8B  }
0xa2: {  	_ =	swait.ge [sflag:s23], $0x1  }
0xa3: {  	[sflag:s23] =	ssyncset.done $0x0  }
0xa4: {  	[sflag:s23] =	ssyncadd.s32 $0xFFFFFFFF  }
0xa5: {  	s4 =	sld [smem:$0x0]  }
0xa6: {  	s5 =	sand.u32 $0xFFFFFFFE, s1  }
0xa7: {  	p0 =	sne.s32 s1, s5  }
0xa8: {  	s5 =	sshll.u32 @p0 s5, $0xE  }
0xa9: {  	s5 =	sadd.s32 @p0 $0x11B8D, s5;
	s6 =	sshll.u32 @p0 s4, $0x11  }
0xaa: {  	s5 =	sor.u32 @p0 s6, s5  }
0xab: {  	[sflag:s5] =	ssyncadd.remote.s32 @p0 $0x1;
	_ =	sdelay $0x1  }
0xac: {  	s5 =	simm.s32 @p0 $0x1B8D  }
0xad: {  	_ =	swait.eq @p0 [sflag:s5], $0x1  }
0xae: {  	[sflag:s5] =	ssyncadd.s32 @p0 $0xFFFFFFFF  }
0xaf: {  	s6 =	sshll.u32 @!p0 s1, $0xE  }
0xb0: {  	s6 =	sor.u32 @!p0 $0x4000, s6;
	s5 =	simm.s32 @!p0 $0x1B8D  }
0xb1: {  	s4 =	sshll.u32 @!p0 s4, $0x11;
	s6 =	sadd.s32 @!p0 $0x11B8D, s6;
	_ =	swait.eq @!p0 [sflag:s5], $0x1  }
0xb2: {  	s4 =	sor.u32 @!p0 s4, s6;
	[sflag:s5] =	ssyncadd.s32 @!p0 $0xFFFFFFFF  }
0xb3: {  	s25 =	simm.s32 $0x1B8E;
	s24 =	sld [smem:$0x3FFE];
	[sflag:s4] =	ssyncadd.remote.s32 @!p0 $0x1  }
0xb4: {  	s26 =	simm.s32 $execute0_lowered;
	[smem:$0x3FD2] =	sst s25  }
0xb5: {  	s5 =	sshll.u32 s26, $0x1;
	_ =	strace $0x80000049;
	[dreg:$0x1] =	wrdreg $0xFFFFFFFF  }
0xb6: {  	s28 =	simm.s32 $_size_execute0_lowered;
	s3 =	sadd.s32 s3, s5;
	[dreg:$0x0] =	wrdreg $0x0  }
0xb7: {  	s5 =	sshll.u32 s28, $0x1;
	[dreg:$0x2] =	wrdreg s3  }
0xb8: {  	[dreg:$0x3] =	wrdreg s5  }
0xb9: {  	[dreg:$0x4] =	wrdreg $0xC0  }
0xba: {  	_ =	task [dreg:s22], $0x5FFFF  }
0xbb: {  	[dreg:$0x1] =	wrdreg $0xFFFFFFFF  }
0xbc: {  	[dreg:$0x0] =	wrdreg $0x60  }
0xbd: {  	[dreg:$0x2] =	wrdreg s24  }
0xbe: {  	[dreg:$0x3] =	wrdreg $0x68000  }
0xbf: {  	[dreg:$0x4] =	wrdreg $0x9  }
0xc0: {  	_ =	task.clear_ibuf [dreg:s22], $0x5FFFF;
	_ =	strace $0x90000049  }
0xc1: {  	s29 =	simm.s32 $0x9;
	_ =	strace $0x8000004B  }
0xc2: {  	_ =	swait.ge [sflag:s29], $0x1  }
0xc3: {  	[sflag:s29] =	ssyncadd.s32 $0xFFFFFFFF  }
0xc4: {  	_ =	strace $0x9000004B  }
0xc5: {  	_ =	sfence  }
0xc6: {  	s30 =	sld [smem:$0x0];
	_ =	sdelay $0x2  }
0xc7: {  	s31 =	sshll.u32 s1, $0xD;
	s1 =	sshrl.u32 s1, $0x2  }
0xc8: {  	s4 =	sand.u32 $0x4000, s31;
	s1 =	sadd.s32 s1, s30  }
0xc9: {  	s0 =	sor.u32 s4, s0;
	s1 =	sshll.u32 s1, $0x11  }
0xca: {  	s0 =	sor.u32 s1, s0  }
0xcb: {  	s0 =	sadd.s32 $0x8F2B, s0  }
0xcc: {  	[sflag:s0] =	ssyncadd.remote.s32 $0x1  }
0xcd: {  	_ =	sfence.sel $0xFFFF  }
0xce: {  	[dreg:$0x0] =	wrdreg $0xFFFFFFFF;
	(pc) =	sbr.abs _section_cstart, $3  }
0xcf: {  	[dreg:$0x1] =	wrdreg $0xFFFFFFFF  }
0xd0: {  	_ =	task.clear_ibuf [dreg:s22], $0x2FFFF;
	_ =	strace $0x9FFFFFFF  }
0xd1: {  	(tm) =	ssettm $0x7FFFFFFF  }
tec
execute0_lowered:
.L_overlay_start_1:
0x0: {  	(tag) =	ssettag $0x1  }
0x1: {  	s6 =	rddreg [dreg:$0x0]  }
0x2: {  	s2 =	rddreg [dreg:$0x1]  }
0x3: {  	s0 =	rddreg [dreg:$0x2]  }
0x4: {  	s1 =	stileid.u32;
	s4 =	srdreg.scid  }
0x5: {  	s3 =	simm.s32 $0x0;
	s13 =	simm.s32 $0x4000;
	s14 =	simm.s32 $0x50  }
0x6: {  	s15 =	simm.s32 $0x0;
	s7 =	sand.u32 $0x1, s4;
	s5 =	smul.u32 $0x2800, s1  }
0x7: {  	[smem:$0x7FF] =	sst s3;
	s26 =	sshll.u32 s1, $0xB;
	s11 =	smul.u32 $0x50000, s1  }
0x8: {  	s4 =	sadd.s32 $0x24000, s6;
	s30 =	sshll.u32 s1, $0x6;
	s8 =	smul.u32 $0x28000, s7  }
0x9: {  	_ =	strace $0x8000004A;
	s9 =	sadd.s32 s26, s6;
	s10 =	ssub.s32 $0x2, s7  }
0xa: {  	s31 =	smul.u32 $0x7E00, s7;
	s28 =	sshrl.u32 s10, $0x1;
	s29 =	sshrl.u32 s11, $0x2  }
0xb: {  	s7 =	sadd.s32 $0x76800, s9;
	s8 =	sadd.s32 s5, s8;
	s5 =	sadd.s32 $0x7E800, s6  }
0xc: {  	s10 =	ssub.s32 s10, s28;
	s12 =	sadd.s32 s29, s2;
	s8 =	sadd.s32 s8, s6  }
0xd: {  	s6 =	sor.u32 $0x1C01, s30;
	s9 =	smax.u32 s10, $0x1;
	s10 =	sshrl.u32 s31, $0x2  }
0xe: {  	s11 =	sshrl.u32 s12, $0x3;
	s12 =	simm.s32 $0x1;
	s8 =	sadd.s32 $0x7EE00, s8  }
.LBB2_1:
0xf: {  	[spmem:s11], [sflag:s6] =	dma.local [hbm:s4], $0x2800  }
0x10: {  	_ =	swait.ge [sflag:s12], $0x2800  }
0x11: {  	[sflag:s12] =	ssyncset.done $0x0  }
0x12: {  	[sflag:s12] =	ssyncadd.s32 $0xFFFFD800  }
0x13: {  	[tilespmem:s3], [sflag:$0x1] =	stream.linear.gather [hbm4b:s7+s3], $0x3F00, $0x38;
	[tilespmem:$0x1A800] =	vst v63  }
0x14: {  	_ =	swait.ge [sflag:s12], $0x3F00  }
0x15: {  	[sflag:s12] =	ssyncset.done $0x0  }
0x16: {  	[sflag:s12] =	ssyncadd.s32 $0xFFFFC100  }
0x17: {  	[tilespmem:s13], [sflag:$0x1] =	stream.linear.gather [hbm4b:s5+s3], $0x2800, $0x38;
	[tilespmem:$0x1A800] =	vst v63  }
0x18: {  	_ =	swait.ge [sflag:s12], $0x2800  }
0x19: {  	[sflag:s12] =	ssyncset.done $0x0  }
0x1a: {  	[sflag:s12] =	ssyncadd.s32 $0xFFFFD800  }
0x1b: {  	s16 =	sadd.s32 $0x0, s10;
	[bflag:$0x0] =	sbarrier.arrive $0xFFFF  }
0x1c: {  	[spmem:s2] =	stream.indirect.scatter.add.f32 [tilespmem:s13], [sflag:$0x1], $0x80, s16, s14, $0xb8;
	[tilespmem:$0x1A800] =	vst v63  }
0x1d: {  	s16 =	simm.s32 $0x200;
	_ =	swait.ge [sflag:s12], $0x2800  }
.LBB2_2:
0x1e: {  	s17 =	sshra.s32 s16, $0x2;
	[sflag:s12] =	ssyncset.done $0x0;
	p0 =	sne.s32 s16, $0x7C00  }
.Ltmp0:
0x1f: {  	s17 =	sadd.s32 s17, s10;
	[sflag:s12] =	ssyncadd.s32 $0xFFFFD800;
	(pc) =	sbr.rel @p0 .LBB2_2-.Ltmp0, $3  }
0x20: {  	[spmem:s2] =	stream.indirect.scatter.add.f32 [tilespmem:s13], [sflag:$0x1], $0x80, s17, s14, $0xb8;
	[tilespmem:$0x1A800] =	vst v63  }
0x21: {  	s16 =	sadd.s32 $0x200, s16;
	_ =	sdelay $0x1  }
0x22: {  	_ =	swait.ge [sflag:s12], $0x2800  }
0x23: {  	[sflag:s12] =	ssyncset.done $0x0;
	s15 =	sadd.s32 $0x1, s15  }
0x24: {  	[sflag:s12] =	ssyncadd.s32 $0xFFFFD800;
	p0 =	sne.s32 s15, s9  }
.Ltmp1:
0x25: {  	[bflag:$0x0] =	sbarrier.arrive $0xFFFF;
	(pc) =	sbr.rel @p0 .LBB2_1-.Ltmp1, $4  }
0x26: {  	[hbm:s8], [sflag:s6] =	dma.local [spmem:s11], $0x2800  }
0x27: {  	_ =	swait.ge [sflag:s12], $0x2800  }
0x28: {  	[sflag:s12] =	ssyncset.done $0x0  }
0x29: {  	[sflag:s12] =	ssyncadd.s32 $0xFFFFD800  }
0x2a: {  	_ =	sfence.sel $0x180000  }
0x2b: {  	[bflag:$0x0] =	sbarrier.arrive $0xFFFF  }
0x2c: {  	p0 =	sne.s32 s1, $0x0;
	_ =	strace $0x9000004A  }
0x2d: {  	s0 =	sadd.s32 @!p0 $0x100000, s0;
	[bflag:$0x2] =	sbarrier.arrive $0xFFFF  }
0x2e: {  	[sflag:s0] =	ssyncadd.tile.s32 @!p0 $0x1;
	_ =	shalt  }
.Lfunc_end2:
_tile_overlayer_lowered:
.L_overlay_start_2:
0x2f: {  	(tag) =	ssettag $0x2  }
0x30: {  	s0 =	rddreg [dreg:$0x0];
	s2 =	stileid.u32  }
0x31: {  	s1 =	rddreg [dreg:$0x1];
	p0 =	sne.s32 s2, $0x0  }
0x32: {  	s3 =	rddreg [dreg:$0x2];
	[bflag:$0x3] =	sbarrier.arrive $0xFFFF;
	s2 =	simm.s32 @!p0 $0x1C01  }
0x33: {  	[timem:s3], [sflag:s2] =	dma.local @!p0 [hbm:s0], s1  }
0x34: {  	s0 =	simm.s32 @!p0 $0x1  }
0x35: {  	_ =	swait.ge @!p0 [sflag:s0], s1  }
0x36: {  	s1 =	ssub.s32 @!p0 $0x0, s1;
	[sflag:s0] =	ssyncset.done @!p0 $0x0  }
0x37: {  	[sflag:s0] =	ssyncadd.s32 @!p0 s1  }
0x38: {  	[bflag:$0x3] =	sbarrier.arrive $0xFFFF  }
0x39: {  	_ =	shalt  }

</sc_bundles>
